<compile_context>
chip_gen: v7x
topology: tpu7x:2x2x1
jax: 0.10.2.dev20260603
libtpu: 0.0.44.dev20260713+nightly
codegen_flags: <defaults>
</compile_context>

<pallas_src>
import dataclasses
import functools

import jax
import jax.numpy as jnp
from jax.experimental import pallas as pl
from jax.experimental.pallas import tpu as pltpu
from jax.experimental.pallas import tpu_sc as plsc

_INTERIM = 256
_M = 128
_C_IN = 2 * _INTERIM + 4
_C_OUT = 2 * _M + 4
_L = 16
_CHUNK = 32
_TC_BLK = 512
_SPLIT = 8192
_SCALE = 255.0 / 1.4


def _interp_block(x_vmem, q_vmem, o_vmem):
    @plsc.parallel_loop(0, _CHUNK, 1, unroll=2)
    def _row(r):
        row = jnp.full((_L,), r, dtype=jnp.int32)

        for g in range(0, _M, _L):
            x = q_vmem[r, pl.ds(g, _L)]
            t = x * _SCALE
            t = jnp.minimum(jnp.maximum(t, 0.0), float(_INTERIM - 1))
            lo = jnp.minimum(t.astype(jnp.int32), _INTERIM - 2)
            frac = t - lo.astype(jnp.float32)
            p_lo = plsc.load_gather(x_vmem, [row, lo])
            p_hi = plsc.load_gather(x_vmem, [row, lo + 1])
            t_lo = plsc.load_gather(x_vmem, [row, lo + _INTERIM])
            t_hi = plsc.load_gather(x_vmem, [row, lo + (_INTERIM + 1)])
            o_vmem[r, pl.ds(g, _L)] = p_lo + frac * (p_hi - p_lo)
            o_vmem[r, pl.ds(g + _M, _L)] = t_lo + frac * (t_hi - t_lo)

    iota = jax.lax.iota(jnp.int32, _L)

    @plsc.parallel_loop(0, _CHUNK, _L)
    def _pass(rb):
        rows = iota + rb
        for c in range(4):
            v = plsc.load_gather(
                x_vmem, [rows, jnp.full((_L,), 2 * _INTERIM + c, jnp.int32)])
            plsc.store_scatter(
                o_vmem, [rows, jnp.full((_L,), 2 * _M + c, jnp.int32)], v)


@functools.cache
def _build_sc(rows):
    mesh = plsc.VectorSubcoreMesh(core_axis_name="c", subcore_axis_name="s")
    cp = pltpu.CompilerParams()
    if "needs_layout_passes" in pltpu.CompilerParams.__dataclass_fields__:
        cp = dataclasses.replace(cp, needs_layout_passes=False)

    @functools.partial(
        pl.kernel,
        out_type=jax.ShapeDtypeStruct((rows, _C_OUT), jnp.float32),
        mesh=mesh,
        compiler_params=cp,
    )
    def run(x_hbm, q_hbm, o_hbm):
        pltpu.emit_pipeline(
            _interp_block,
            grid=(rows // _CHUNK,),
            in_specs=[
                pl.BlockSpec((_CHUNK, _C_IN), lambda i: (i, 0)),
                pl.BlockSpec((_CHUNK, _M), lambda i: (i, 0)),
            ],
            out_specs=[pl.BlockSpec((_CHUNK, _C_OUT), lambda i: (i, 0))],
            core_axis_name=("c", "s"),
            dimension_semantics=(pltpu.PARALLEL,),
        )(x_hbm, q_hbm, o_hbm)

    return run


def _tc_body(x_ref, q_ref, o_ref):
    x = q_ref[...]
    t = x * _SCALE
    t = jnp.minimum(jnp.maximum(t, 0.0), float(_INTERIM - 1))
    lo = jnp.minimum(t.astype(jnp.int32), _INTERIM - 2)
    frac = t - lo.astype(jnp.float32)

    def gather4(tab0, tab1, idx):
        i0 = jnp.minimum(idx, _M - 1)
        i1 = jnp.maximum(idx - _M, 0)
        g0 = jnp.take_along_axis(tab0, i0, axis=-1, mode="promise_in_bounds")
        g1 = jnp.take_along_axis(tab1, i1, axis=-1, mode="promise_in_bounds")
        return jnp.where(idx < _M, g0, g1)

    p0 = x_ref[:, 0:_M]
    p1 = x_ref[:, _M:2 * _M]
    t0 = x_ref[:, 2 * _M:3 * _M]
    t1 = x_ref[:, 3 * _M:4 * _M]
    p_lo = gather4(p0, p1, lo)
    p_hi = gather4(p0, p1, lo + 1)
    q_lo = gather4(t0, t1, lo)
    q_hi = gather4(t0, t1, lo + 1)
    o_ref[:, 0:_M] = p_lo + frac * (p_hi - p_lo)
    o_ref[:, _M:2 * _M] = q_lo + frac * (q_hi - q_lo)
    o_ref[:, 2 * _M:_C_OUT] = x_ref[:, 2 * _INTERIM:_C_IN]


@functools.cache
def _build_tc(batch, row_off_blocks):
    return pl.pallas_call(
        _tc_body,
        grid=(batch // _TC_BLK - row_off_blocks,),
        in_specs=[
            pl.BlockSpec((_TC_BLK, _C_IN), lambda i: (i + row_off_blocks, 0)),
            pl.BlockSpec((_TC_BLK, _M), lambda i: (i + row_off_blocks, 0)),
        ],
        out_specs=pl.BlockSpec((_TC_BLK, _C_OUT), lambda i: (i + row_off_blocks, 0)),
        out_shape=jax.ShapeDtypeStruct((batch, _C_OUT), jnp.float32),
    )


def kernel(X, X_original):
    batch = X.shape[0]
    o_sc = _build_sc(_SPLIT)(X, X_original)
    o_tc = _build_tc(batch, _SPLIT // _TC_BLK)(X, X_original)
    return jax.lax.dynamic_update_slice(o_tc, o_sc, (0, 0))

# --- scband reference (transcript-rebuilt; emitter-appended) ---
"""Pipeline reference for scband-reverse-interp-layer-32040456028783 (READ-ONLY COPY).

The authoritative reference and input builder live on the scoring server;
editing this copy changes nothing except your own understanding.
"""

import jax, jax.numpy as jnp
import numpy as np

INTERIM_DIM = 256
X_REF_MIN = 0.0
X_REF_MAX = 1.4


def _batch_interp_regular_1d_grid(x, x_ref_min, x_ref_max, y_ref):
    """Faithful port of tfp.math.batch_interp_regular_1d_grid with the default
    fill_value='constant_extension' (clamp to edge values).
    x: [B, M] query points; y_ref: [B, N] values on a regular grid spanning
    [x_ref_min, x_ref_max] with N points.
    """
    N = y_ref.shape[-1]
    # fractional index into the regular grid
    t = (x - x_ref_min) / (x_ref_max - x_ref_min) * (N - 1)
    # constant extension: clamp queries to grid range
    t = jnp.clip(t, 0.0, float(N - 1))
    lo = jnp.clip(jnp.floor(t).astype(jnp.int32), 0, N - 2)
    frac = t - lo.astype(t.dtype)
    y_lo = jnp.take_along_axis(y_ref, lo, axis=-1)
    y_hi = jnp.take_along_axis(y_ref, lo + 1, axis=-1)
    return y_lo * (1.0 - frac) + y_hi * frac


def setup_inputs(seed: int = 0) -> dict:
    key = jax.random.key(seed)
    k1, k2 = jax.random.split(key)
    X = jax.random.normal(k1, (16384, 2 * INTERIM_DIM + 4), dtype=jnp.float32)
    # query coordinates in [0, 1) which lies inside the fixed ref range [0, 1.4]
    X_original = jax.random.uniform(k2, (16384, 128), dtype=jnp.float32)
    return {"X": X, "X_original": X_original}


def reference(X, X_original):
    y_ref_pressure = X[:, :INTERIM_DIM]
    y_ref_temperature = X[:, INTERIM_DIM:2 * INTERIM_DIM]
    y_pressure = _batch_interp_regular_1d_grid(X_original, X_REF_MIN, X_REF_MAX, y_ref_pressure)
    y_temperature = _batch_interp_regular_1d_grid(X_original, X_REF_MIN, X_REF_MAX, y_ref_temperature)
    y_tilde_before = jnp.concatenate([y_pressure, y_temperature, X[:, 2 * INTERIM_DIM:]], axis=1)
    return y_tilde_before

if __name__ == "__main__":
    import jax
    _d = setup_inputs()
    print(jax.jit(kernel)(*tuple(_d.values())))

</pallas_src>

<mosaic_0001>
#map = affine_map<(d0, d1) -> (0, 0)>
module attributes {stable_mosaic.version = 14 : i64} {
  func.func @run(%arg0: i32, %arg1: i32, %arg2: memref<16384x516xf32, #tpu.memory_space<hbm>>, %arg3: memref<16384x128xf32, #tpu.memory_space<hbm>>, %arg4: memref<8192x260xf32, #tpu.memory_space<hbm>>) attributes {dimension_semantics = [#tpu.dimension_semantics<core_parallel>, #tpu.dimension_semantics<subcore_parallel>], iteration_bounds = array<i64: 2, 16>, scalar_prefetch = 0 : i64, scratch_operands = 0 : i64, tpu.core_type = #tpu.core_type<sc_vector_subcore>, window_params = [{transform_indices = #map}, {transform_indices = #map}, {transform_indices = #map}]} {
    %mul3A = arith.constant 1 : i32
    %mul3A_0 = arith.muli %arg1, %mul3A : i32
    %add3A = arith.constant 0 : i32
    %add3A_1 = arith.addi %add3A, %mul3A_0 : i32
    %mul3A_2 = arith.constant 16 : i32
    %mul3A_3 = arith.muli %arg0, %mul3A_2 : i32
    %add3A_4 = arith.addi %add3A_1, %mul3A_3 : i32
    %mul3A_5 = arith.constant 8 : i32
    %mul3A_6 = arith.muli %add3A_4, %mul3A_5 : i32
    "tpu.region"() ({
      %run_scoped3A = memref.alloca() : memref<2x32x516xf32, #tpu.memory_space<vmem>>
      %run_scoped3A_7 = tpu.sem_alloc : memref<2x!tpu.dma_semaphore, #tpu.memory_space<semaphore_mem>>
      %run_scoped3A_8 = memref.alloca() : memref<2x32x128xf32, #tpu.memory_space<vmem>>
      %run_scoped3A_9 = tpu.sem_alloc : memref<2x!tpu.dma_semaphore, #tpu.memory_space<semaphore_mem>>
      %run_scoped3A_10 = memref.alloca() : memref<2x32x260xf32, #tpu.memory_space<vmem>>
      %run_scoped3A_11 = tpu.sem_alloc : memref<2x!tpu.dma_semaphore, #tpu.memory_space<semaphore_mem>>
      %add3A_12 = arith.constant 0 : i32
      %add3A_13 = arith.addi %add3A_12, %mul3A_6 : i32
      %select_n3A = arith.constant true
      %select_n3A_14 = arith.constant 0 : i32
      %select_n3A_15 = arith.constant -1 : i32
      %select_n3A_16 = arith.select %select_n3A, %select_n3A_15, %select_n3A_14 : i32
      %eq3A = arith.constant -1 : i32
      %eq3A_17 = arith.cmpi eq, %select_n3A_16, %eq3A : i32
      %select_n3A_18 = arith.constant 7 : i32
      %select_n3A_19 = arith.select %eq3A_17, %select_n3A_18, %select_n3A_16 : i32
      %add3A_20 = arith.addi %select_n3A_19, %mul3A_6 : i32
      %select_n3A_21 = arith.constant true
      %select_n3A_22 = arith.constant 0 : i32
      %select_n3A_23 = arith.constant 1 : i32
      %select_n3A_24 = arith.select %select_n3A_21, %select_n3A_23, %select_n3A_22 : i32
      %eq3A_25 = arith.constant 8 : i32
      %eq3A_26 = arith.cmpi eq, %select_n3A_24, %eq3A_25 : i32
      %select_n3A_27 = arith.constant 0 : i32
      %select_n3A_28 = arith.select %eq3A_26, %select_n3A_27, %select_n3A_24 : i32
      %add3A_29 = arith.addi %select_n3A_28, %mul3A_6 : i32
      %add3A_30 = arith.constant 1 : i32
      %add3A_31 = arith.addi %select_n3A_28, %add3A_30 : i32
      %select_n3A_32 = arith.constant true
      %select_n3A_33 = arith.select %select_n3A_32, %add3A_31, %select_n3A_28 : i32
      %eq3A_34 = arith.constant 8 : i32
      %eq3A_35 = arith.cmpi eq, %select_n3A_33, %eq3A_34 : i32
      %select_n3A_36 = arith.constant 0 : i32
      %select_n3A_37 = arith.select %eq3A_35, %select_n3A_36, %select_n3A_33 : i32
      %add3A_38 = arith.addi %select_n3A_37, %mul3A_6 : i32
      "tpu.trace_start"() <{level = 10 : i32, message = "ep_initialize_0"}> : () -> ()
      %rem3A = arith.constant 0 : i32
      %rem3A_39 = arith.constant 2 : i32
      %rem3A_40 = arith.remui %rem3A, %rem3A_39 : i32
      %mul3A_41 = arith.constant 32 : i32
      %mul3A_42 = arith.muli %mul3A_41, %add3A_13 : i32
      %dma_start3A = arith.constant 0 : i32
      %dma_start3A_43 = arith.constant 0 : i32
      %dma_start3A_44 = tpu.memref_slice %run_scoped3A[%rem3A_40, %dma_start3A, %dma_start3A_43] : memref<2x32x516xf32, #tpu.memory_space<vmem>> -> memref<1x32x516xf32, #tpu.memory_space<vmem>>
      %dma_start3A_45 = tpu.memref_squeeze %dma_start3A_44 : memref<1x32x516xf32, #tpu.memory_space<vmem>> -> memref<32x516xf32, #tpu.memory_space<vmem>>
      %dma_start3A_46 = arith.constant 0 : i32
      %dma_start3A_47 = tpu.memref_slice %arg2[%mul3A_42, %dma_start3A_46] : memref<16384x516xf32, #tpu.memory_space<hbm>> -> memref<32x516xf32, #tpu.memory_space<hbm>>
      %dma_start3A_48 = tpu.memref_slice %run_scoped3A_7[%rem3A_40] : memref<2x!tpu.dma_semaphore, #tpu.memory_space<semaphore_mem>> -> memref<1x!tpu.dma_semaphore, #tpu.memory_space<semaphore_mem>>
      %dma_start3A_49 = tpu.memref_squeeze %dma_start3A_48 : memref<1x!tpu.dma_semaphore, #tpu.memory_space<semaphore_mem>> -> memref<!tpu.dma_semaphore, #tpu.memory_space<semaphore_mem>>
      %dma_start3A_50 = arith.constant 0 : i32
      %dma_start3A_51 = arith.constant 0 : i32
      %dma_start3A_52 = tpu.memref_slice %run_scoped3A[%rem3A_40, %dma_start3A_50, %dma_start3A_51] : memref<2x32x516xf32, #tpu.memory_space<vmem>> -> memref<1x32x516xf32, #tpu.memory_space<vmem>>
      %dma_start3A_53 = tpu.memref_squeeze %dma_start3A_52 : memref<1x32x516xf32, #tpu.memory_space<vmem>> -> memref<32x516xf32, #tpu.memory_space<vmem>>
      %dma_start3A_54 = arith.constant 0 : i32
      %dma_start3A_55 = tpu.memref_slice %arg2[%mul3A_42, %dma_start3A_54] : memref<16384x516xf32, #tpu.memory_space<hbm>> -> memref<32x516xf32, #tpu.memory_space<hbm>>
      tpu.enqueue_dma source(%dma_start3A_55 : memref<32x516xf32, #tpu.memory_space<hbm>>) target(%dma_start3A_53 : memref<32x516xf32, #tpu.memory_space<vmem>>) target_semaphore(%dma_start3A_49 : memref<!tpu.dma_semaphore, #tpu.memory_space<semaphore_mem>>)
      %add3A_56 = arith.constant 0 : i32
      %add3A_57 = arith.constant 1 : i32
      %add3A_58 = arith.addi %add3A_56, %add3A_57 : i32
      %select_n3A_59 = arith.constant true
      %select_n3A_60 = arith.constant 0 : i32
      %select_n3A_61 = arith.select %select_n3A_59, %add3A_58, %select_n3A_60 : i32
      %rem3A_62 = arith.constant 0 : i32
      %rem3A_63 = arith.constant 2 : i32
      %rem3A_64 = arith.remui %rem3A_62, %rem3A_63 : i32
      %mul3A_65 = arith.constant 32 : i32
      %mul3A_66 = arith.muli %mul3A_65, %add3A_13 : i32
      %dma_start3A_67 = arith.constant 0 : i32
      %dma_start3A_68 = arith.constant 0 : i32
      %dma_start3A_69 = tpu.memref_slice %run_scoped3A_8[%rem3A_64, %dma_start3A_67, %dma_start3A_68] : memref<2x32x128xf32, #tpu.memory_space<vmem>> -> memref<1x32x128xf32, #tpu.memory_space<vmem>>
      %dma_start3A_70 = tpu.memref_squeeze %dma_start3A_69 : memref<1x32x128xf32, #tpu.memory_space<vmem>> -> memref<32x128xf32, #tpu.memory_space<vmem>>
      %dma_start3A_71 = arith.constant 0 : i32
      %dma_start3A_72 = tpu.memref_slice %arg3[%mul3A_66, %dma_start3A_71] : memref<16384x128xf32, #tpu.memory_space<hbm>> -> memref<32x128xf32, #tpu.memory_space<hbm>>
      %dma_start3A_73 = tpu.memref_slice %run_scoped3A_9[%rem3A_64] : memref<2x!tpu.dma_semaphore, #tpu.memory_space<semaphore_mem>> -> memref<1x!tpu.dma_semaphore, #tpu.memory_space<semaphore_mem>>
      %dma_start3A_74 = tpu.memref_squeeze %dma_start3A_73 : memref<1x!tpu.dma_semaphore, #tpu.memory_space<semaphore_mem>> -> memref<!tpu.dma_semaphore, #tpu.memory_space<semaphore_mem>>
      %dma_start3A_75 = arith.constant 0 : i32
      %dma_start3A_76 = arith.constant 0 : i32
      %dma_start3A_77 = tpu.memref_slice %run_scoped3A_8[%rem3A_64, %dma_start3A_75, %dma_start3A_76] : memref<2x32x128xf32, #tpu.memory_space<vmem>> -> memref<1x32x128xf32, #tpu.memory_space<vmem>>
      %dma_start3A_78 = tpu.memref_squeeze %dma_start3A_77 : memref<1x32x128xf32, #tpu.memory_space<vmem>> -> memref<32x128xf32, #tpu.memory_space<vmem>>
      %dma_start3A_79 = arith.constant 0 : i32
      %dma_start3A_80 = tpu.memref_slice %arg3[%mul3A_66, %dma_start3A_79] : memref<16384x128xf32, #tpu.memory_space<hbm>> -> memref<32x128xf32, #tpu.memory_space<hbm>>
      tpu.enqueue_dma source(%dma_start3A_80 : memref<32x128xf32, #tpu.memory_space<hbm>>) target(%dma_start3A_78 : memref<32x128xf32, #tpu.memory_space<vmem>>) target_semaphore(%dma_start3A_74 : memref<!tpu.dma_semaphore, #tpu.memory_space<semaphore_mem>>)
      %add3A_81 = arith.constant 0 : i32
      %add3A_82 = arith.constant 1 : i32
      %add3A_83 = arith.addi %add3A_81, %add3A_82 : i32
      %select_n3A_84 = arith.constant true
      %select_n3A_85 = arith.constant 0 : i32
      %select_n3A_86 = arith.select %select_n3A_84, %add3A_83, %select_n3A_85 : i32
      "tpu.trace_stop"() : () -> ()
      %scan3A = arith.constant 0 : i32
      %scan3A_87 = arith.constant 0 : i32
      %scan3A_88 = arith.constant 0 : i32
      %scan3A_89 = arith.constant 0 : i32
      %scan3A_90 = arith.constant 0 : i32
      %scan3A_91 = arith.constant 0 : i32
      %scan3A_92 = arith.constant 8 : i32
      %scan3A_93 = arith.addi %scan3A_91, %scan3A_92 : i32
      %scan3A_94 = arith.constant 1 : i32
      %scan3A_95:7 = scf.for %scan3A_149 = %scan3A_91 to %scan3A_93 step %scan3A_94 iter_args(%scan3A_150 = %select_n3A_61, %scan3A_151 = %scan3A, %scan3A_152 = %select_n3A_86, %scan3A_153 = %scan3A_87, %scan3A_154 = %scan3A_88, %scan3A_155 = %scan3A_89, %scan3A_156 = %scan3A_90) -> (i32, i32, i32, i32, i32, i32, i32)  : i32 {
        %eq3A_157 = arith.constant 0 : i32
        %eq3A_158 = arith.cmpi eq, %scan3A_149, %eq3A_157 : i32
        %eq3A_159 = arith.constant 7 : i32
        %eq3A_160 = arith.cmpi eq, %scan3A_149, %eq3A_159 : i32
        %add3A_161 = arith.addi %scan3A_156, %mul3A_6 : i32
        %sub3A_162 = arith.constant 1 : i32
        %sub3A_163 = arith.subi %scan3A_156, %sub3A_162 : i32
        %select_n3A_164 = arith.constant true
        %select_n3A_165 = arith.select %select_n3A_164, %sub3A_163, %scan3A_156 : i32
        %eq3A_166 = arith.constant -1 : i32
        %eq3A_167 = arith.cmpi eq, %select_n3A_165, %eq3A_166 : i32
        %select_n3A_168 = arith.constant 7 : i32
        %select_n3A_169 = arith.select %eq3A_167, %select_n3A_168, %select_n3A_165 : i32
        %add3A_170 = arith.addi %select_n3A_169, %mul3A_6 : i32
        %add3A_171 = arith.constant 1 : i32
        %add3A_172 = arith.addi %scan3A_156, %add3A_171 : i32
        %select_n3A_173 = arith.constant true
        %select_n3A_174 = arith.select %select_n3A_173, %add3A_172, %scan3A_156 : i32
        %eq3A_175 = arith.constant 8 : i32
        %eq3A_176 = arith.cmpi eq, %select_n3A_174, %eq3A_175 : i32
        %select_n3A_177 = arith.constant 0 : i32
        %select_n3A_178 = arith.select %eq3A_176, %select_n3A_177, %select_n3A_174 : i32
        %add3A_179 = arith.addi %select_n3A_178, %mul3A_6 : i32
        %add3A_180 = arith.constant 1 : i32
        %add3A_181 = arith.addi %select_n3A_178, %add3A_180 : i32
        %select_n3A_182 = arith.constant true
        %select_n3A_183 = arith.select %select_n3A_182, %add3A_181, %select_n3A_178 : i32
        %eq3A_184 = arith.constant 8 : i32
        %eq3A_185 = arith.cmpi eq, %select_n3A_183, %eq3A_184 : i32
        %select_n3A_186 = arith.constant 0 : i32
        %select_n3A_187 = arith.select %eq3A_185, %select_n3A_186, %select_n3A_183 : i32
        %add3A_188 = arith.addi %select_n3A_187, %mul3A_6 : i32
        %ne3A = arith.cmpi ne, %add3A_161, %add3A_179 : i32
        %or3A = arith.constant false
        %or3A_189 = arith.ori %or3A, %ne3A : i1
        %or3A_190 = arith.constant false
        %or3A_191 = arith.ori %or3A_189, %or3A_190 : i1
        %ge3A = arith.constant 7 : i32
        %ge3A_192 = arith.cmpi sge, %scan3A_149, %ge3A : i32
        %not3A = arith.constant true
        %not3A_193 = arith.xori %ge3A_192, %not3A : i1
        %and3A = arith.andi %or3A_191, %not3A_193 : i1
        %convert_element_type3A = arith.extui %and3A : i1 to i32
        %cond3A = arith.constant 0 : i32
        %cond3A_194 = arith.cmpi ne, %convert_element_type3A, %cond3A : i32
        scf.if %cond3A_194 {
          "tpu.trace_start"() <{level = 10 : i32, message = "ep_copy_in"}> : () -> ()
          %rem3A_370 = arith.constant 2 : i32
          %rem3A_371 = arith.remui %scan3A_150, %rem3A_370 : i32
          %mul3A_372 = arith.constant 32 : i32
          %mul3A_373 = arith.muli %mul3A_372, %add3A_179 : i32
          %dma_start3A_374 = arith.constant 0 : i32
          %dma_start3A_375 = arith.constant 0 : i32
          %dma_start3A_376 = tpu.memref_slice %run_scoped3A[%rem3A_371, %dma_start3A_374, %dma_start3A_375] : memref<2x32x516xf32, #tpu.memory_space<vmem>> -> memref<1x32x516xf32, #tpu.memory_space<vmem>>
          %dma_start3A_377 = tpu.memref_squeeze %dma_start3A_376 : memref<1x32x516xf32, #tpu.memory_space<vmem>> -> memref<32x516xf32, #tpu.memory_space<vmem>>
          %dma_start3A_378 = arith.constant 0 : i32
          %dma_start3A_379 = tpu.memref_slice %arg2[%mul3A_373, %dma_start3A_378] : memref<16384x516xf32, #tpu.memory_space<hbm>> -> memref<32x516xf32, #tpu.memory_space<hbm>>
          %dma_start3A_380 = tpu.memref_slice %run_scoped3A_7[%rem3A_371] : memref<2x!tpu.dma_semaphore, #tpu.memory_space<semaphore_mem>> -> memref<1x!tpu.dma_semaphore, #tpu.memory_space<semaphore_mem>>
          %dma_start3A_381 = tpu.memref_squeeze %dma_start3A_380 : memref<1x!tpu.dma_semaphore, #tpu.memory_space<semaphore_mem>> -> memref<!tpu.dma_semaphore, #tpu.memory_space<semaphore_mem>>
          %dma_start3A_382 = arith.constant 0 : i32
          %dma_start3A_383 = arith.constant 0 : i32
          %dma_start3A_384 = tpu.memref_slice %run_scoped3A[%rem3A_371, %dma_start3A_382, %dma_start3A_383] : memref<2x32x516xf32, #tpu.memory_space<vmem>> -> memref<1x32x516xf32, #tpu.memory_space<vmem>>
          %dma_start3A_385 = tpu.memref_squeeze %dma_start3A_384 : memref<1x32x516xf32, #tpu.memory_space<vmem>> -> memref<32x516xf32, #tpu.memory_space<vmem>>
          %dma_start3A_386 = arith.constant 0 : i32
          %dma_start3A_387 = tpu.memref_slice %arg2[%mul3A_373, %dma_start3A_386] : memref<16384x516xf32, #tpu.memory_space<hbm>> -> memref<32x516xf32, #tpu.memory_space<hbm>>
          tpu.enqueue_dma source(%dma_start3A_387 : memref<32x516xf32, #tpu.memory_space<hbm>>) target(%dma_start3A_385 : memref<32x516xf32, #tpu.memory_space<vmem>>) target_semaphore(%dma_start3A_381 : memref<!tpu.dma_semaphore, #tpu.memory_space<semaphore_mem>>)
          "tpu.trace_stop"() : () -> ()
        } else {
        }
        %and3A_195 = arith.constant true
        %and3A_196 = arith.andi %and3A, %and3A_195 : i1
        %add3A_197 = arith.constant 1 : i32
        %add3A_198 = arith.addi %scan3A_150, %add3A_197 : i32
        %select_n3A_199 = arith.select %and3A_196, %add3A_198, %scan3A_150 : i32
        %ne3A_200 = arith.cmpi ne, %add3A_161, %add3A_179 : i32
        %or3A_201 = arith.constant false
        %or3A_202 = arith.ori %or3A_201, %ne3A_200 : i1
        %or3A_203 = arith.constant false
        %or3A_204 = arith.ori %or3A_202, %or3A_203 : i1
        %ge3A_205 = arith.constant 7 : i32
        %ge3A_206 = arith.cmpi sge, %scan3A_149, %ge3A_205 : i32
        %not3A_207 = arith.constant true
        %not3A_208 = arith.xori %ge3A_206, %not3A_207 : i1
        %and3A_209 = arith.andi %or3A_204, %not3A_208 : i1
        %convert_element_type3A_210 = arith.extui %and3A_209 : i1 to i32
        %cond3A_211 = arith.constant 0 : i32
        %cond3A_212 = arith.cmpi ne, %convert_element_type3A_210, %cond3A_211 : i32
        scf.if %cond3A_212 {
          "tpu.trace_start"() <{level = 10 : i32, message = "ep_copy_in"}> : () -> ()
          %rem3A_370 = arith.constant 2 : i32
          %rem3A_371 = arith.remui %scan3A_152, %rem3A_370 : i32
          %mul3A_372 = arith.constant 32 : i32
          %mul3A_373 = arith.muli %mul3A_372, %add3A_179 : i32
          %dma_start3A_374 = arith.constant 0 : i32
          %dma_start3A_375 = arith.constant 0 : i32
          %dma_start3A_376 = tpu.memref_slice %run_scoped3A_8[%rem3A_371, %dma_start3A_374, %dma_start3A_375] : memref<2x32x128xf32, #tpu.memory_space<vmem>> -> memref<1x32x128xf32, #tpu.memory_space<vmem>>
          %dma_start3A_377 = tpu.memref_squeeze %dma_start3A_376 : memref<1x32x128xf32, #tpu.memory_space<vmem>> -> memref<32x128xf32, #tpu.memory_space<vmem>>
          %dma_start3A_378 = arith.constant 0 : i32
          %dma_start3A_379 = tpu.memref_slice %arg3[%mul3A_373, %dma_start3A_378] : memref<16384x128xf32, #tpu.memory_space<hbm>> -> memref<32x128xf32, #tpu.memory_space<hbm>>
          %dma_start3A_380 = tpu.memref_slice %run_scoped3A_9[%rem3A_371] : memref<2x!tpu.dma_semaphore, #tpu.memory_space<semaphore_mem>> -> memref<1x!tpu.dma_semaphore, #tpu.memory_space<semaphore_mem>>
          %dma_start3A_381 = tpu.memref_squeeze %dma_start3A_380 : memref<1x!tpu.dma_semaphore, #tpu.memory_space<semaphore_mem>> -> memref<!tpu.dma_semaphore, #tpu.memory_space<semaphore_mem>>
          %dma_start3A_382 = arith.constant 0 : i32
          %dma_start3A_383 = arith.constant 0 : i32
          %dma_start3A_384 = tpu.memref_slice %run_scoped3A_8[%rem3A_371, %dma_start3A_382, %dma_start3A_383] : memref<2x32x128xf32, #tpu.memory_space<vmem>> -> memref<1x32x128xf32, #tpu.memory_space<vmem>>
          %dma_start3A_385 = tpu.memref_squeeze %dma_start3A_384 : memref<1x32x128xf32, #tpu.memory_space<vmem>> -> memref<32x128xf32, #tpu.memory_space<vmem>>
          %dma_start3A_386 = arith.constant 0 : i32
          %dma_start3A_387 = tpu.memref_slice %arg3[%mul3A_373, %dma_start3A_386] : memref<16384x128xf32, #tpu.memory_space<hbm>> -> memref<32x128xf32, #tpu.memory_space<hbm>>
          tpu.enqueue_dma source(%dma_start3A_387 : memref<32x128xf32, #tpu.memory_space<hbm>>) target(%dma_start3A_385 : memref<32x128xf32, #tpu.memory_space<vmem>>) target_semaphore(%dma_start3A_381 : memref<!tpu.dma_semaphore, #tpu.memory_space<semaphore_mem>>)
          "tpu.trace_stop"() : () -> ()
        } else {
        }
        %and3A_213 = arith.constant true
        %and3A_214 = arith.andi %and3A_209, %and3A_213 : i1
        %add3A_215 = arith.constant 1 : i32
        %add3A_216 = arith.addi %scan3A_152, %add3A_215 : i32
        %select_n3A_217 = arith.select %and3A_214, %add3A_216, %scan3A_152 : i32
        %ne3A_218 = arith.cmpi ne, %add3A_161, %add3A_179 : i32
        %or3A_219 = arith.constant false
        %or3A_220 = arith.ori %or3A_219, %ne3A_218 : i1
        %or3A_221 = arith.constant false
        %or3A_222 = arith.ori %or3A_220, %or3A_221 : i1
        %ge3A_223 = arith.constant 7 : i32
        %ge3A_224 = arith.cmpi sge, %scan3A_149, %ge3A_223 : i32
        %not3A_225 = arith.constant true
        %not3A_226 = arith.xori %ge3A_224, %not3A_225 : i1
        %and3A_227 = arith.andi %or3A_222, %not3A_226 : i1
        %ne3A_228 = arith.cmpi ne, %add3A_161, %add3A_170 : i32
        %or3A_229 = arith.constant false
        %or3A_230 = arith.ori %or3A_229, %ne3A_228 : i1
        %or3A_231 = arith.constant false
        %or3A_232 = arith.ori %or3A_230, %or3A_231 : i1
        %or3A_233 = arith.ori %or3A_232, %eq3A_158 : i1
        %convert_element_type3A_234 = arith.extui %or3A_233 : i1 to i32
        %cond3A_235 = arith.constant 0 : i32
        %cond3A_236 = arith.cmpi ne, %convert_element_type3A_234, %cond3A_235 : i32
        scf.if %cond3A_236 {
          "tpu.trace_start"() <{level = 10 : i32, message = "ep_wait_in"}> : () -> ()
          %mul3A_370 = arith.constant 32 : i32
          %mul3A_371 = arith.muli %mul3A_370, %add3A_161 : i32
          %rem3A_372 = arith.constant 2 : i32
          %rem3A_373 = arith.remui %scan3A_151, %rem3A_372 : i32
          %dma_wait3A_374 = arith.constant 0 : i32
          %dma_wait3A_375 = arith.constant 0 : i32
          %dma_wait3A_376 = tpu.memref_slice %run_scoped3A[%rem3A_373, %dma_wait3A_374, %dma_wait3A_375] : memref<2x32x516xf32, #tpu.memory_space<vmem>> -> memref<1x32x516xf32, #tpu.memory_space<vmem>>
          %dma_wait3A_377 = tpu.memref_squeeze %dma_wait3A_376 : memref<1x32x516xf32, #tpu.memory_space<vmem>> -> memref<32x516xf32, #tpu.memory_space<vmem>>
          %dma_wait3A_378 = arith.constant 0 : i32
          %dma_wait3A_379 = tpu.memref_slice %arg2[%mul3A_371, %dma_wait3A_378] : memref<16384x516xf32, #tpu.memory_space<hbm>> -> memref<32x516xf32, #tpu.memory_space<hbm>>
          %dma_wait3A_380 = tpu.memref_slice %run_scoped3A_7[%rem3A_373] : memref<2x!tpu.dma_semaphore, #tpu.memory_space<semaphore_mem>> -> memref<1x!tpu.dma_semaphore, #tpu.memory_space<semaphore_mem>>
          %dma_wait3A_381 = tpu.memref_squeeze %dma_wait3A_380 : memref<1x!tpu.dma_semaphore, #tpu.memory_space<semaphore_mem>> -> memref<!tpu.dma_semaphore, #tpu.memory_space<semaphore_mem>>
          %dma_wait3A_382 = arith.constant 0 : i32
          %dma_wait3A_383 = arith.constant 0 : i32
          %dma_wait3A_384 = tpu.memref_slice %run_scoped3A[%rem3A_373, %dma_wait3A_382, %dma_wait3A_383] : memref<2x32x516xf32, #tpu.memory_space<vmem>> -> memref<1x32x516xf32, #tpu.memory_space<vmem>>
          %dma_wait3A_385 = tpu.memref_squeeze %dma_wait3A_384 : memref<1x32x516xf32, #tpu.memory_space<vmem>> -> memref<32x516xf32, #tpu.memory_space<vmem>>
          %dma_wait3A_386 = arith.constant 0 : i32
          %dma_wait3A_387 = tpu.memref_slice %arg2[%mul3A_371, %dma_wait3A_386] : memref<16384x516xf32, #tpu.memory_space<hbm>> -> memref<32x516xf32, #tpu.memory_space<hbm>>
          tpu.wait_dma2 semaphore(%dma_wait3A_381 : memref<!tpu.dma_semaphore, #tpu.memory_space<semaphore_mem>>) src(%dma_wait3A_387 : memref<32x516xf32, #tpu.memory_space<hbm>>) dst(%dma_wait3A_385 : memref<32x516xf32, #tpu.memory_space<vmem>>)
          "tpu.trace_stop"() : () -> ()
        } else {
        }
        %ne3A_237 = arith.cmpi ne, %add3A_161, %add3A_170 : i32
        %or3A_238 = arith.constant false
        %or3A_239 = arith.ori %or3A_238, %ne3A_237 : i1
        %or3A_240 = arith.constant false
        %or3A_241 = arith.ori %or3A_239, %or3A_240 : i1
        %or3A_242 = arith.ori %or3A_241, %eq3A_158 : i1
        %convert_element_type3A_243 = arith.extui %or3A_242 : i1 to i32
        %cond3A_244 = arith.constant 0 : i32
        %cond3A_245 = arith.cmpi ne, %convert_element_type3A_243, %cond3A_244 : i32
        scf.if %cond3A_245 {
          "tpu.trace_start"() <{level = 10 : i32, message = "ep_wait_in"}> : () -> ()
          %mul3A_370 = arith.constant 32 : i32
          %mul3A_371 = arith.muli %mul3A_370, %add3A_161 : i32
          %rem3A_372 = arith.constant 2 : i32
          %rem3A_373 = arith.remui %scan3A_153, %rem3A_372 : i32
          %dma_wait3A_374 = arith.constant 0 : i32
          %dma_wait3A_375 = arith.constant 0 : i32
          %dma_wait3A_376 = tpu.memref_slice %run_scoped3A_8[%rem3A_373, %dma_wait3A_374, %dma_wait3A_375] : memref<2x32x128xf32, #tpu.memory_space<vmem>> -> memref<1x32x128xf32, #tpu.memory_space<vmem>>
          %dma_wait3A_377 = tpu.memref_squeeze %dma_wait3A_376 : memref<1x32x128xf32, #tpu.memory_space<vmem>> -> memref<32x128xf32, #tpu.memory_space<vmem>>
          %dma_wait3A_378 = arith.constant 0 : i32
          %dma_wait3A_379 = tpu.memref_slice %arg3[%mul3A_371, %dma_wait3A_378] : memref<16384x128xf32, #tpu.memory_space<hbm>> -> memref<32x128xf32, #tpu.memory_space<hbm>>
          %dma_wait3A_380 = tpu.memref_slice %run_scoped3A_9[%rem3A_373] : memref<2x!tpu.dma_semaphore, #tpu.memory_space<semaphore_mem>> -> memref<1x!tpu.dma_semaphore, #tpu.memory_space<semaphore_mem>>
          %dma_wait3A_381 = tpu.memref_squeeze %dma_wait3A_380 : memref<1x!tpu.dma_semaphore, #tpu.memory_space<semaphore_mem>> -> memref<!tpu.dma_semaphore, #tpu.memory_space<semaphore_mem>>
          %dma_wait3A_382 = arith.constant 0 : i32
          %dma_wait3A_383 = arith.constant 0 : i32
          %dma_wait3A_384 = tpu.memref_slice %run_scoped3A_8[%rem3A_373, %dma_wait3A_382, %dma_wait3A_383] : memref<2x32x128xf32, #tpu.memory_space<vmem>> -> memref<1x32x128xf32, #tpu.memory_space<vmem>>
          %dma_wait3A_385 = tpu.memref_squeeze %dma_wait3A_384 : memref<1x32x128xf32, #tpu.memory_space<vmem>> -> memref<32x128xf32, #tpu.memory_space<vmem>>
          %dma_wait3A_386 = arith.constant 0 : i32
          %dma_wait3A_387 = tpu.memref_slice %arg3[%mul3A_371, %dma_wait3A_386] : memref<16384x128xf32, #tpu.memory_space<hbm>> -> memref<32x128xf32, #tpu.memory_space<hbm>>
          tpu.wait_dma2 semaphore(%dma_wait3A_381 : memref<!tpu.dma_semaphore, #tpu.memory_space<semaphore_mem>>) src(%dma_wait3A_387 : memref<32x128xf32, #tpu.memory_space<hbm>>) dst(%dma_wait3A_385 : memref<32x128xf32, #tpu.memory_space<vmem>>)
          "tpu.trace_stop"() : () -> ()
        } else {
        }
        %ne3A_246 = arith.cmpi ne, %add3A_161, %add3A_170 : i32
        %or3A_247 = arith.constant false
        %or3A_248 = arith.ori %or3A_247, %ne3A_246 : i1
        %or3A_249 = arith.constant false
        %or3A_250 = arith.ori %or3A_248, %or3A_249 : i1
        %or3A_251 = arith.ori %or3A_250, %eq3A_158 : i1
        %convert_element_type3A_252 = arith.extui %or3A_251 : i1 to i32
        %cond3A_253 = arith.constant 0 : i32
        %cond3A_254 = arith.cmpi ne, %convert_element_type3A_252, %cond3A_253 : i32
        scf.if %cond3A_254 {
        } else {
        }
        %rem3A_255 = arith.constant 2 : i32
        %rem3A_256 = arith.remui %scan3A_151, %rem3A_255 : i32
        %rem3A_257 = arith.constant 2 : i32
        %rem3A_258 = arith.remui %scan3A_153, %rem3A_257 : i32
        %rem3A_259 = arith.constant 2 : i32
        %rem3A_260 = arith.remui %scan3A_154, %rem3A_259 : i32
        %parallel_loop3A = arith.constant 0 : i32
        %parallel_loop3A_261 = arith.constant 32 : i32
        %parallel_loop3A_262 = arith.constant 1 : i32
        "tpu.trace_start"() <{level = 10 : i32, message = "ep_run_kernel"}> : () -> ()
        scf.for %parallel_loop3A_370 = %parallel_loop3A to %parallel_loop3A_261 step %parallel_loop3A_262  : i32 {
          %parallel_loop3A_371 = vector.broadcast %parallel_loop3A_370 : i32 to vector<16xi32>
          %parallel_loop3A_372 = arith.constant 0 : i32
          %parallel_loop3A_373 = arith.constant 0 : i32
          %parallel_loop3A_374 = tpu.memref_slice %run_scoped3A_8[%rem3A_258, %parallel_loop3A_372, %parallel_loop3A_373] : memref<2x32x128xf32, #tpu.memory_space<vmem>> -> memref<1x32x128xf32, #tpu.memory_space<vmem>>
          %parallel_loop3A_375 = tpu.memref_squeeze %parallel_loop3A_374 : memref<1x32x128xf32, #tpu.memory_space<vmem>> -> memref<32x128xf32, #tpu.memory_space<vmem>>
          %parallel_loop3A_376 = arith.index_cast %parallel_loop3A_370 : i32 to index
          %parallel_loop3A_377 = arith.constant 0 : index
          %parallel_loop3A_378 = tpu.vector_load %parallel_loop3A_375[%parallel_loop3A_376, %parallel_loop3A_377] {strides = array<i32>} : memref<32x128xf32, #tpu.memory_space<vmem>>, vector<16xf32>,
          %parallel_loop3A_379 = arith.constant 182.142853 : f32
          %parallel_loop3A_380 = vector.broadcast %parallel_loop3A_379 : f32 to vector<16xf32>
          %parallel_loop3A_381 = arith.mulf %parallel_loop3A_378, %parallel_loop3A_380 : vector<16xf32>
          %parallel_loop3A_382 = arith.constant 0.000000e+00 : f32
          %parallel_loop3A_383 = vector.broadcast %parallel_loop3A_382 : f32 to vector<16xf32>
          %parallel_loop3A_384 = arith.maximumf %parallel_loop3A_381, %parallel_loop3A_383 : vector<16xf32>
          %parallel_loop3A_385 = arith.constant 2.550000e+02 : f32
          %parallel_loop3A_386 = vector.broadcast %parallel_loop3A_385 : f32 to vector<16xf32>
          %parallel_loop3A_387 = arith.minimumf %parallel_loop3A_384, %parallel_loop3A_386 : vector<16xf32>
          %parallel_loop3A_388 = arith.fptosi %parallel_loop3A_387 : vector<16xf32> to vector<16xi32>
          %parallel_loop3A_389 = arith.constant 254 : i32
          %parallel_loop3A_390 = vector.broadcast %parallel_loop3A_389 : i32 to vector<16xi32>
          %parallel_loop3A_391 = arith.minsi %parallel_loop3A_388, %parallel_loop3A_390 : vector<16xi32>
          %parallel_loop3A_392 = arith.sitofp %parallel_loop3A_391 : vector<16xi32> to vector<16xf32>
          %parallel_loop3A_393 = arith.subf %parallel_loop3A_387, %parallel_loop3A_392 : vector<16xf32>
          %parallel_loop3A_394 = arith.constant 0 : i32
          %parallel_loop3A_395 = arith.constant 0 : i32
          %parallel_loop3A_396 = tpu.memref_slice %run_scoped3A[%rem3A_256, %parallel_loop3A_394, %parallel_loop3A_395] : memref<2x32x516xf32, #tpu.memory_space<vmem>> -> memref<1x32x516xf32, #tpu.memory_space<vmem>>
          %parallel_loop3A_397 = tpu.memref_squeeze %parallel_loop3A_396 : memref<1x32x516xf32, #tpu.memory_space<vmem>> -> memref<32x516xf32, #tpu.memory_space<vmem>>
          %parallel_loop3A_398 = tpu.vector_load_idx %parallel_loop3A_397[%parallel_loop3A_371, %parallel_loop3A_391] : memref<32x516xf32, #tpu.memory_space<vmem>>[vector<16xi32>, vector<16xi32>], vector<16xf32>,
          %parallel_loop3A_399 = arith.constant 1 : i32
          %parallel_loop3A_400 = vector.broadcast %parallel_loop3A_399 : i32 to vector<16xi32>
          %parallel_loop3A_401 = arith.addi %parallel_loop3A_391, %parallel_loop3A_400 : vector<16xi32>
          %parallel_loop3A_402 = arith.constant 0 : i32
          %parallel_loop3A_403 = arith.constant 0 : i32
          %parallel_loop3A_404 = tpu.memref_slice %run_scoped3A[%rem3A_256, %parallel_loop3A_402, %parallel_loop3A_403] : memref<2x32x516xf32, #tpu.memory_space<vmem>> -> memref<1x32x516xf32, #tpu.memory_space<vmem>>
          %parallel_loop3A_405 = tpu.memref_squeeze %parallel_loop3A_404 : memref<1x32x516xf32, #tpu.memory_space<vmem>> -> memref<32x516xf32, #tpu.memory_space<vmem>>
          %parallel_loop3A_406 = tpu.vector_load_idx %parallel_loop3A_405[%parallel_loop3A_371, %parallel_loop3A_401] : memref<32x516xf32, #tpu.memory_space<vmem>>[vector<16xi32>, vector<16xi32>], vector<16xf32>,
          %parallel_loop3A_407 = arith.constant 256 : i32
          %parallel_loop3A_408 = vector.broadcast %parallel_loop3A_407 : i32 to vector<16xi32>
          %parallel_loop3A_409 = arith.addi %parallel_loop3A_391, %parallel_loop3A_408 : vector<16xi32>
          %parallel_loop3A_410 = arith.constant 0 : i32
          %parallel_loop3A_411 = arith.constant 0 : i32
          %parallel_loop3A_412 = tpu.memref_slice %run_scoped3A[%rem3A_256, %parallel_loop3A_410, %parallel_loop3A_411] : memref<2x32x516xf32, #tpu.memory_space<vmem>> -> memref<1x32x516xf32, #tpu.memory_space<vmem>>
          %parallel_loop3A_413 = tpu.memref_squeeze %parallel_loop3A_412 : memref<1x32x516xf32, #tpu.memory_space<vmem>> -> memref<32x516xf32, #tpu.memory_space<vmem>>
          %parallel_loop3A_414 = tpu.vector_load_idx %parallel_loop3A_413[%parallel_loop3A_371, %parallel_loop3A_409] : memref<32x516xf32, #tpu.memory_space<vmem>>[vector<16xi32>, vector<16xi32>], vector<16xf32>,
          %parallel_loop3A_415 = arith.constant 257 : i32
          %parallel_loop3A_416 = vector.broadcast %parallel_loop3A_415 : i32 to vector<16xi32>
          %parallel_loop3A_417 = arith.addi %parallel_loop3A_391, %parallel_loop3A_416 : vector<16xi32>
          %parallel_loop3A_418 = arith.constant 0 : i32
          %parallel_loop3A_419 = arith.constant 0 : i32
          %parallel_loop3A_420 = tpu.memref_slice %run_scoped3A[%rem3A_256, %parallel_loop3A_418, %parallel_loop3A_419] : memref<2x32x516xf32, #tpu.memory_space<vmem>> -> memref<1x32x516xf32, #tpu.memory_space<vmem>>
          %parallel_loop3A_421 = tpu.memref_squeeze %parallel_loop3A_420 : memref<1x32x516xf32, #tpu.memory_space<vmem>> -> memref<32x516xf32, #tpu.memory_space<vmem>>
          %parallel_loop3A_422 = tpu.vector_load_idx %parallel_loop3A_421[%parallel_loop3A_371, %parallel_loop3A_417] : memref<32x516xf32, #tpu.memory_space<vmem>>[vector<16xi32>, vector<16xi32>], vector<16xf32>,
          %parallel_loop3A_423 = arith.subf %parallel_loop3A_406, %parallel_loop3A_398 : vector<16xf32>
          %parallel_loop3A_424 = arith.mulf %parallel_loop3A_393, %parallel_loop3A_423 : vector<16xf32>
          %parallel_loop3A_425 = arith.addf %parallel_loop3A_398, %parallel_loop3A_424 : vector<16xf32>
          %parallel_loop3A_426 = arith.constant 0 : i32
          %parallel_loop3A_427 = arith.constant 0 : i32
          %parallel_loop3A_428 = tpu.memref_slice %run_scoped3A_10[%rem3A_260, %parallel_loop3A_426, %parallel_loop3A_427] : memref<2x32x260xf32, #tpu.memory_space<vmem>> -> memref<1x32x260xf32, #tpu.memory_space<vmem>>
          %parallel_loop3A_429 = tpu.memref_squeeze %parallel_loop3A_428 : memref<1x32x260xf32, #tpu.memory_space<vmem>> -> memref<32x260xf32, #tpu.memory_space<vmem>>
          %parallel_loop3A_430 = arith.index_cast %parallel_loop3A_370 : i32 to index
          %parallel_loop3A_431 = arith.constant 0 : index
          %parallel_loop3A_432 = tpu.vector_load %parallel_loop3A_429[%parallel_loop3A_430, %parallel_loop3A_431] {strides = array<i32>} : memref<32x260xf32, #tpu.memory_space<vmem>>, vector<16xf32>,
          tpu.vector_store %parallel_loop3A_429[%parallel_loop3A_430, %parallel_loop3A_431], %parallel_loop3A_425 {strides = array<i32>} : memref<32x260xf32, #tpu.memory_space<vmem>>, vector<16xf32>,
          %parallel_loop3A_433 = arith.subf %parallel_loop3A_422, %parallel_loop3A_414 : vector<16xf32>
          %parallel_loop3A_434 = arith.mulf %parallel_loop3A_393, %parallel_loop3A_433 : vector<16xf32>
          %parallel_loop3A_435 = arith.addf %parallel_loop3A_414, %parallel_loop3A_434 : vector<16xf32>
          %parallel_loop3A_436 = arith.constant 0 : i32
          %parallel_loop3A_437 = arith.constant 0 : i32
          %parallel_loop3A_438 = tpu.memref_slice %run_scoped3A_10[%rem3A_260, %parallel_loop3A_436, %parallel_loop3A_437] : memref<2x32x260xf32, #tpu.memory_space<vmem>> -> memref<1x32x260xf32, #tpu.memory_space<vmem>>
          %parallel_loop3A_439 = tpu.memref_squeeze %parallel_loop3A_438 : memref<1x32x260xf32, #tpu.memory_space<vmem>> -> memref<32x260xf32, #tpu.memory_space<vmem>>
          %parallel_loop3A_440 = arith.index_cast %parallel_loop3A_370 : i32 to index
          %parallel_loop3A_441 = arith.constant 128 : index
          %parallel_loop3A_442 = tpu.vector_load %parallel_loop3A_439[%parallel_loop3A_440, %parallel_loop3A_441] {strides = array<i32>} : memref<32x260xf32, #tpu.memory_space<vmem>>, vector<16xf32>,
          tpu.vector_store %parallel_loop3A_439[%parallel_loop3A_440, %parallel_loop3A_441], %parallel_loop3A_435 {strides = array<i32>} : memref<32x260xf32, #tpu.memory_space<vmem>>, vector<16xf32>,
          %parallel_loop3A_443 = arith.constant 0 : i32
          %parallel_loop3A_444 = arith.constant 0 : i32
          %parallel_loop3A_445 = tpu.memref_slice %run_scoped3A_8[%rem3A_258, %parallel_loop3A_443, %parallel_loop3A_444] : memref<2x32x128xf32, #tpu.memory_space<vmem>> -> memref<1x32x128xf32, #tpu.memory_space<vmem>>
          %parallel_loop3A_446 = tpu.memref_squeeze %parallel_loop3A_445 : memref<1x32x128xf32, #tpu.memory_space<vmem>> -> memref<32x128xf32, #tpu.memory_space<vmem>>
          %parallel_loop3A_447 = arith.index_cast %parallel_loop3A_370 : i32 to index
          %parallel_loop3A_448 = arith.constant 16 : index
          %parallel_loop3A_449 = tpu.vector_load %parallel_loop3A_446[%parallel_loop3A_447, %parallel_loop3A_448] {strides = array<i32>} : memref<32x128xf32, #tpu.memory_space<vmem>>, vector<16xf32>,
          %parallel_loop3A_450 = arith.constant 182.142853 : f32
          %parallel_loop3A_451 = vector.broadcast %parallel_loop3A_450 : f32 to vector<16xf32>
          %parallel_loop3A_452 = arith.mulf %parallel_loop3A_449, %parallel_loop3A_451 : vector<16xf32>
          %parallel_loop3A_453 = arith.constant 0.000000e+00 : f32
          %parallel_loop3A_454 = vector.broadcast %parallel_loop3A_453 : f32 to vector<16xf32>
          %parallel_loop3A_455 = arith.maximumf %parallel_loop3A_452, %parallel_loop3A_454 : vector<16xf32>
          %parallel_loop3A_456 = arith.constant 2.550000e+02 : f32
          %parallel_loop3A_457 = vector.broadcast %parallel_loop3A_456 : f32 to vector<16xf32>
          %parallel_loop3A_458 = arith.minimumf %parallel_loop3A_455, %parallel_loop3A_457 : vector<16xf32>
          %parallel_loop3A_459 = arith.fptosi %parallel_loop3A_458 : vector<16xf32> to vector<16xi32>
          %parallel_loop3A_460 = arith.constant 254 : i32
          %parallel_loop3A_461 = vector.broadcast %parallel_loop3A_460 : i32 to vector<16xi32>
          %parallel_loop3A_462 = arith.minsi %parallel_loop3A_459, %parallel_loop3A_461 : vector<16xi32>
          %parallel_loop3A_463 = arith.sitofp %parallel_loop3A_462 : vector<16xi32> to vector<16xf32>
          %parallel_loop3A_464 = arith.subf %parallel_loop3A_458, %parallel_loop3A_463 : vector<16xf32>
          %parallel_loop3A_465 = arith.constant 0 : i32
          %parallel_loop3A_466 = arith.constant 0 : i32
          %parallel_loop3A_467 = tpu.memref_slice %run_scoped3A[%rem3A_256, %parallel_loop3A_465, %parallel_loop3A_466] : memref<2x32x516xf32, #tpu.memory_space<vmem>> -> memref<1x32x516xf32, #tpu.memory_space<vmem>>
          %parallel_loop3A_468 = tpu.memref_squeeze %parallel_loop3A_467 : memref<1x32x516xf32, #tpu.memory_space<vmem>> -> memref<32x516xf32, #tpu.memory_space<vmem>>
          %parallel_loop3A_469 = tpu.vector_load_idx %parallel_loop3A_468[%parallel_loop3A_371, %parallel_loop3A_462] : memref<32x516xf32, #tpu.memory_space<vmem>>[vector<16xi32>, vector<16xi32>], vector<16xf32>,
          %parallel_loop3A_470 = arith.constant 1 : i32
          %parallel_loop3A_471 = vector.broadcast %parallel_loop3A_470 : i32 to vector<16xi32>
          %parallel_loop3A_472 = arith.addi %parallel_loop3A_462, %parallel_loop3A_471 : vector<16xi32>
          %parallel_loop3A_473 = arith.constant 0 : i32
          %parallel_loop3A_474 = arith.constant 0 : i32
          %parallel_loop3A_475 = tpu.memref_slice %run_scoped3A[%rem3A_256, %parallel_loop3A_473, %parallel_loop3A_474] : memref<2x32x516xf32, #tpu.memory_space<vmem>> -> memref<1x32x516xf32, #tpu.memory_space<vmem>>
          %parallel_loop3A_476 = tpu.memref_squeeze %parallel_loop3A_475 : memref<1x32x516xf32, #tpu.memory_space<vmem>> -> memref<32x516xf32, #tpu.memory_space<vmem>>
          %parallel_loop3A_477 = tpu.vector_load_idx %parallel_loop3A_476[%parallel_loop3A_371, %parallel_loop3A_472] : memref<32x516xf32, #tpu.memory_space<vmem>>[vector<16xi32>, vector<16xi32>], vector<16xf32>,
          %parallel_loop3A_478 = arith.constant 256 : i32
          %parallel_loop3A_479 = vector.broadcast %parallel_loop3A_478 : i32 to vector<16xi32>
          %parallel_loop3A_480 = arith.addi %parallel_loop3A_462, %parallel_loop3A_479 : vector<16xi32>
          %parallel_loop3A_481 = arith.constant 0 : i32
          %parallel_loop3A_482 = arith.constant 0 : i32
          %parallel_loop3A_483 = tpu.memref_slice %run_scoped3A[%rem3A_256, %parallel_loop3A_481, %parallel_loop3A_482] : memref<2x32x516xf32, #tpu.memory_space<vmem>> -> memref<1x32x516xf32, #tpu.memory_space<vmem>>
          %parallel_loop3A_484 = tpu.memref_squeeze %parallel_loop3A_483 : memref<1x32x516xf32, #tpu.memory_space<vmem>> -> memref<32x516xf32, #tpu.memory_space<vmem>>
          %parallel_loop3A_485 = tpu.vector_load_idx %parallel_loop3A_484[%parallel_loop3A_371, %parallel_loop3A_480] : memref<32x516xf32, #tpu.memory_space<vmem>>[vector<16xi32>, vector<16xi32>], vector<16xf32>,
          %parallel_loop3A_486 = arith.constant 257 : i32
          %parallel_loop3A_487 = vector.broadcast %parallel_loop3A_486 : i32 to vector<16xi32>
          %parallel_loop3A_488 = arith.addi %parallel_loop3A_462, %parallel_loop3A_487 : vector<16xi32>
          %parallel_loop3A_489 = arith.constant 0 : i32
          %parallel_loop3A_490 = arith.constant 0 : i32
          %parallel_loop3A_491 = tpu.memref_slice %run_scoped3A[%rem3A_256, %parallel_loop3A_489, %parallel_loop3A_490] : memref<2x32x516xf32, #tpu.memory_space<vmem>> -> memref<1x32x516xf32, #tpu.memory_space<vmem>>
          %parallel_loop3A_492 = tpu.memref_squeeze %parallel_loop3A_491 : memref<1x32x516xf32, #tpu.memory_space<vmem>> -> memref<32x516xf32, #tpu.memory_space<vmem>>
          %parallel_loop3A_493 = tpu.vector_load_idx %parallel_loop3A_492[%parallel_loop3A_371, %parallel_loop3A_488] : memref<32x516xf32, #tpu.memory_space<vmem>>[vector<16xi32>, vector<16xi32>], vector<16xf32>,
          %parallel_loop3A_494 = arith.subf %parallel_loop3A_477, %parallel_loop3A_469 : vector<16xf32>
          %parallel_loop3A_495 = arith.mulf %parallel_loop3A_464, %parallel_loop3A_494 : vector<16xf32>
          %parallel_loop3A_496 = arith.addf %parallel_loop3A_469, %parallel_loop3A_495 : vector<16xf32>
          %parallel_loop3A_497 = arith.constant 0 : i32
          %parallel_loop3A_498 = arith.constant 0 : i32
          %parallel_loop3A_499 = tpu.memref_slice %run_scoped3A_10[%rem3A_260, %parallel_loop3A_497, %parallel_loop3A_498] : memref<2x32x260xf32, #tpu.memory_space<vmem>> -> memref<1x32x260xf32, #tpu.memory_space<vmem>>
          %parallel_loop3A_500 = tpu.memref_squeeze %parallel_loop3A_499 : memref<1x32x260xf32, #tpu.memory_space<vmem>> -> memref<32x260xf32, #tpu.memory_space<vmem>>
          %parallel_loop3A_501 = arith.index_cast %parallel_loop3A_370 : i32 to index
          %parallel_loop3A_502 = arith.constant 16 : index
          %parallel_loop3A_503 = tpu.vector_load %parallel_loop3A_500[%parallel_loop3A_501, %parallel_loop3A_502] {strides = array<i32>} : memref<32x260xf32, #tpu.memory_space<vmem>>, vector<16xf32>,
          tpu.vector_store %parallel_loop3A_500[%parallel_loop3A_501, %parallel_loop3A_502], %parallel_loop3A_496 {strides = array<i32>} : memref<32x260xf32, #tpu.memory_space<vmem>>, vector<16xf32>,
          %parallel_loop3A_504 = arith.subf %parallel_loop3A_493, %parallel_loop3A_485 : vector<16xf32>
          %parallel_loop3A_505 = arith.mulf %parallel_loop3A_464, %parallel_loop3A_504 : vector<16xf32>
          %parallel_loop3A_506 = arith.addf %parallel_loop3A_485, %parallel_loop3A_505 : vector<16xf32>
          %parallel_loop3A_507 = arith.constant 0 : i32
          %parallel_loop3A_508 = arith.constant 0 : i32
          %parallel_loop3A_509 = tpu.memref_slice %run_scoped3A_10[%rem3A_260, %parallel_loop3A_507, %parallel_loop3A_508] : memref<2x32x260xf32, #tpu.memory_space<vmem>> -> memref<1x32x260xf32, #tpu.memory_space<vmem>>
          %parallel_loop3A_510 = tpu.memref_squeeze %parallel_loop3A_509 : memref<1x32x260xf32, #tpu.memory_space<vmem>> -> memref<32x260xf32, #tpu.memory_space<vmem>>
          %parallel_loop3A_511 = arith.index_cast %parallel_loop3A_370 : i32 to index
          %parallel_loop3A_512 = arith.constant 144 : index
          %parallel_loop3A_513 = tpu.vector_load %parallel_loop3A_510[%parallel_loop3A_511, %parallel_loop3A_512] {strides = array<i32>} : memref<32x260xf32, #tpu.memory_space<vmem>>, vector<16xf32>,
          tpu.vector_store %parallel_loop3A_510[%parallel_loop3A_511, %parallel_loop3A_512], %parallel_loop3A_506 {strides = array<i32>} : memref<32x260xf32, #tpu.memory_space<vmem>>, vector<16xf32>,
          %parallel_loop3A_514 = arith.constant 0 : i32
          %parallel_loop3A_515 = arith.constant 0 : i32
          %parallel_loop3A_516 = tpu.memref_slice %run_scoped3A_8[%rem3A_258, %parallel_loop3A_514, %parallel_loop3A_515] : memref<2x32x128xf32, #tpu.memory_space<vmem>> -> memref<1x32x128xf32, #tpu.memory_space<vmem>>
          %parallel_loop3A_517 = tpu.memref_squeeze %parallel_loop3A_516 : memref<1x32x128xf32, #tpu.memory_space<vmem>> -> memref<32x128xf32, #tpu.memory_space<vmem>>
          %parallel_loop3A_518 = arith.index_cast %parallel_loop3A_370 : i32 to index
          %parallel_loop3A_519 = arith.constant 32 : index
          %parallel_loop3A_520 = tpu.vector_load %parallel_loop3A_517[%parallel_loop3A_518, %parallel_loop3A_519] {strides = array<i32>} : memref<32x128xf32, #tpu.memory_space<vmem>>, vector<16xf32>,
          %parallel_loop3A_521 = arith.constant 182.142853 : f32
          %parallel_loop3A_522 = vector.broadcast %parallel_loop3A_521 : f32 to vector<16xf32>
          %parallel_loop3A_523 = arith.mulf %parallel_loop3A_520, %parallel_loop3A_522 : vector<16xf32>
          %parallel_loop3A_524 = arith.constant 0.000000e+00 : f32
          %parallel_loop3A_525 = vector.broadcast %parallel_loop3A_524 : f32 to vector<16xf32>
          %parallel_loop3A_526 = arith.maximumf %parallel_loop3A_523, %parallel_loop3A_525 : vector<16xf32>
          %parallel_loop3A_527 = arith.constant 2.550000e+02 : f32
          %parallel_loop3A_528 = vector.broadcast %parallel_loop3A_527 : f32 to vector<16xf32>
          %parallel_loop3A_529 = arith.minimumf %parallel_loop3A_526, %parallel_loop3A_528 : vector<16xf32>
          %parallel_loop3A_530 = arith.fptosi %parallel_loop3A_529 : vector<16xf32> to vector<16xi32>
          %parallel_loop3A_531 = arith.constant 254 : i32
          %parallel_loop3A_532 = vector.broadcast %parallel_loop3A_531 : i32 to vector<16xi32>
          %parallel_loop3A_533 = arith.minsi %parallel_loop3A_530, %parallel_loop3A_532 : vector<16xi32>
          %parallel_loop3A_534 = arith.sitofp %parallel_loop3A_533 : vector<16xi32> to vector<16xf32>
          %parallel_loop3A_535 = arith.subf %parallel_loop3A_529, %parallel_loop3A_534 : vector<16xf32>
          %parallel_loop3A_536 = arith.constant 0 : i32
          %parallel_loop3A_537 = arith.constant 0 : i32
          %parallel_loop3A_538 = tpu.memref_slice %run_scoped3A[%rem3A_256, %parallel_loop3A_536, %parallel_loop3A_537] : memref<2x32x516xf32, #tpu.memory_space<vmem>> -> memref<1x32x516xf32, #tpu.memory_space<vmem>>
          %parallel_loop3A_539 = tpu.memref_squeeze %parallel_loop3A_538 : memref<1x32x516xf32, #tpu.memory_space<vmem>> -> memref<32x516xf32, #tpu.memory_space<vmem>>
          %parallel_loop3A_540 = tpu.vector_load_idx %parallel_loop3A_539[%parallel_loop3A_371, %parallel_loop3A_533] : memref<32x516xf32, #tpu.memory_space<vmem>>[vector<16xi32>, vector<16xi32>], vector<16xf32>,
          %parallel_loop3A_541 = arith.constant 1 : i32
          %parallel_loop3A_542 = vector.broadcast %parallel_loop3A_541 : i32 to vector<16xi32>
          %parallel_loop3A_543 = arith.addi %parallel_loop3A_533, %parallel_loop3A_542 : vector<16xi32>
          %parallel_loop3A_544 = arith.constant 0 : i32
          %parallel_loop3A_545 = arith.constant 0 : i32
          %parallel_loop3A_546 = tpu.memref_slice %run_scoped3A[%rem3A_256, %parallel_loop3A_544, %parallel_loop3A_545] : memref<2x32x516xf32, #tpu.memory_space<vmem>> -> memref<1x32x516xf32, #tpu.memory_space<vmem>>
          %parallel_loop3A_547 = tpu.memref_squeeze %parallel_loop3A_546 : memref<1x32x516xf32, #tpu.memory_space<vmem>> -> memref<32x516xf32, #tpu.memory_space<vmem>>
          %parallel_loop3A_548 = tpu.vector_load_idx %parallel_loop3A_547[%parallel_loop3A_371, %parallel_loop3A_543] : memref<32x516xf32, #tpu.memory_space<vmem>>[vector<16xi32>, vector<16xi32>], vector<16xf32>,
          %parallel_loop3A_549 = arith.constant 256 : i32
          %parallel_loop3A_550 = vector.broadcast %parallel_loop3A_549 : i32 to vector<16xi32>
          %parallel_loop3A_551 = arith.addi %parallel_loop3A_533, %parallel_loop3A_550 : vector<16xi32>
          %parallel_loop3A_552 = arith.constant 0 : i32
          %parallel_loop3A_553 = arith.constant 0 : i32
          %parallel_loop3A_554 = tpu.memref_slice %run_scoped3A[%rem3A_256, %parallel_loop3A_552, %parallel_loop3A_553] : memref<2x32x516xf32, #tpu.memory_space<vmem>> -> memref<1x32x516xf32, #tpu.memory_space<vmem>>
          %parallel_loop3A_555 = tpu.memref_squeeze %parallel_loop3A_554 : memref<1x32x516xf32, #tpu.memory_space<vmem>> -> memref<32x516xf32, #tpu.memory_space<vmem>>
          %parallel_loop3A_556 = tpu.vector_load_idx %parallel_loop3A_555[%parallel_loop3A_371, %parallel_loop3A_551] : memref<32x516xf32, #tpu.memory_space<vmem>>[vector<16xi32>, vector<16xi32>], vector<16xf32>,
          %parallel_loop3A_557 = arith.constant 257 : i32
          %parallel_loop3A_558 = vector.broadcast %parallel_loop3A_557 : i32 to vector<16xi32>
          %parallel_loop3A_559 = arith.addi %parallel_loop3A_533, %parallel_loop3A_558 : vector<16xi32>
          %parallel_loop3A_560 = arith.constant 0 : i32
          %parallel_loop3A_561 = arith.constant 0 : i32
          %parallel_loop3A_562 = tpu.memref_slice %run_scoped3A[%rem3A_256, %parallel_loop3A_560, %parallel_loop3A_561] : memref<2x32x516xf32, #tpu.memory_space<vmem>> -> memref<1x32x516xf32, #tpu.memory_space<vmem>>
          %parallel_loop3A_563 = tpu.memref_squeeze %parallel_loop3A_562 : memref<1x32x516xf32, #tpu.memory_space<vmem>> -> memref<32x516xf32, #tpu.memory_space<vmem>>
          %parallel_loop3A_564 = tpu.vector_load_idx %parallel_loop3A_563[%parallel_loop3A_371, %parallel_loop3A_559] : memref<32x516xf32, #tpu.memory_space<vmem>>[vector<16xi32>, vector<16xi32>], vector<16xf32>,
          %parallel_loop3A_565 = arith.subf %parallel_loop3A_548, %parallel_loop3A_540 : vector<16xf32>
          %parallel_loop3A_566 = arith.mulf %parallel_loop3A_535, %parallel_loop3A_565 : vector<16xf32>
          %parallel_loop3A_567 = arith.addf %parallel_loop3A_540, %parallel_loop3A_566 : vector<16xf32>
          %parallel_loop3A_568 = arith.constant 0 : i32
          %parallel_loop3A_569 = arith.constant 0 : i32
          %parallel_loop3A_570 = tpu.memref_slice %run_scoped3A_10[%rem3A_260, %parallel_loop3A_568, %parallel_loop3A_569] : memref<2x32x260xf32, #tpu.memory_space<vmem>> -> memref<1x32x260xf32, #tpu.memory_space<vmem>>
          %parallel_loop3A_571 = tpu.memref_squeeze %parallel_loop3A_570 : memref<1x32x260xf32, #tpu.memory_space<vmem>> -> memref<32x260xf32, #tpu.memory_space<vmem>>
          %parallel_loop3A_572 = arith.index_cast %parallel_loop3A_370 : i32 to index
          %parallel_loop3A_573 = arith.constant 32 : index
          %parallel_loop3A_574 = tpu.vector_load %parallel_loop3A_571[%parallel_loop3A_572, %parallel_loop3A_573] {strides = array<i32>} : memref<32x260xf32, #tpu.memory_space<vmem>>, vector<16xf32>,
          tpu.vector_store %parallel_loop3A_571[%parallel_loop3A_572, %parallel_loop3A_573], %parallel_loop3A_567 {strides = array<i32>} : memref<32x260xf32, #tpu.memory_space<vmem>>, vector<16xf32>,
          %parallel_loop3A_575 = arith.subf %parallel_loop3A_564, %parallel_loop3A_556 : vector<16xf32>
          %parallel_loop3A_576 = arith.mulf %parallel_loop3A_535, %parallel_loop3A_575 : vector<16xf32>
          %parallel_loop3A_577 = arith.addf %parallel_loop3A_556, %parallel_loop3A_576 : vector<16xf32>
          %parallel_loop3A_578 = arith.constant 0 : i32
          %parallel_loop3A_579 = arith.constant 0 : i32
          %parallel_loop3A_580 = tpu.memref_slice %run_scoped3A_10[%rem3A_260, %parallel_loop3A_578, %parallel_loop3A_579] : memref<2x32x260xf32, #tpu.memory_space<vmem>> -> memref<1x32x260xf32, #tpu.memory_space<vmem>>
          %parallel_loop3A_581 = tpu.memref_squeeze %parallel_loop3A_580 : memref<1x32x260xf32, #tpu.memory_space<vmem>> -> memref<32x260xf32, #tpu.memory_space<vmem>>
          %parallel_loop3A_582 = arith.index_cast %parallel_loop3A_370 : i32 to index
          %parallel_loop3A_583 = arith.constant 160 : index
          %parallel_loop3A_584 = tpu.vector_load %parallel_loop3A_581[%parallel_loop3A_582, %parallel_loop3A_583] {strides = array<i32>} : memref<32x260xf32, #tpu.memory_space<vmem>>, vector<16xf32>,
          tpu.vector_store %parallel_loop3A_581[%parallel_loop3A_582, %parallel_loop3A_583], %parallel_loop3A_577 {strides = array<i32>} : memref<32x260xf32, #tpu.memory_space<vmem>>, vector<16xf32>,
          %parallel_loop3A_585 = arith.constant 0 : i32
          %parallel_loop3A_586 = arith.constant 0 : i32
          %parallel_loop3A_587 = tpu.memref_slice %run_scoped3A_8[%rem3A_258, %parallel_loop3A_585, %parallel_loop3A_586] : memref<2x32x128xf32, #tpu.memory_space<vmem>> -> memref<1x32x128xf32, #tpu.memory_space<vmem>>
          %parallel_loop3A_588 = tpu.memref_squeeze %parallel_loop3A_587 : memref<1x32x128xf32, #tpu.memory_space<vmem>> -> memref<32x128xf32, #tpu.memory_space<vmem>>
          %parallel_loop3A_589 = arith.index_cast %parallel_loop3A_370 : i32 to index
          %parallel_loop3A_590 = arith.constant 48 : index
          %parallel_loop3A_591 = tpu.vector_load %parallel_loop3A_588[%parallel_loop3A_589, %parallel_loop3A_590] {strides = array<i32>} : memref<32x128xf32, #tpu.memory_space<vmem>>, vector<16xf32>,
          %parallel_loop3A_592 = arith.constant 182.142853 : f32
          %parallel_loop3A_593 = vector.broadcast %parallel_loop3A_592 : f32 to vector<16xf32>
          %parallel_loop3A_594 = arith.mulf %parallel_loop3A_591, %parallel_loop3A_593 : vector<16xf32>
          %parallel_loop3A_595 = arith.constant 0.000000e+00 : f32
          %parallel_loop3A_596 = vector.broadcast %parallel_loop3A_595 : f32 to vector<16xf32>
          %parallel_loop3A_597 = arith.maximumf %parallel_loop3A_594, %parallel_loop3A_596 : vector<16xf32>
          %parallel_loop3A_598 = arith.constant 2.550000e+02 : f32
          %parallel_loop3A_599 = vector.broadcast %parallel_loop3A_598 : f32 to vector<16xf32>
          %parallel_loop3A_600 = arith.minimumf %parallel_loop3A_597, %parallel_loop3A_599 : vector<16xf32>
          %parallel_loop3A_601 = arith.fptosi %parallel_loop3A_600 : vector<16xf32> to vector<16xi32>
          %parallel_loop3A_602 = arith.constant 254 : i32
          %parallel_loop3A_603 = vector.broadcast %parallel_loop3A_602 : i32 to vector<16xi32>
          %parallel_loop3A_604 = arith.minsi %parallel_loop3A_601, %parallel_loop3A_603 : vector<16xi32>
          %parallel_loop3A_605 = arith.sitofp %parallel_loop3A_604 : vector<16xi32> to vector<16xf32>
          %parallel_loop3A_606 = arith.subf %parallel_loop3A_600, %parallel_loop3A_605 : vector<16xf32>
          %parallel_loop3A_607 = arith.constant 0 : i32
          %parallel_loop3A_608 = arith.constant 0 : i32
          %parallel_loop3A_609 = tpu.memref_slice %run_scoped3A[%rem3A_256, %parallel_loop3A_607, %parallel_loop3A_608] : memref<2x32x516xf32, #tpu.memory_space<vmem>> -> memref<1x32x516xf32, #tpu.memory_space<vmem>>
          %parallel_loop3A_610 = tpu.memref_squeeze %parallel_loop3A_609 : memref<1x32x516xf32, #tpu.memory_space<vmem>> -> memref<32x516xf32, #tpu.memory_space<vmem>>
          %parallel_loop3A_611 = tpu.vector_load_idx %parallel_loop3A_610[%parallel_loop3A_371, %parallel_loop3A_604] : memref<32x516xf32, #tpu.memory_space<vmem>>[vector<16xi32>, vector<16xi32>], vector<16xf32>,
          %parallel_loop3A_612 = arith.constant 1 : i32
          %parallel_loop3A_613 = vector.broadcast %parallel_loop3A_612 : i32 to vector<16xi32>
          %parallel_loop3A_614 = arith.addi %parallel_loop3A_604, %parallel_loop3A_613 : vector<16xi32>
          %parallel_loop3A_615 = arith.constant 0 : i32
          %parallel_loop3A_616 = arith.constant 0 : i32
          %parallel_loop3A_617 = tpu.memref_slice %run_scoped3A[%rem3A_256, %parallel_loop3A_615, %parallel_loop3A_616] : memref<2x32x516xf32, #tpu.memory_space<vmem>> -> memref<1x32x516xf32, #tpu.memory_space<vmem>>
          %parallel_loop3A_618 = tpu.memref_squeeze %parallel_loop3A_617 : memref<1x32x516xf32, #tpu.memory_space<vmem>> -> memref<32x516xf32, #tpu.memory_space<vmem>>
          %parallel_loop3A_619 = tpu.vector_load_idx %parallel_loop3A_618[%parallel_loop3A_371, %parallel_loop3A_614] : memref<32x516xf32, #tpu.memory_space<vmem>>[vector<16xi32>, vector<16xi32>], vector<16xf32>,
          %parallel_loop3A_620 = arith.constant 256 : i32
          %parallel_loop3A_621 = vector.broadcast %parallel_loop3A_620 : i32 to vector<16xi32>
          %parallel_loop3A_622 = arith.addi %parallel_loop3A_604, %parallel_loop3A_621 : vector<16xi32>
          %parallel_loop3A_623 = arith.constant 0 : i32
          %parallel_loop3A_624 = arith.constant 0 : i32
          %parallel_loop3A_625 = tpu.memref_slice %run_scoped3A[%rem3A_256, %parallel_loop3A_623, %parallel_loop3A_624] : memref<2x32x516xf32, #tpu.memory_space<vmem>> -> memref<1x32x516xf32, #tpu.memory_space<vmem>>
          %parallel_loop3A_626 = tpu.memref_squeeze %parallel_loop3A_625 : memref<1x32x516xf32, #tpu.memory_space<vmem>> -> memref<32x516xf32, #tpu.memory_space<vmem>>
          %parallel_loop3A_627 = tpu.vector_load_idx %parallel_loop3A_626[%parallel_loop3A_371, %parallel_loop3A_622] : memref<32x516xf32, #tpu.memory_space<vmem>>[vector<16xi32>, vector<16xi32>], vector<16xf32>,
          %parallel_loop3A_628 = arith.constant 257 : i32
          %parallel_loop3A_629 = vector.broadcast %parallel_loop3A_628 : i32 to vector<16xi32>
          %parallel_loop3A_630 = arith.addi %parallel_loop3A_604, %parallel_loop3A_629 : vector<16xi32>
          %parallel_loop3A_631 = arith.constant 0 : i32
          %parallel_loop3A_632 = arith.constant 0 : i32
          %parallel_loop3A_633 = tpu.memref_slice %run_scoped3A[%rem3A_256, %parallel_loop3A_631, %parallel_loop3A_632] : memref<2x32x516xf32, #tpu.memory_space<vmem>> -> memref<1x32x516xf32, #tpu.memory_space<vmem>>
          %parallel_loop3A_634 = tpu.memref_squeeze %parallel_loop3A_633 : memref<1x32x516xf32, #tpu.memory_space<vmem>> -> memref<32x516xf32, #tpu.memory_space<vmem>>
          %parallel_loop3A_635 = tpu.vector_load_idx %parallel_loop3A_634[%parallel_loop3A_371, %parallel_loop3A_630] : memref<32x516xf32, #tpu.memory_space<vmem>>[vector<16xi32>, vector<16xi32>], vector<16xf32>,
          %parallel_loop3A_636 = arith.subf %parallel_loop3A_619, %parallel_loop3A_611 : vector<16xf32>
          %parallel_loop3A_637 = arith.mulf %parallel_loop3A_606, %parallel_loop3A_636 : vector<16xf32>
          %parallel_loop3A_638 = arith.addf %parallel_loop3A_611, %parallel_loop3A_637 : vector<16xf32>
          %parallel_loop3A_639 = arith.constant 0 : i32
          %parallel_loop3A_640 = arith.constant 0 : i32
          %parallel_loop3A_641 = tpu.memref_slice %run_scoped3A_10[%rem3A_260, %parallel_loop3A_639, %parallel_loop3A_640] : memref<2x32x260xf32, #tpu.memory_space<vmem>> -> memref<1x32x260xf32, #tpu.memory_space<vmem>>
          %parallel_loop3A_642 = tpu.memref_squeeze %parallel_loop3A_641 : memref<1x32x260xf32, #tpu.memory_space<vmem>> -> memref<32x260xf32, #tpu.memory_space<vmem>>
          %parallel_loop3A_643 = arith.index_cast %parallel_loop3A_370 : i32 to index
          %parallel_loop3A_644 = arith.constant 48 : index
          %parallel_loop3A_645 = tpu.vector_load %parallel_loop3A_642[%parallel_loop3A_643, %parallel_loop3A_644] {strides = array<i32>} : memref<32x260xf32, #tpu.memory_space<vmem>>, vector<16xf32>,
          tpu.vector_store %parallel_loop3A_642[%parallel_loop3A_643, %parallel_loop3A_644], %parallel_loop3A_638 {strides = array<i32>} : memref<32x260xf32, #tpu.memory_space<vmem>>, vector<16xf32>,
          %parallel_loop3A_646 = arith.subf %parallel_loop3A_635, %parallel_loop3A_627 : vector<16xf32>
          %parallel_loop3A_647 = arith.mulf %parallel_loop3A_606, %parallel_loop3A_646 : vector<16xf32>
          %parallel_loop3A_648 = arith.addf %parallel_loop3A_627, %parallel_loop3A_647 : vector<16xf32>
          %parallel_loop3A_649 = arith.constant 0 : i32
          %parallel_loop3A_650 = arith.constant 0 : i32
          %parallel_loop3A_651 = tpu.memref_slice %run_scoped3A_10[%rem3A_260, %parallel_loop3A_649, %parallel_loop3A_650] : memref<2x32x260xf32, #tpu.memory_space<vmem>> -> memref<1x32x260xf32, #tpu.memory_space<vmem>>
          %parallel_loop3A_652 = tpu.memref_squeeze %parallel_loop3A_651 : memref<1x32x260xf32, #tpu.memory_space<vmem>> -> memref<32x260xf32, #tpu.memory_space<vmem>>
          %parallel_loop3A_653 = arith.index_cast %parallel_loop3A_370 : i32 to index
          %parallel_loop3A_654 = arith.constant 176 : index
          %parallel_loop3A_655 = tpu.vector_load %parallel_loop3A_652[%parallel_loop3A_653, %parallel_loop3A_654] {strides = array<i32>} : memref<32x260xf32, #tpu.memory_space<vmem>>, vector<16xf32>,
          tpu.vector_store %parallel_loop3A_652[%parallel_loop3A_653, %parallel_loop3A_654], %parallel_loop3A_648 {strides = array<i32>} : memref<32x260xf32, #tpu.memory_space<vmem>>, vector<16xf32>,
          %parallel_loop3A_656 = arith.constant 0 : i32
          %parallel_loop3A_657 = arith.constant 0 : i32
          %parallel_loop3A_658 = tpu.memref_slice %run_scoped3A_8[%rem3A_258, %parallel_loop3A_656, %parallel_loop3A_657] : memref<2x32x128xf32, #tpu.memory_space<vmem>> -> memref<1x32x128xf32, #tpu.memory_space<vmem>>
          %parallel_loop3A_659 = tpu.memref_squeeze %parallel_loop3A_658 : memref<1x32x128xf32, #tpu.memory_space<vmem>> -> memref<32x128xf32, #tpu.memory_space<vmem>>
          %parallel_loop3A_660 = arith.index_cast %parallel_loop3A_370 : i32 to index
          %parallel_loop3A_661 = arith.constant 64 : index
          %parallel_loop3A_662 = tpu.vector_load %parallel_loop3A_659[%parallel_loop3A_660, %parallel_loop3A_661] {strides = array<i32>} : memref<32x128xf32, #tpu.memory_space<vmem>>, vector<16xf32>,
          %parallel_loop3A_663 = arith.constant 182.142853 : f32
          %parallel_loop3A_664 = vector.broadcast %parallel_loop3A_663 : f32 to vector<16xf32>
          %parallel_loop3A_665 = arith.mulf %parallel_loop3A_662, %parallel_loop3A_664 : vector<16xf32>
          %parallel_loop3A_666 = arith.constant 0.000000e+00 : f32
          %parallel_loop3A_667 = vector.broadcast %parallel_loop3A_666 : f32 to vector<16xf32>
          %parallel_loop3A_668 = arith.maximumf %parallel_loop3A_665, %parallel_loop3A_667 : vector<16xf32>
          %parallel_loop3A_669 = arith.constant 2.550000e+02 : f32
          %parallel_loop3A_670 = vector.broadcast %parallel_loop3A_669 : f32 to vector<16xf32>
          %parallel_loop3A_671 = arith.minimumf %parallel_loop3A_668, %parallel_loop3A_670 : vector<16xf32>
          %parallel_loop3A_672 = arith.fptosi %parallel_loop3A_671 : vector<16xf32> to vector<16xi32>
          %parallel_loop3A_673 = arith.constant 254 : i32
          %parallel_loop3A_674 = vector.broadcast %parallel_loop3A_673 : i32 to vector<16xi32>
          %parallel_loop3A_675 = arith.minsi %parallel_loop3A_672, %parallel_loop3A_674 : vector<16xi32>
          %parallel_loop3A_676 = arith.sitofp %parallel_loop3A_675 : vector<16xi32> to vector<16xf32>
          %parallel_loop3A_677 = arith.subf %parallel_loop3A_671, %parallel_loop3A_676 : vector<16xf32>
          %parallel_loop3A_678 = arith.constant 0 : i32
          %parallel_loop3A_679 = arith.constant 0 : i32
          %parallel_loop3A_680 = tpu.memref_slice %run_scoped3A[%rem3A_256, %parallel_loop3A_678, %parallel_loop3A_679] : memref<2x32x516xf32, #tpu.memory_space<vmem>> -> memref<1x32x516xf32, #tpu.memory_space<vmem>>
          %parallel_loop3A_681 = tpu.memref_squeeze %parallel_loop3A_680 : memref<1x32x516xf32, #tpu.memory_space<vmem>> -> memref<32x516xf32, #tpu.memory_space<vmem>>
          %parallel_loop3A_682 = tpu.vector_load_idx %parallel_loop3A_681[%parallel_loop3A_371, %parallel_loop3A_675] : memref<32x516xf32, #tpu.memory_space<vmem>>[vector<16xi32>, vector<16xi32>], vector<16xf32>,
          %parallel_loop3A_683 = arith.constant 1 : i32
          %parallel_loop3A_684 = vector.broadcast %parallel_loop3A_683 : i32 to vector<16xi32>
          %parallel_loop3A_685 = arith.addi %parallel_loop3A_675, %parallel_loop3A_684 : vector<16xi32>
          %parallel_loop3A_686 = arith.constant 0 : i32
          %parallel_loop3A_687 = arith.constant 0 : i32
          %parallel_loop3A_688 = tpu.memref_slice %run_scoped3A[%rem3A_256, %parallel_loop3A_686, %parallel_loop3A_687] : memref<2x32x516xf32, #tpu.memory_space<vmem>> -> memref<1x32x516xf32, #tpu.memory_space<vmem>>
          %parallel_loop3A_689 = tpu.memref_squeeze %parallel_loop3A_688 : memref<1x32x516xf32, #tpu.memory_space<vmem>> -> memref<32x516xf32, #tpu.memory_space<vmem>>
          %parallel_loop3A_690 = tpu.vector_load_idx %parallel_loop3A_689[%parallel_loop3A_371, %parallel_loop3A_685] : memref<32x516xf32, #tpu.memory_space<vmem>>[vector<16xi32>, vector<16xi32>], vector<16xf32>,
          %parallel_loop3A_691 = arith.constant 256 : i32
          %parallel_loop3A_692 = vector.broadcast %parallel_loop3A_691 : i32 to vector<16xi32>
          %parallel_loop3A_693 = arith.addi %parallel_loop3A_675, %parallel_loop3A_692 : vector<16xi32>
          %parallel_loop3A_694 = arith.constant 0 : i32
          %parallel_loop3A_695 = arith.constant 0 : i32
          %parallel_loop3A_696 = tpu.memref_slice %run_scoped3A[%rem3A_256, %parallel_loop3A_694, %parallel_loop3A_695] : memref<2x32x516xf32, #tpu.memory_space<vmem>> -> memref<1x32x516xf32, #tpu.memory_space<vmem>>
          %parallel_loop3A_697 = tpu.memref_squeeze %parallel_loop3A_696 : memref<1x32x516xf32, #tpu.memory_space<vmem>> -> memref<32x516xf32, #tpu.memory_space<vmem>>
          %parallel_loop3A_698 = tpu.vector_load_idx %parallel_loop3A_697[%parallel_loop3A_371, %parallel_loop3A_693] : memref<32x516xf32, #tpu.memory_space<vmem>>[vector<16xi32>, vector<16xi32>], vector<16xf32>,
          %parallel_loop3A_699 = arith.constant 257 : i32
          %parallel_loop3A_700 = vector.broadcast %parallel_loop3A_699 : i32 to vector<16xi32>
          %parallel_loop3A_701 = arith.addi %parallel_loop3A_675, %parallel_loop3A_700 : vector<16xi32>
          %parallel_loop3A_702 = arith.constant 0 : i32
          %parallel_loop3A_703 = arith.constant 0 : i32
          %parallel_loop3A_704 = tpu.memref_slice %run_scoped3A[%rem3A_256, %parallel_loop3A_702, %parallel_loop3A_703] : memref<2x32x516xf32, #tpu.memory_space<vmem>> -> memref<1x32x516xf32, #tpu.memory_space<vmem>>
          %parallel_loop3A_705 = tpu.memref_squeeze %parallel_loop3A_704 : memref<1x32x516xf32, #tpu.memory_space<vmem>> -> memref<32x516xf32, #tpu.memory_space<vmem>>
          %parallel_loop3A_706 = tpu.vector_load_idx %parallel_loop3A_705[%parallel_loop3A_371, %parallel_loop3A_701] : memref<32x516xf32, #tpu.memory_space<vmem>>[vector<16xi32>, vector<16xi32>], vector<16xf32>,
          %parallel_loop3A_707 = arith.subf %parallel_loop3A_690, %parallel_loop3A_682 : vector<16xf32>
          %parallel_loop3A_708 = arith.mulf %parallel_loop3A_677, %parallel_loop3A_707 : vector<16xf32>
          %parallel_loop3A_709 = arith.addf %parallel_loop3A_682, %parallel_loop3A_708 : vector<16xf32>
          %parallel_loop3A_710 = arith.constant 0 : i32
          %parallel_loop3A_711 = arith.constant 0 : i32
          %parallel_loop3A_712 = tpu.memref_slice %run_scoped3A_10[%rem3A_260, %parallel_loop3A_710, %parallel_loop3A_711] : memref<2x32x260xf32, #tpu.memory_space<vmem>> -> memref<1x32x260xf32, #tpu.memory_space<vmem>>
          %parallel_loop3A_713 = tpu.memref_squeeze %parallel_loop3A_712 : memref<1x32x260xf32, #tpu.memory_space<vmem>> -> memref<32x260xf32, #tpu.memory_space<vmem>>
          %parallel_loop3A_714 = arith.index_cast %parallel_loop3A_370 : i32 to index
          %parallel_loop3A_715 = arith.constant 64 : index
          %parallel_loop3A_716 = tpu.vector_load %parallel_loop3A_713[%parallel_loop3A_714, %parallel_loop3A_715] {strides = array<i32>} : memref<32x260xf32, #tpu.memory_space<vmem>>, vector<16xf32>,
          tpu.vector_store %parallel_loop3A_713[%parallel_loop3A_714, %parallel_loop3A_715], %parallel_loop3A_709 {strides = array<i32>} : memref<32x260xf32, #tpu.memory_space<vmem>>, vector<16xf32>,
          %parallel_loop3A_717 = arith.subf %parallel_loop3A_706, %parallel_loop3A_698 : vector<16xf32>
          %parallel_loop3A_718 = arith.mulf %parallel_loop3A_677, %parallel_loop3A_717 : vector<16xf32>
          %parallel_loop3A_719 = arith.addf %parallel_loop3A_698, %parallel_loop3A_718 : vector<16xf32>
          %parallel_loop3A_720 = arith.constant 0 : i32
          %parallel_loop3A_721 = arith.constant 0 : i32
          %parallel_loop3A_722 = tpu.memref_slice %run_scoped3A_10[%rem3A_260, %parallel_loop3A_720, %parallel_loop3A_721] : memref<2x32x260xf32, #tpu.memory_space<vmem>> -> memref<1x32x260xf32, #tpu.memory_space<vmem>>
          %parallel_loop3A_723 = tpu.memref_squeeze %parallel_loop3A_722 : memref<1x32x260xf32, #tpu.memory_space<vmem>> -> memref<32x260xf32, #tpu.memory_space<vmem>>
          %parallel_loop3A_724 = arith.index_cast %parallel_loop3A_370 : i32 to index
          %parallel_loop3A_725 = arith.constant 192 : index
          %parallel_loop3A_726 = tpu.vector_load %parallel_loop3A_723[%parallel_loop3A_724, %parallel_loop3A_725] {strides = array<i32>} : memref<32x260xf32, #tpu.memory_space<vmem>>, vector<16xf32>,
          tpu.vector_store %parallel_loop3A_723[%parallel_loop3A_724, %parallel_loop3A_725], %parallel_loop3A_719 {strides = array<i32>} : memref<32x260xf32, #tpu.memory_space<vmem>>, vector<16xf32>,
          %parallel_loop3A_727 = arith.constant 0 : i32
          %parallel_loop3A_728 = arith.constant 0 : i32
          %parallel_loop3A_729 = tpu.memref_slice %run_scoped3A_8[%rem3A_258, %parallel_loop3A_727, %parallel_loop3A_728] : memref<2x32x128xf32, #tpu.memory_space<vmem>> -> memref<1x32x128xf32, #tpu.memory_space<vmem>>
          %parallel_loop3A_730 = tpu.memref_squeeze %parallel_loop3A_729 : memref<1x32x128xf32, #tpu.memory_space<vmem>> -> memref<32x128xf32, #tpu.memory_space<vmem>>
          %parallel_loop3A_731 = arith.index_cast %parallel_loop3A_370 : i32 to index
          %parallel_loop3A_732 = arith.constant 80 : index
          %parallel_loop3A_733 = tpu.vector_load %parallel_loop3A_730[%parallel_loop3A_731, %parallel_loop3A_732] {strides = array<i32>} : memref<32x128xf32, #tpu.memory_space<vmem>>, vector<16xf32>,
          %parallel_loop3A_734 = arith.constant 182.142853 : f32
          %parallel_loop3A_735 = vector.broadcast %parallel_loop3A_734 : f32 to vector<16xf32>
          %parallel_loop3A_736 = arith.mulf %parallel_loop3A_733, %parallel_loop3A_735 : vector<16xf32>
          %parallel_loop3A_737 = arith.constant 0.000000e+00 : f32
          %parallel_loop3A_738 = vector.broadcast %parallel_loop3A_737 : f32 to vector<16xf32>
          %parallel_loop3A_739 = arith.maximumf %parallel_loop3A_736, %parallel_loop3A_738 : vector<16xf32>
          %parallel_loop3A_740 = arith.constant 2.550000e+02 : f32
          %parallel_loop3A_741 = vector.broadcast %parallel_loop3A_740 : f32 to vector<16xf32>
          %parallel_loop3A_742 = arith.minimumf %parallel_loop3A_739, %parallel_loop3A_741 : vector<16xf32>
          %parallel_loop3A_743 = arith.fptosi %parallel_loop3A_742 : vector<16xf32> to vector<16xi32>
          %parallel_loop3A_744 = arith.constant 254 : i32
          %parallel_loop3A_745 = vector.broadcast %parallel_loop3A_744 : i32 to vector<16xi32>
          %parallel_loop3A_746 = arith.minsi %parallel_loop3A_743, %parallel_loop3A_745 : vector<16xi32>
          %parallel_loop3A_747 = arith.sitofp %parallel_loop3A_746 : vector<16xi32> to vector<16xf32>
          %parallel_loop3A_748 = arith.subf %parallel_loop3A_742, %parallel_loop3A_747 : vector<16xf32>
          %parallel_loop3A_749 = arith.constant 0 : i32
          %parallel_loop3A_750 = arith.constant 0 : i32
          %parallel_loop3A_751 = tpu.memref_slice %run_scoped3A[%rem3A_256, %parallel_loop3A_749, %parallel_loop3A_750] : memref<2x32x516xf32, #tpu.memory_space<vmem>> -> memref<1x32x516xf32, #tpu.memory_space<vmem>>
          %parallel_loop3A_752 = tpu.memref_squeeze %parallel_loop3A_751 : memref<1x32x516xf32, #tpu.memory_space<vmem>> -> memref<32x516xf32, #tpu.memory_space<vmem>>
          %parallel_loop3A_753 = tpu.vector_load_idx %parallel_loop3A_752[%parallel_loop3A_371, %parallel_loop3A_746] : memref<32x516xf32, #tpu.memory_space<vmem>>[vector<16xi32>, vector<16xi32>], vector<16xf32>,
          %parallel_loop3A_754 = arith.constant 1 : i32
          %parallel_loop3A_755 = vector.broadcast %parallel_loop3A_754 : i32 to vector<16xi32>
          %parallel_loop3A_756 = arith.addi %parallel_loop3A_746, %parallel_loop3A_755 : vector<16xi32>
          %parallel_loop3A_757 = arith.constant 0 : i32
          %parallel_loop3A_758 = arith.constant 0 : i32
          %parallel_loop3A_759 = tpu.memref_slice %run_scoped3A[%rem3A_256, %parallel_loop3A_757, %parallel_loop3A_758] : memref<2x32x516xf32, #tpu.memory_space<vmem>> -> memref<1x32x516xf32, #tpu.memory_space<vmem>>
          %parallel_loop3A_760 = tpu.memref_squeeze %parallel_loop3A_759 : memref<1x32x516xf32, #tpu.memory_space<vmem>> -> memref<32x516xf32, #tpu.memory_space<vmem>>
          %parallel_loop3A_761 = tpu.vector_load_idx %parallel_loop3A_760[%parallel_loop3A_371, %parallel_loop3A_756] : memref<32x516xf32, #tpu.memory_space<vmem>>[vector<16xi32>, vector<16xi32>], vector<16xf32>,
          %parallel_loop3A_762 = arith.constant 256 : i32
          %parallel_loop3A_763 = vector.broadcast %parallel_loop3A_762 : i32 to vector<16xi32>
          %parallel_loop3A_764 = arith.addi %parallel_loop3A_746, %parallel_loop3A_763 : vector<16xi32>
          %parallel_loop3A_765 = arith.constant 0 : i32
          %parallel_loop3A_766 = arith.constant 0 : i32
          %parallel_loop3A_767 = tpu.memref_slice %run_scoped3A[%rem3A_256, %parallel_loop3A_765, %parallel_loop3A_766] : memref<2x32x516xf32, #tpu.memory_space<vmem>> -> memref<1x32x516xf32, #tpu.memory_space<vmem>>
          %parallel_loop3A_768 = tpu.memref_squeeze %parallel_loop3A_767 : memref<1x32x516xf32, #tpu.memory_space<vmem>> -> memref<32x516xf32, #tpu.memory_space<vmem>>
          %parallel_loop3A_769 = tpu.vector_load_idx %parallel_loop3A_768[%parallel_loop3A_371, %parallel_loop3A_764] : memref<32x516xf32, #tpu.memory_space<vmem>>[vector<16xi32>, vector<16xi32>], vector<16xf32>,
          %parallel_loop3A_770 = arith.constant 257 : i32
          %parallel_loop3A_771 = vector.broadcast %parallel_loop3A_770 : i32 to vector<16xi32>
          %parallel_loop3A_772 = arith.addi %parallel_loop3A_746, %parallel_loop3A_771 : vector<16xi32>
          %parallel_loop3A_773 = arith.constant 0 : i32
          %parallel_loop3A_774 = arith.constant 0 : i32
          %parallel_loop3A_775 = tpu.memref_slice %run_scoped3A[%rem3A_256, %parallel_loop3A_773, %parallel_loop3A_774] : memref<2x32x516xf32, #tpu.memory_space<vmem>> -> memref<1x32x516xf32, #tpu.memory_space<vmem>>
          %parallel_loop3A_776 = tpu.memref_squeeze %parallel_loop3A_775 : memref<1x32x516xf32, #tpu.memory_space<vmem>> -> memref<32x516xf32, #tpu.memory_space<vmem>>
          %parallel_loop3A_777 = tpu.vector_load_idx %parallel_loop3A_776[%parallel_loop3A_371, %parallel_loop3A_772] : memref<32x516xf32, #tpu.memory_space<vmem>>[vector<16xi32>, vector<16xi32>], vector<16xf32>,
          %parallel_loop3A_778 = arith.subf %parallel_loop3A_761, %parallel_loop3A_753 : vector<16xf32>
          %parallel_loop3A_779 = arith.mulf %parallel_loop3A_748, %parallel_loop3A_778 : vector<16xf32>
          %parallel_loop3A_780 = arith.addf %parallel_loop3A_753, %parallel_loop3A_779 : vector<16xf32>
          %parallel_loop3A_781 = arith.constant 0 : i32
          %parallel_loop3A_782 = arith.constant 0 : i32
          %parallel_loop3A_783 = tpu.memref_slice %run_scoped3A_10[%rem3A_260, %parallel_loop3A_781, %parallel_loop3A_782] : memref<2x32x260xf32, #tpu.memory_space<vmem>> -> memref<1x32x260xf32, #tpu.memory_space<vmem>>
          %parallel_loop3A_784 = tpu.memref_squeeze %parallel_loop3A_783 : memref<1x32x260xf32, #tpu.memory_space<vmem>> -> memref<32x260xf32, #tpu.memory_space<vmem>>
          %parallel_loop3A_785 = arith.index_cast %parallel_loop3A_370 : i32 to index
          %parallel_loop3A_786 = arith.constant 80 : index
          %parallel_loop3A_787 = tpu.vector_load %parallel_loop3A_784[%parallel_loop3A_785, %parallel_loop3A_786] {strides = array<i32>} : memref<32x260xf32, #tpu.memory_space<vmem>>, vector<16xf32>,
          tpu.vector_store %parallel_loop3A_784[%parallel_loop3A_785, %parallel_loop3A_786], %parallel_loop3A_780 {strides = array<i32>} : memref<32x260xf32, #tpu.memory_space<vmem>>, vector<16xf32>,
          %parallel_loop3A_788 = arith.subf %parallel_loop3A_777, %parallel_loop3A_769 : vector<16xf32>
          %parallel_loop3A_789 = arith.mulf %parallel_loop3A_748, %parallel_loop3A_788 : vector<16xf32>
          %parallel_loop3A_790 = arith.addf %parallel_loop3A_769, %parallel_loop3A_789 : vector<16xf32>
          %parallel_loop3A_791 = arith.constant 0 : i32
          %parallel_loop3A_792 = arith.constant 0 : i32
          %parallel_loop3A_793 = tpu.memref_slice %run_scoped3A_10[%rem3A_260, %parallel_loop3A_791, %parallel_loop3A_792] : memref<2x32x260xf32, #tpu.memory_space<vmem>> -> memref<1x32x260xf32, #tpu.memory_space<vmem>>
          %parallel_loop3A_794 = tpu.memref_squeeze %parallel_loop3A_793 : memref<1x32x260xf32, #tpu.memory_space<vmem>> -> memref<32x260xf32, #tpu.memory_space<vmem>>
          %parallel_loop3A_795 = arith.index_cast %parallel_loop3A_370 : i32 to index
          %parallel_loop3A_796 = arith.constant 208 : index
          %parallel_loop3A_797 = tpu.vector_load %parallel_loop3A_794[%parallel_loop3A_795, %parallel_loop3A_796] {strides = array<i32>} : memref<32x260xf32, #tpu.memory_space<vmem>>, vector<16xf32>,
          tpu.vector_store %parallel_loop3A_794[%parallel_loop3A_795, %parallel_loop3A_796], %parallel_loop3A_790 {strides = array<i32>} : memref<32x260xf32, #tpu.memory_space<vmem>>, vector<16xf32>,
          %parallel_loop3A_798 = arith.constant 0 : i32
          %parallel_loop3A_799 = arith.constant 0 : i32
          %parallel_loop3A_800 = tpu.memref_slice %run_scoped3A_8[%rem3A_258, %parallel_loop3A_798, %parallel_loop3A_799] : memref<2x32x128xf32, #tpu.memory_space<vmem>> -> memref<1x32x128xf32, #tpu.memory_space<vmem>>
          %parallel_loop3A_801 = tpu.memref_squeeze %parallel_loop3A_800 : memref<1x32x128xf32, #tpu.memory_space<vmem>> -> memref<32x128xf32, #tpu.memory_space<vmem>>
          %parallel_loop3A_802 = arith.index_cast %parallel_loop3A_370 : i32 to index
          %parallel_loop3A_803 = arith.constant 96 : index
          %parallel_loop3A_804 = tpu.vector_load %parallel_loop3A_801[%parallel_loop3A_802, %parallel_loop3A_803] {strides = array<i32>} : memref<32x128xf32, #tpu.memory_space<vmem>>, vector<16xf32>,
          %parallel_loop3A_805 = arith.constant 182.142853 : f32
          %parallel_loop3A_806 = vector.broadcast %parallel_loop3A_805 : f32 to vector<16xf32>
          %parallel_loop3A_807 = arith.mulf %parallel_loop3A_804, %parallel_loop3A_806 : vector<16xf32>
          %parallel_loop3A_808 = arith.constant 0.000000e+00 : f32
          %parallel_loop3A_809 = vector.broadcast %parallel_loop3A_808 : f32 to vector<16xf32>
          %parallel_loop3A_810 = arith.maximumf %parallel_loop3A_807, %parallel_loop3A_809 : vector<16xf32>
          %parallel_loop3A_811 = arith.constant 2.550000e+02 : f32
          %parallel_loop3A_812 = vector.broadcast %parallel_loop3A_811 : f32 to vector<16xf32>
          %parallel_loop3A_813 = arith.minimumf %parallel_loop3A_810, %parallel_loop3A_812 : vector<16xf32>
          %parallel_loop3A_814 = arith.fptosi %parallel_loop3A_813 : vector<16xf32> to vector<16xi32>
          %parallel_loop3A_815 = arith.constant 254 : i32
          %parallel_loop3A_816 = vector.broadcast %parallel_loop3A_815 : i32 to vector<16xi32>
          %parallel_loop3A_817 = arith.minsi %parallel_loop3A_814, %parallel_loop3A_816 : vector<16xi32>
          %parallel_loop3A_818 = arith.sitofp %parallel_loop3A_817 : vector<16xi32> to vector<16xf32>
          %parallel_loop3A_819 = arith.subf %parallel_loop3A_813, %parallel_loop3A_818 : vector<16xf32>
          %parallel_loop3A_820 = arith.constant 0 : i32
          %parallel_loop3A_821 = arith.constant 0 : i32
          %parallel_loop3A_822 = tpu.memref_slice %run_scoped3A[%rem3A_256, %parallel_loop3A_820, %parallel_loop3A_821] : memref<2x32x516xf32, #tpu.memory_space<vmem>> -> memref<1x32x516xf32, #tpu.memory_space<vmem>>
          %parallel_loop3A_823 = tpu.memref_squeeze %parallel_loop3A_822 : memref<1x32x516xf32, #tpu.memory_space<vmem>> -> memref<32x516xf32, #tpu.memory_space<vmem>>
          %parallel_loop3A_824 = tpu.vector_load_idx %parallel_loop3A_823[%parallel_loop3A_371, %parallel_loop3A_817] : memref<32x516xf32, #tpu.memory_space<vmem>>[vector<16xi32>, vector<16xi32>], vector<16xf32>,
          %parallel_loop3A_825 = arith.constant 1 : i32
          %parallel_loop3A_826 = vector.broadcast %parallel_loop3A_825 : i32 to vector<16xi32>
          %parallel_loop3A_827 = arith.addi %parallel_loop3A_817, %parallel_loop3A_826 : vector<16xi32>
          %parallel_loop3A_828 = arith.constant 0 : i32
          %parallel_loop3A_829 = arith.constant 0 : i32
          %parallel_loop3A_830 = tpu.memref_slice %run_scoped3A[%rem3A_256, %parallel_loop3A_828, %parallel_loop3A_829] : memref<2x32x516xf32, #tpu.memory_space<vmem>> -> memref<1x32x516xf32, #tpu.memory_space<vmem>>
          %parallel_loop3A_831 = tpu.memref_squeeze %parallel_loop3A_830 : memref<1x32x516xf32, #tpu.memory_space<vmem>> -> memref<32x516xf32, #tpu.memory_space<vmem>>
          %parallel_loop3A_832 = tpu.vector_load_idx %parallel_loop3A_831[%parallel_loop3A_371, %parallel_loop3A_827] : memref<32x516xf32, #tpu.memory_space<vmem>>[vector<16xi32>, vector<16xi32>], vector<16xf32>,
          %parallel_loop3A_833 = arith.constant 256 : i32
          %parallel_loop3A_834 = vector.broadcast %parallel_loop3A_833 : i32 to vector<16xi32>
          %parallel_loop3A_835 = arith.addi %parallel_loop3A_817, %parallel_loop3A_834 : vector<16xi32>
          %parallel_loop3A_836 = arith.constant 0 : i32
          %parallel_loop3A_837 = arith.constant 0 : i32
          %parallel_loop3A_838 = tpu.memref_slice %run_scoped3A[%rem3A_256, %parallel_loop3A_836, %parallel_loop3A_837] : memref<2x32x516xf32, #tpu.memory_space<vmem>> -> memref<1x32x516xf32, #tpu.memory_space<vmem>>
          %parallel_loop3A_839 = tpu.memref_squeeze %parallel_loop3A_838 : memref<1x32x516xf32, #tpu.memory_space<vmem>> -> memref<32x516xf32, #tpu.memory_space<vmem>>
          %parallel_loop3A_840 = tpu.vector_load_idx %parallel_loop3A_839[%parallel_loop3A_371, %parallel_loop3A_835] : memref<32x516xf32, #tpu.memory_space<vmem>>[vector<16xi32>, vector<16xi32>], vector<16xf32>,
          %parallel_loop3A_841 = arith.constant 257 : i32
          %parallel_loop3A_842 = vector.broadcast %parallel_loop3A_841 : i32 to vector<16xi32>
          %parallel_loop3A_843 = arith.addi %parallel_loop3A_817, %parallel_loop3A_842 : vector<16xi32>
          %parallel_loop3A_844 = arith.constant 0 : i32
          %parallel_loop3A_845 = arith.constant 0 : i32
          %parallel_loop3A_846 = tpu.memref_slice %run_scoped3A[%rem3A_256, %parallel_loop3A_844, %parallel_loop3A_845] : memref<2x32x516xf32, #tpu.memory_space<vmem>> -> memref<1x32x516xf32, #tpu.memory_space<vmem>>
          %parallel_loop3A_847 = tpu.memref_squeeze %parallel_loop3A_846 : memref<1x32x516xf32, #tpu.memory_space<vmem>> -> memref<32x516xf32, #tpu.memory_space<vmem>>
          %parallel_loop3A_848 = tpu.vector_load_idx %parallel_loop3A_847[%parallel_loop3A_371, %parallel_loop3A_843] : memref<32x516xf32, #tpu.memory_space<vmem>>[vector<16xi32>, vector<16xi32>], vector<16xf32>,
          %parallel_loop3A_849 = arith.subf %parallel_loop3A_832, %parallel_loop3A_824 : vector<16xf32>
          %parallel_loop3A_850 = arith.mulf %parallel_loop3A_819, %parallel_loop3A_849 : vector<16xf32>
          %parallel_loop3A_851 = arith.addf %parallel_loop3A_824, %parallel_loop3A_850 : vector<16xf32>
          %parallel_loop3A_852 = arith.constant 0 : i32
          %parallel_loop3A_853 = arith.constant 0 : i32
          %parallel_loop3A_854 = tpu.memref_slice %run_scoped3A_10[%rem3A_260, %parallel_loop3A_852, %parallel_loop3A_853] : memref<2x32x260xf32, #tpu.memory_space<vmem>> -> memref<1x32x260xf32, #tpu.memory_space<vmem>>
          %parallel_loop3A_855 = tpu.memref_squeeze %parallel_loop3A_854 : memref<1x32x260xf32, #tpu.memory_space<vmem>> -> memref<32x260xf32, #tpu.memory_space<vmem>>
          %parallel_loop3A_856 = arith.index_cast %parallel_loop3A_370 : i32 to index
          %parallel_loop3A_857 = arith.constant 96 : index
          %parallel_loop3A_858 = tpu.vector_load %parallel_loop3A_855[%parallel_loop3A_856, %parallel_loop3A_857] {strides = array<i32>} : memref<32x260xf32, #tpu.memory_space<vmem>>, vector<16xf32>,
          tpu.vector_store %parallel_loop3A_855[%parallel_loop3A_856, %parallel_loop3A_857], %parallel_loop3A_851 {strides = array<i32>} : memref<32x260xf32, #tpu.memory_space<vmem>>, vector<16xf32>,
          %parallel_loop3A_859 = arith.subf %parallel_loop3A_848, %parallel_loop3A_840 : vector<16xf32>
          %parallel_loop3A_860 = arith.mulf %parallel_loop3A_819, %parallel_loop3A_859 : vector<16xf32>
          %parallel_loop3A_861 = arith.addf %parallel_loop3A_840, %parallel_loop3A_860 : vector<16xf32>
          %parallel_loop3A_862 = arith.constant 0 : i32
          %parallel_loop3A_863 = arith.constant 0 : i32
          %parallel_loop3A_864 = tpu.memref_slice %run_scoped3A_10[%rem3A_260, %parallel_loop3A_862, %parallel_loop3A_863] : memref<2x32x260xf32, #tpu.memory_space<vmem>> -> memref<1x32x260xf32, #tpu.memory_space<vmem>>
          %parallel_loop3A_865 = tpu.memref_squeeze %parallel_loop3A_864 : memref<1x32x260xf32, #tpu.memory_space<vmem>> -> memref<32x260xf32, #tpu.memory_space<vmem>>
          %parallel_loop3A_866 = arith.index_cast %parallel_loop3A_370 : i32 to index
          %parallel_loop3A_867 = arith.constant 224 : index
          %parallel_loop3A_868 = tpu.vector_load %parallel_loop3A_865[%parallel_loop3A_866, %parallel_loop3A_867] {strides = array<i32>} : memref<32x260xf32, #tpu.memory_space<vmem>>, vector<16xf32>,
          tpu.vector_store %parallel_loop3A_865[%parallel_loop3A_866, %parallel_loop3A_867], %parallel_loop3A_861 {strides = array<i32>} : memref<32x260xf32, #tpu.memory_space<vmem>>, vector<16xf32>,
          %parallel_loop3A_869 = arith.constant 0 : i32
          %parallel_loop3A_870 = arith.constant 0 : i32
          %parallel_loop3A_871 = tpu.memref_slice %run_scoped3A_8[%rem3A_258, %parallel_loop3A_869, %parallel_loop3A_870] : memref<2x32x128xf32, #tpu.memory_space<vmem>> -> memref<1x32x128xf32, #tpu.memory_space<vmem>>
          %parallel_loop3A_872 = tpu.memref_squeeze %parallel_loop3A_871 : memref<1x32x128xf32, #tpu.memory_space<vmem>> -> memref<32x128xf32, #tpu.memory_space<vmem>>
          %parallel_loop3A_873 = arith.index_cast %parallel_loop3A_370 : i32 to index
          %parallel_loop3A_874 = arith.constant 112 : index
          %parallel_loop3A_875 = tpu.vector_load %parallel_loop3A_872[%parallel_loop3A_873, %parallel_loop3A_874] {strides = array<i32>} : memref<32x128xf32, #tpu.memory_space<vmem>>, vector<16xf32>,
          %parallel_loop3A_876 = arith.constant 182.142853 : f32
          %parallel_loop3A_877 = vector.broadcast %parallel_loop3A_876 : f32 to vector<16xf32>
          %parallel_loop3A_878 = arith.mulf %parallel_loop3A_875, %parallel_loop3A_877 : vector<16xf32>
          %parallel_loop3A_879 = arith.constant 0.000000e+00 : f32
          %parallel_loop3A_880 = vector.broadcast %parallel_loop3A_879 : f32 to vector<16xf32>
          %parallel_loop3A_881 = arith.maximumf %parallel_loop3A_878, %parallel_loop3A_880 : vector<16xf32>
          %parallel_loop3A_882 = arith.constant 2.550000e+02 : f32
          %parallel_loop3A_883 = vector.broadcast %parallel_loop3A_882 : f32 to vector<16xf32>
          %parallel_loop3A_884 = arith.minimumf %parallel_loop3A_881, %parallel_loop3A_883 : vector<16xf32>
          %parallel_loop3A_885 = arith.fptosi %parallel_loop3A_884 : vector<16xf32> to vector<16xi32>
          %parallel_loop3A_886 = arith.constant 254 : i32
          %parallel_loop3A_887 = vector.broadcast %parallel_loop3A_886 : i32 to vector<16xi32>
          %parallel_loop3A_888 = arith.minsi %parallel_loop3A_885, %parallel_loop3A_887 : vector<16xi32>
          %parallel_loop3A_889 = arith.sitofp %parallel_loop3A_888 : vector<16xi32> to vector<16xf32>
          %parallel_loop3A_890 = arith.subf %parallel_loop3A_884, %parallel_loop3A_889 : vector<16xf32>
          %parallel_loop3A_891 = arith.constant 0 : i32
          %parallel_loop3A_892 = arith.constant 0 : i32
          %parallel_loop3A_893 = tpu.memref_slice %run_scoped3A[%rem3A_256, %parallel_loop3A_891, %parallel_loop3A_892] : memref<2x32x516xf32, #tpu.memory_space<vmem>> -> memref<1x32x516xf32, #tpu.memory_space<vmem>>
          %parallel_loop3A_894 = tpu.memref_squeeze %parallel_loop3A_893 : memref<1x32x516xf32, #tpu.memory_space<vmem>> -> memref<32x516xf32, #tpu.memory_space<vmem>>
          %parallel_loop3A_895 = tpu.vector_load_idx %parallel_loop3A_894[%parallel_loop3A_371, %parallel_loop3A_888] : memref<32x516xf32, #tpu.memory_space<vmem>>[vector<16xi32>, vector<16xi32>], vector<16xf32>,
          %parallel_loop3A_896 = arith.constant 1 : i32
          %parallel_loop3A_897 = vector.broadcast %parallel_loop3A_896 : i32 to vector<16xi32>
          %parallel_loop3A_898 = arith.addi %parallel_loop3A_888, %parallel_loop3A_897 : vector<16xi32>
          %parallel_loop3A_899 = arith.constant 0 : i32
          %parallel_loop3A_900 = arith.constant 0 : i32
          %parallel_loop3A_901 = tpu.memref_slice %run_scoped3A[%rem3A_256, %parallel_loop3A_899, %parallel_loop3A_900] : memref<2x32x516xf32, #tpu.memory_space<vmem>> -> memref<1x32x516xf32, #tpu.memory_space<vmem>>
          %parallel_loop3A_902 = tpu.memref_squeeze %parallel_loop3A_901 : memref<1x32x516xf32, #tpu.memory_space<vmem>> -> memref<32x516xf32, #tpu.memory_space<vmem>>
          %parallel_loop3A_903 = tpu.vector_load_idx %parallel_loop3A_902[%parallel_loop3A_371, %parallel_loop3A_898] : memref<32x516xf32, #tpu.memory_space<vmem>>[vector<16xi32>, vector<16xi32>], vector<16xf32>,
          %parallel_loop3A_904 = arith.constant 256 : i32
          %parallel_loop3A_905 = vector.broadcast %parallel_loop3A_904 : i32 to vector<16xi32>
          %parallel_loop3A_906 = arith.addi %parallel_loop3A_888, %parallel_loop3A_905 : vector<16xi32>
          %parallel_loop3A_907 = arith.constant 0 : i32
          %parallel_loop3A_908 = arith.constant 0 : i32
          %parallel_loop3A_909 = tpu.memref_slice %run_scoped3A[%rem3A_256, %parallel_loop3A_907, %parallel_loop3A_908] : memref<2x32x516xf32, #tpu.memory_space<vmem>> -> memref<1x32x516xf32, #tpu.memory_space<vmem>>
          %parallel_loop3A_910 = tpu.memref_squeeze %parallel_loop3A_909 : memref<1x32x516xf32, #tpu.memory_space<vmem>> -> memref<32x516xf32, #tpu.memory_space<vmem>>
          %parallel_loop3A_911 = tpu.vector_load_idx %parallel_loop3A_910[%parallel_loop3A_371, %parallel_loop3A_906] : memref<32x516xf32, #tpu.memory_space<vmem>>[vector<16xi32>, vector<16xi32>], vector<16xf32>,
          %parallel_loop3A_912 = arith.constant 257 : i32
          %parallel_loop3A_913 = vector.broadcast %parallel_loop3A_912 : i32 to vector<16xi32>
          %parallel_loop3A_914 = arith.addi %parallel_loop3A_888, %parallel_loop3A_913 : vector<16xi32>
          %parallel_loop3A_915 = arith.constant 0 : i32
          %parallel_loop3A_916 = arith.constant 0 : i32
          %parallel_loop3A_917 = tpu.memref_slice %run_scoped3A[%rem3A_256, %parallel_loop3A_915, %parallel_loop3A_916] : memref<2x32x516xf32, #tpu.memory_space<vmem>> -> memref<1x32x516xf32, #tpu.memory_space<vmem>>
          %parallel_loop3A_918 = tpu.memref_squeeze %parallel_loop3A_917 : memref<1x32x516xf32, #tpu.memory_space<vmem>> -> memref<32x516xf32, #tpu.memory_space<vmem>>
          %parallel_loop3A_919 = tpu.vector_load_idx %parallel_loop3A_918[%parallel_loop3A_371, %parallel_loop3A_914] : memref<32x516xf32, #tpu.memory_space<vmem>>[vector<16xi32>, vector<16xi32>], vector<16xf32>,
          %parallel_loop3A_920 = arith.subf %parallel_loop3A_903, %parallel_loop3A_895 : vector<16xf32>
          %parallel_loop3A_921 = arith.mulf %parallel_loop3A_890, %parallel_loop3A_920 : vector<16xf32>
          %parallel_loop3A_922 = arith.addf %parallel_loop3A_895, %parallel_loop3A_921 : vector<16xf32>
          %parallel_loop3A_923 = arith.constant 0 : i32
          %parallel_loop3A_924 = arith.constant 0 : i32
          %parallel_loop3A_925 = tpu.memref_slice %run_scoped3A_10[%rem3A_260, %parallel_loop3A_923, %parallel_loop3A_924] : memref<2x32x260xf32, #tpu.memory_space<vmem>> -> memref<1x32x260xf32, #tpu.memory_space<vmem>>
          %parallel_loop3A_926 = tpu.memref_squeeze %parallel_loop3A_925 : memref<1x32x260xf32, #tpu.memory_space<vmem>> -> memref<32x260xf32, #tpu.memory_space<vmem>>
          %parallel_loop3A_927 = arith.index_cast %parallel_loop3A_370 : i32 to index
          %parallel_loop3A_928 = arith.constant 112 : index
          %parallel_loop3A_929 = tpu.vector_load %parallel_loop3A_926[%parallel_loop3A_927, %parallel_loop3A_928] {strides = array<i32>} : memref<32x260xf32, #tpu.memory_space<vmem>>, vector<16xf32>,
          tpu.vector_store %parallel_loop3A_926[%parallel_loop3A_927, %parallel_loop3A_928], %parallel_loop3A_922 {strides = array<i32>} : memref<32x260xf32, #tpu.memory_space<vmem>>, vector<16xf32>,
          %parallel_loop3A_930 = arith.subf %parallel_loop3A_919, %parallel_loop3A_911 : vector<16xf32>
          %parallel_loop3A_931 = arith.mulf %parallel_loop3A_890, %parallel_loop3A_930 : vector<16xf32>
          %parallel_loop3A_932 = arith.addf %parallel_loop3A_911, %parallel_loop3A_931 : vector<16xf32>
          %parallel_loop3A_933 = arith.constant 0 : i32
          %parallel_loop3A_934 = arith.constant 0 : i32
          %parallel_loop3A_935 = tpu.memref_slice %run_scoped3A_10[%rem3A_260, %parallel_loop3A_933, %parallel_loop3A_934] : memref<2x32x260xf32, #tpu.memory_space<vmem>> -> memref<1x32x260xf32, #tpu.memory_space<vmem>>
          %parallel_loop3A_936 = tpu.memref_squeeze %parallel_loop3A_935 : memref<1x32x260xf32, #tpu.memory_space<vmem>> -> memref<32x260xf32, #tpu.memory_space<vmem>>
          %parallel_loop3A_937 = arith.index_cast %parallel_loop3A_370 : i32 to index
          %parallel_loop3A_938 = arith.constant 240 : index
          %parallel_loop3A_939 = tpu.vector_load %parallel_loop3A_936[%parallel_loop3A_937, %parallel_loop3A_938] {strides = array<i32>} : memref<32x260xf32, #tpu.memory_space<vmem>>, vector<16xf32>,
          tpu.vector_store %parallel_loop3A_936[%parallel_loop3A_937, %parallel_loop3A_938], %parallel_loop3A_932 {strides = array<i32>} : memref<32x260xf32, #tpu.memory_space<vmem>>, vector<16xf32>,
        } {sc.loop_unroll_factor = 2 : i64, sc.parallel_access}
        %iota3A = tpu.iota {dimensions = array<i32: 0>} : vector<16xi32>
        %parallel_loop3A_263 = arith.constant 0 : i32
        %parallel_loop3A_264 = arith.constant 32 : i32
        %parallel_loop3A_265 = arith.constant 16 : i32
        scf.for %parallel_loop3A_370 = %parallel_loop3A_263 to %parallel_loop3A_264 step %parallel_loop3A_265  : i32 {
          %parallel_loop3A_371 = vector.broadcast %parallel_loop3A_370 : i32 to vector<16xi32>
          %parallel_loop3A_372 = arith.addi %iota3A, %parallel_loop3A_371 : vector<16xi32>
          %parallel_loop3A_373 = arith.constant 512 : i32
          %parallel_loop3A_374 = vector.broadcast %parallel_loop3A_373 : i32 to vector<16xi32>
          %parallel_loop3A_375 = arith.constant 0 : i32
          %parallel_loop3A_376 = arith.constant 0 : i32
          %parallel_loop3A_377 = tpu.memref_slice %run_scoped3A[%rem3A_256, %parallel_loop3A_375, %parallel_loop3A_376] : memref<2x32x516xf32, #tpu.memory_space<vmem>> -> memref<1x32x516xf32, #tpu.memory_space<vmem>>
          %parallel_loop3A_378 = tpu.memref_squeeze %parallel_loop3A_377 : memref<1x32x516xf32, #tpu.memory_space<vmem>> -> memref<32x516xf32, #tpu.memory_space<vmem>>
          %parallel_loop3A_379 = tpu.vector_load_idx %parallel_loop3A_378[%parallel_loop3A_372, %parallel_loop3A_374] : memref<32x516xf32, #tpu.memory_space<vmem>>[vector<16xi32>, vector<16xi32>], vector<16xf32>,
          %parallel_loop3A_380 = arith.constant 256 : i32
          %parallel_loop3A_381 = vector.broadcast %parallel_loop3A_380 : i32 to vector<16xi32>
          %parallel_loop3A_382 = arith.constant 0 : i32
          %parallel_loop3A_383 = arith.constant 0 : i32
          %parallel_loop3A_384 = tpu.memref_slice %run_scoped3A_10[%rem3A_260, %parallel_loop3A_382, %parallel_loop3A_383] : memref<2x32x260xf32, #tpu.memory_space<vmem>> -> memref<1x32x260xf32, #tpu.memory_space<vmem>>
          %parallel_loop3A_385 = tpu.memref_squeeze %parallel_loop3A_384 : memref<1x32x260xf32, #tpu.memory_space<vmem>> -> memref<32x260xf32, #tpu.memory_space<vmem>>
          tpu.vector_store_idx %parallel_loop3A_385[%parallel_loop3A_372, %parallel_loop3A_381], %parallel_loop3A_379 : memref<32x260xf32, #tpu.memory_space<vmem>>[vector<16xi32>, vector<16xi32>], vector<16xf32>,
          %parallel_loop3A_386 = arith.constant 513 : i32
          %parallel_loop3A_387 = vector.broadcast %parallel_loop3A_386 : i32 to vector<16xi32>
          %parallel_loop3A_388 = arith.constant 0 : i32
          %parallel_loop3A_389 = arith.constant 0 : i32
          %parallel_loop3A_390 = tpu.memref_slice %run_scoped3A[%rem3A_256, %parallel_loop3A_388, %parallel_loop3A_389] : memref<2x32x516xf32, #tpu.memory_space<vmem>> -> memref<1x32x516xf32, #tpu.memory_space<vmem>>
          %parallel_loop3A_391 = tpu.memref_squeeze %parallel_loop3A_390 : memref<1x32x516xf32, #tpu.memory_space<vmem>> -> memref<32x516xf32, #tpu.memory_space<vmem>>
          %parallel_loop3A_392 = tpu.vector_load_idx %parallel_loop3A_391[%parallel_loop3A_372, %parallel_loop3A_387] : memref<32x516xf32, #tpu.memory_space<vmem>>[vector<16xi32>, vector<16xi32>], vector<16xf32>,
          %parallel_loop3A_393 = arith.constant 257 : i32
          %parallel_loop3A_394 = vector.broadcast %parallel_loop3A_393 : i32 to vector<16xi32>
          %parallel_loop3A_395 = arith.constant 0 : i32
          %parallel_loop3A_396 = arith.constant 0 : i32
          %parallel_loop3A_397 = tpu.memref_slice %run_scoped3A_10[%rem3A_260, %parallel_loop3A_395, %parallel_loop3A_396] : memref<2x32x260xf32, #tpu.memory_space<vmem>> -> memref<1x32x260xf32, #tpu.memory_space<vmem>>
          %parallel_loop3A_398 = tpu.memref_squeeze %parallel_loop3A_397 : memref<1x32x260xf32, #tpu.memory_space<vmem>> -> memref<32x260xf32, #tpu.memory_space<vmem>>
          tpu.vector_store_idx %parallel_loop3A_398[%parallel_loop3A_372, %parallel_loop3A_394], %parallel_loop3A_392 : memref<32x260xf32, #tpu.memory_space<vmem>>[vector<16xi32>, vector<16xi32>], vector<16xf32>,
          %parallel_loop3A_399 = arith.constant 514 : i32
          %parallel_loop3A_400 = vector.broadcast %parallel_loop3A_399 : i32 to vector<16xi32>
          %parallel_loop3A_401 = arith.constant 0 : i32
          %parallel_loop3A_402 = arith.constant 0 : i32
          %parallel_loop3A_403 = tpu.memref_slice %run_scoped3A[%rem3A_256, %parallel_loop3A_401, %parallel_loop3A_402] : memref<2x32x516xf32, #tpu.memory_space<vmem>> -> memref<1x32x516xf32, #tpu.memory_space<vmem>>
          %parallel_loop3A_404 = tpu.memref_squeeze %parallel_loop3A_403 : memref<1x32x516xf32, #tpu.memory_space<vmem>> -> memref<32x516xf32, #tpu.memory_space<vmem>>
          %parallel_loop3A_405 = tpu.vector_load_idx %parallel_loop3A_404[%parallel_loop3A_372, %parallel_loop3A_400] : memref<32x516xf32, #tpu.memory_space<vmem>>[vector<16xi32>, vector<16xi32>], vector<16xf32>,
          %parallel_loop3A_406 = arith.constant 258 : i32
          %parallel_loop3A_407 = vector.broadcast %parallel_loop3A_406 : i32 to vector<16xi32>
          %parallel_loop3A_408 = arith.constant 0 : i32
          %parallel_loop3A_409 = arith.constant 0 : i32
          %parallel_loop3A_410 = tpu.memref_slice %run_scoped3A_10[%rem3A_260, %parallel_loop3A_408, %parallel_loop3A_409] : memref<2x32x260xf32, #tpu.memory_space<vmem>> -> memref<1x32x260xf32, #tpu.memory_space<vmem>>
          %parallel_loop3A_411 = tpu.memref_squeeze %parallel_loop3A_410 : memref<1x32x260xf32, #tpu.memory_space<vmem>> -> memref<32x260xf32, #tpu.memory_space<vmem>>
          tpu.vector_store_idx %parallel_loop3A_411[%parallel_loop3A_372, %parallel_loop3A_407], %parallel_loop3A_405 : memref<32x260xf32, #tpu.memory_space<vmem>>[vector<16xi32>, vector<16xi32>], vector<16xf32>,
          %parallel_loop3A_412 = arith.constant 515 : i32
          %parallel_loop3A_413 = vector.broadcast %parallel_loop3A_412 : i32 to vector<16xi32>
          %parallel_loop3A_414 = arith.constant 0 : i32
          %parallel_loop3A_415 = arith.constant 0 : i32
          %parallel_loop3A_416 = tpu.memref_slice %run_scoped3A[%rem3A_256, %parallel_loop3A_414, %parallel_loop3A_415] : memref<2x32x516xf32, #tpu.memory_space<vmem>> -> memref<1x32x516xf32, #tpu.memory_space<vmem>>
          %parallel_loop3A_417 = tpu.memref_squeeze %parallel_loop3A_416 : memref<1x32x516xf32, #tpu.memory_space<vmem>> -> memref<32x516xf32, #tpu.memory_space<vmem>>
          %parallel_loop3A_418 = tpu.vector_load_idx %parallel_loop3A_417[%parallel_loop3A_372, %parallel_loop3A_413] : memref<32x516xf32, #tpu.memory_space<vmem>>[vector<16xi32>, vector<16xi32>], vector<16xf32>,
          %parallel_loop3A_419 = arith.constant 259 : i32
          %parallel_loop3A_420 = vector.broadcast %parallel_loop3A_419 : i32 to vector<16xi32>
          %parallel_loop3A_421 = arith.constant 0 : i32
          %parallel_loop3A_422 = arith.constant 0 : i32
          %parallel_loop3A_423 = tpu.memref_slice %run_scoped3A_10[%rem3A_260, %parallel_loop3A_421, %parallel_loop3A_422] : memref<2x32x260xf32, #tpu.memory_space<vmem>> -> memref<1x32x260xf32, #tpu.memory_space<vmem>>
          %parallel_loop3A_424 = tpu.memref_squeeze %parallel_loop3A_423 : memref<1x32x260xf32, #tpu.memory_space<vmem>> -> memref<32x260xf32, #tpu.memory_space<vmem>>
          tpu.vector_store_idx %parallel_loop3A_424[%parallel_loop3A_372, %parallel_loop3A_420], %parallel_loop3A_418 : memref<32x260xf32, #tpu.memory_space<vmem>>[vector<16xi32>, vector<16xi32>], vector<16xf32>,
        } {sc.loop_unroll_factor = 1 : i64, sc.parallel_access}
        "tpu.trace_stop"() : () -> ()
        %ne3A_266 = arith.cmpi ne, %add3A_161, %add3A_179 : i32
        %or3A_267 = arith.constant false
        %or3A_268 = arith.ori %or3A_267, %ne3A_266 : i1
        %or3A_269 = arith.constant false
        %or3A_270 = arith.ori %or3A_268, %or3A_269 : i1
        %or3A_271 = arith.ori %or3A_270, %eq3A_160 : i1
        %convert_element_type3A_272 = arith.extui %or3A_271 : i1 to i32
        %cond3A_273 = arith.constant 0 : i32
        %cond3A_274 = arith.cmpi ne, %convert_element_type3A_272, %cond3A_273 : i32
        scf.if %cond3A_274 {
        } else {
        }
        %and3A_275 = arith.constant false
        %and3A_276 = arith.andi %or3A_271, %and3A_275 : i1
        %ne3A_277 = arith.cmpi ne, %add3A_161, %add3A_179 : i32
        %or3A_278 = arith.constant false
        %or3A_279 = arith.ori %or3A_278, %ne3A_277 : i1
        %or3A_280 = arith.constant false
        %or3A_281 = arith.ori %or3A_279, %or3A_280 : i1
        %or3A_282 = arith.ori %or3A_281, %eq3A_160 : i1
        %convert_element_type3A_283 = arith.extui %or3A_282 : i1 to i32
        %cond3A_284 = arith.constant 0 : i32
        %cond3A_285 = arith.cmpi ne, %convert_element_type3A_283, %cond3A_284 : i32
        scf.if %cond3A_285 {
        } else {
        }
        %and3A_286 = arith.constant false
        %and3A_287 = arith.andi %or3A_282, %and3A_286 : i1
        %ne3A_288 = arith.cmpi ne, %add3A_161, %add3A_179 : i32
        %or3A_289 = arith.constant false
        %or3A_290 = arith.ori %or3A_289, %ne3A_288 : i1
        %or3A_291 = arith.constant false
        %or3A_292 = arith.ori %or3A_290, %or3A_291 : i1
        %or3A_293 = arith.ori %or3A_292, %eq3A_160 : i1
        %convert_element_type3A_294 = arith.extui %or3A_293 : i1 to i32
        %cond3A_295 = arith.constant 0 : i32
        %cond3A_296 = arith.cmpi ne, %convert_element_type3A_294, %cond3A_295 : i32
        scf.if %cond3A_296 {
          "tpu.trace_start"() <{level = 10 : i32, message = "ep_copy_out"}> : () -> ()
          %rem3A_370 = arith.constant 2 : i32
          %rem3A_371 = arith.remui %scan3A_154, %rem3A_370 : i32
          %mul3A_372 = arith.constant 32 : i32
          %mul3A_373 = arith.muli %mul3A_372, %add3A_161 : i32
          %dma_start3A_374 = arith.constant 0 : i32
          %dma_start3A_375 = arith.constant 0 : i32
          %dma_start3A_376 = tpu.memref_slice %run_scoped3A_10[%rem3A_371, %dma_start3A_374, %dma_start3A_375] : memref<2x32x260xf32, #tpu.memory_space<vmem>> -> memref<1x32x260xf32, #tpu.memory_space<vmem>>
          %dma_start3A_377 = tpu.memref_squeeze %dma_start3A_376 : memref<1x32x260xf32, #tpu.memory_space<vmem>> -> memref<32x260xf32, #tpu.memory_space<vmem>>
          %dma_start3A_378 = arith.constant 0 : i32
          %dma_start3A_379 = tpu.memref_slice %arg4[%mul3A_373, %dma_start3A_378] : memref<8192x260xf32, #tpu.memory_space<hbm>> -> memref<32x260xf32, #tpu.memory_space<hbm>>
          %dma_start3A_380 = tpu.memref_slice %run_scoped3A_11[%rem3A_371] : memref<2x!tpu.dma_semaphore, #tpu.memory_space<semaphore_mem>> -> memref<1x!tpu.dma_semaphore, #tpu.memory_space<semaphore_mem>>
          %dma_start3A_381 = tpu.memref_squeeze %dma_start3A_380 : memref<1x!tpu.dma_semaphore, #tpu.memory_space<semaphore_mem>> -> memref<!tpu.dma_semaphore, #tpu.memory_space<semaphore_mem>>
          %dma_start3A_382 = arith.constant 0 : i32
          %dma_start3A_383 = tpu.memref_slice %arg4[%mul3A_373, %dma_start3A_382] : memref<8192x260xf32, #tpu.memory_space<hbm>> -> memref<32x260xf32, #tpu.memory_space<hbm>>
          %dma_start3A_384 = arith.constant 0 : i32
          %dma_start3A_385 = arith.constant 0 : i32
          %dma_start3A_386 = tpu.memref_slice %run_scoped3A_10[%rem3A_371, %dma_start3A_384, %dma_start3A_385] : memref<2x32x260xf32, #tpu.memory_space<vmem>> -> memref<1x32x260xf32, #tpu.memory_space<vmem>>
          %dma_start3A_387 = tpu.memref_squeeze %dma_start3A_386 : memref<1x32x260xf32, #tpu.memory_space<vmem>> -> memref<32x260xf32, #tpu.memory_space<vmem>>
          tpu.enqueue_dma source(%dma_start3A_387 : memref<32x260xf32, #tpu.memory_space<vmem>>) target(%dma_start3A_383 : memref<32x260xf32, #tpu.memory_space<hbm>>) target_semaphore(%dma_start3A_381 : memref<!tpu.dma_semaphore, #tpu.memory_space<semaphore_mem>>)
          "tpu.trace_stop"() : () -> ()
        } else {
        }
        %and3A_297 = arith.constant true
        %and3A_298 = arith.andi %or3A_293, %and3A_297 : i1
        %add3A_299 = arith.constant 1 : i32
        %add3A_300 = arith.addi %scan3A_154, %add3A_299 : i32
        %select_n3A_301 = arith.select %and3A_298, %add3A_300, %scan3A_154 : i32
        %ne3A_302 = arith.cmpi ne, %add3A_161, %add3A_170 : i32
        %or3A_303 = arith.constant false
        %or3A_304 = arith.ori %or3A_303, %ne3A_302 : i1
        %or3A_305 = arith.constant false
        %or3A_306 = arith.ori %or3A_304, %or3A_305 : i1
        %not3A_307 = arith.constant true
        %not3A_308 = arith.xori %eq3A_158, %not3A_307 : i1
        %and3A_309 = arith.andi %or3A_306, %not3A_308 : i1
        %convert_element_type3A_310 = arith.extui %and3A_309 : i1 to i32
        %cond3A_311 = arith.constant 0 : i32
        %cond3A_312 = arith.cmpi ne, %convert_element_type3A_310, %cond3A_311 : i32
        scf.if %cond3A_312 {
        } else {
        }
        %and3A_313 = arith.constant false
        %and3A_314 = arith.andi %and3A_309, %and3A_313 : i1
        %ne3A_315 = arith.cmpi ne, %add3A_161, %add3A_170 : i32
        %or3A_316 = arith.constant false
        %or3A_317 = arith.ori %or3A_316, %ne3A_315 : i1
        %or3A_318 = arith.constant false
        %or3A_319 = arith.ori %or3A_317, %or3A_318 : i1
        %not3A_320 = arith.constant true
        %not3A_321 = arith.xori %eq3A_158, %not3A_320 : i1
        %and3A_322 = arith.andi %or3A_319, %not3A_321 : i1
        %convert_element_type3A_323 = arith.extui %and3A_322 : i1 to i32
        %cond3A_324 = arith.constant 0 : i32
        %cond3A_325 = arith.cmpi ne, %convert_element_type3A_323, %cond3A_324 : i32
        scf.if %cond3A_325 {
        } else {
        }
        %and3A_326 = arith.constant false
        %and3A_327 = arith.andi %and3A_322, %and3A_326 : i1
        %ne3A_328 = arith.cmpi ne, %add3A_161, %add3A_170 : i32
        %or3A_329 = arith.constant false
        %or3A_330 = arith.ori %or3A_329, %ne3A_328 : i1
        %or3A_331 = arith.constant false
        %or3A_332 = arith.ori %or3A_330, %or3A_331 : i1
        %not3A_333 = arith.constant true
        %not3A_334 = arith.xori %eq3A_158, %not3A_333 : i1
        %and3A_335 = arith.andi %or3A_332, %not3A_334 : i1
        %convert_element_type3A_336 = arith.extui %and3A_335 : i1 to i32
        %cond3A_337 = arith.constant 0 : i32
        %cond3A_338 = arith.cmpi ne, %convert_element_type3A_336, %cond3A_337 : i32
        scf.if %cond3A_338 {
          "tpu.trace_start"() <{level = 10 : i32, message = "ep_wait_out"}> : () -> ()
          %rem3A_370 = arith.constant 2 : i32
          %rem3A_371 = arith.remui %scan3A_155, %rem3A_370 : i32
          %mul3A_372 = arith.constant 32 : i32
          %mul3A_373 = arith.muli %mul3A_372, %add3A_170 : i32
          %dma_wait3A_374 = arith.constant 0 : i32
          %dma_wait3A_375 = arith.constant 0 : i32
          %dma_wait3A_376 = tpu.memref_slice %run_scoped3A_10[%rem3A_371, %dma_wait3A_374, %dma_wait3A_375] : memref<2x32x260xf32, #tpu.memory_space<vmem>> -> memref<1x32x260xf32, #tpu.memory_space<vmem>>
          %dma_wait3A_377 = tpu.memref_squeeze %dma_wait3A_376 : memref<1x32x260xf32, #tpu.memory_space<vmem>> -> memref<32x260xf32, #tpu.memory_space<vmem>>
          %dma_wait3A_378 = arith.constant 0 : i32
          %dma_wait3A_379 = tpu.memref_slice %arg4[%mul3A_373, %dma_wait3A_378] : memref<8192x260xf32, #tpu.memory_space<hbm>> -> memref<32x260xf32, #tpu.memory_space<hbm>>
          %dma_wait3A_380 = tpu.memref_slice %run_scoped3A_11[%rem3A_371] : memref<2x!tpu.dma_semaphore, #tpu.memory_space<semaphore_mem>> -> memref<1x!tpu.dma_semaphore, #tpu.memory_space<semaphore_mem>>
          %dma_wait3A_381 = tpu.memref_squeeze %dma_wait3A_380 : memref<1x!tpu.dma_semaphore, #tpu.memory_space<semaphore_mem>> -> memref<!tpu.dma_semaphore, #tpu.memory_space<semaphore_mem>>
          %dma_wait3A_382 = arith.constant 0 : i32
          %dma_wait3A_383 = tpu.memref_slice %arg4[%mul3A_373, %dma_wait3A_382] : memref<8192x260xf32, #tpu.memory_space<hbm>> -> memref<32x260xf32, #tpu.memory_space<hbm>>
          %dma_wait3A_384 = arith.constant 0 : i32
          %dma_wait3A_385 = arith.constant 0 : i32
          %dma_wait3A_386 = tpu.memref_slice %run_scoped3A_10[%rem3A_371, %dma_wait3A_384, %dma_wait3A_385] : memref<2x32x260xf32, #tpu.memory_space<vmem>> -> memref<1x32x260xf32, #tpu.memory_space<vmem>>
          %dma_wait3A_387 = tpu.memref_squeeze %dma_wait3A_386 : memref<1x32x260xf32, #tpu.memory_space<vmem>> -> memref<32x260xf32, #tpu.memory_space<vmem>>
          tpu.wait_dma2 semaphore(%dma_wait3A_381 : memref<!tpu.dma_semaphore, #tpu.memory_space<semaphore_mem>>) src(%dma_wait3A_387 : memref<32x260xf32, #tpu.memory_space<vmem>>) dst(%dma_wait3A_383 : memref<32x260xf32, #tpu.memory_space<hbm>>)
          "tpu.trace_stop"() : () -> ()
        } else {
        }
        %and3A_339 = arith.constant true
        %and3A_340 = arith.andi %and3A_335, %and3A_339 : i1
        %add3A_341 = arith.constant 1 : i32
        %add3A_342 = arith.addi %scan3A_155, %add3A_341 : i32
        %select_n3A_343 = arith.select %and3A_340, %add3A_342, %scan3A_155 : i32
        %ne3A_344 = arith.cmpi ne, %add3A_161, %add3A_179 : i32
        %or3A_345 = arith.constant false
        %or3A_346 = arith.ori %or3A_345, %ne3A_344 : i1
        %or3A_347 = arith.constant false
        %or3A_348 = arith.ori %or3A_346, %or3A_347 : i1
        %or3A_349 = arith.ori %or3A_348, %eq3A_160 : i1
        %add3A_350 = arith.constant 1 : i32
        %add3A_351 = arith.addi %scan3A_151, %add3A_350 : i32
        %select_n3A_352 = arith.select %or3A_349, %add3A_351, %scan3A_151 : i32
        %ne3A_353 = arith.cmpi ne, %add3A_161, %add3A_179 : i32
        %or3A_354 = arith.constant false
        %or3A_355 = arith.ori %or3A_354, %ne3A_353 : i1
        %or3A_356 = arith.constant false
        %or3A_357 = arith.ori %or3A_355, %or3A_356 : i1
        %or3A_358 = arith.ori %or3A_357, %eq3A_160 : i1
        %add3A_359 = arith.constant 1 : i32
        %add3A_360 = arith.addi %scan3A_153, %add3A_359 : i32
        %select_n3A_361 = arith.select %or3A_358, %add3A_360, %scan3A_153 : i32
        %add3A_362 = arith.constant 1 : i32
        %add3A_363 = arith.addi %scan3A_156, %add3A_362 : i32
        %select_n3A_364 = arith.constant true
        %select_n3A_365 = arith.select %select_n3A_364, %add3A_363, %scan3A_156 : i32
        %eq3A_366 = arith.constant 8 : i32
        %eq3A_367 = arith.cmpi eq, %select_n3A_365, %eq3A_366 : i32
        %select_n3A_368 = arith.constant 0 : i32
        %select_n3A_369 = arith.select %eq3A_367, %select_n3A_368, %select_n3A_365 : i32
        scf.yield %select_n3A_199, %select_n3A_352, %select_n3A_217, %select_n3A_361, %select_n3A_301, %select_n3A_343, %select_n3A_369 : i32, i32, i32, i32, i32, i32, i32
      }
      %scan3A_96 = arith.constant 8 : i32
      %sub3A = arith.constant 1 : i32
      %sub3A_97 = arith.subi %scan3A_95#6, %sub3A : i32
      %select_n3A_98 = arith.constant true
      %select_n3A_99 = arith.select %select_n3A_98, %sub3A_97, %scan3A_95#6 : i32
      %eq3A_100 = arith.constant -1 : i32
      %eq3A_101 = arith.cmpi eq, %select_n3A_99, %eq3A_100 : i32
      %select_n3A_102 = arith.constant 7 : i32
      %select_n3A_103 = arith.select %eq3A_101, %select_n3A_102, %select_n3A_99 : i32
      %add3A_104 = arith.addi %select_n3A_103, %mul3A_6 : i32
      %sub3A_105 = arith.constant 1 : i32
      %sub3A_106 = arith.subi %select_n3A_103, %sub3A_105 : i32
      %select_n3A_107 = arith.constant true
      %select_n3A_108 = arith.select %select_n3A_107, %sub3A_106, %select_n3A_103 : i32
      %eq3A_109 = arith.constant -1 : i32
      %eq3A_110 = arith.cmpi eq, %select_n3A_108, %eq3A_109 : i32
      %select_n3A_111 = arith.constant 7 : i32
      %select_n3A_112 = arith.select %eq3A_110, %select_n3A_111, %select_n3A_108 : i32
      %add3A_113 = arith.addi %select_n3A_112, %mul3A_6 : i32
      %add3A_114 = arith.constant 1 : i32
      %add3A_115 = arith.addi %select_n3A_103, %add3A_114 : i32
      %select_n3A_116 = arith.constant true
      %select_n3A_117 = arith.select %select_n3A_116, %add3A_115, %select_n3A_103 : i32
      %eq3A_118 = arith.constant 8 : i32
      %eq3A_119 = arith.cmpi eq, %select_n3A_117, %eq3A_118 : i32
      %select_n3A_120 = arith.constant 0 : i32
      %select_n3A_121 = arith.select %eq3A_119, %select_n3A_120, %select_n3A_117 : i32
      %add3A_122 = arith.addi %select_n3A_121, %mul3A_6 : i32
      %add3A_123 = arith.constant 1 : i32
      %add3A_124 = arith.addi %select_n3A_121, %add3A_123 : i32
      %select_n3A_125 = arith.constant true
      %select_n3A_126 = arith.select %select_n3A_125, %add3A_124, %select_n3A_121 : i32
      %eq3A_127 = arith.constant 8 : i32
      %eq3A_128 = arith.cmpi eq, %select_n3A_126, %eq3A_127 : i32
      %select_n3A_129 = arith.constant 0 : i32
      %select_n3A_130 = arith.select %eq3A_128, %select_n3A_129, %select_n3A_126 : i32
      %add3A_131 = arith.addi %select_n3A_130, %mul3A_6 : i32
      "tpu.trace_start"() <{level = 10 : i32, message = "ep_finalize"}> : () -> ()
      %rem3A_132 = arith.constant 2 : i32
      %rem3A_133 = arith.remui %scan3A_95#5, %rem3A_132 : i32
      %mul3A_134 = arith.constant 32 : i32
      %mul3A_135 = arith.muli %mul3A_134, %add3A_104 : i32
      %dma_wait3A = arith.constant 0 : i32
      %dma_wait3A_136 = arith.constant 0 : i32
      %dma_wait3A_137 = tpu.memref_slice %run_scoped3A_10[%rem3A_133, %dma_wait3A, %dma_wait3A_136] : memref<2x32x260xf32, #tpu.memory_space<vmem>> -> memref<1x32x260xf32, #tpu.memory_space<vmem>>
      %dma_wait3A_138 = tpu.memref_squeeze %dma_wait3A_137 : memref<1x32x260xf32, #tpu.memory_space<vmem>> -> memref<32x260xf32, #tpu.memory_space<vmem>>
      %dma_wait3A_139 = arith.constant 0 : i32
      %dma_wait3A_140 = tpu.memref_slice %arg4[%mul3A_135, %dma_wait3A_139] : memref<8192x260xf32, #tpu.memory_space<hbm>> -> memref<32x260xf32, #tpu.memory_space<hbm>>
      %dma_wait3A_141 = tpu.memref_slice %run_scoped3A_11[%rem3A_133] : memref<2x!tpu.dma_semaphore, #tpu.memory_space<semaphore_mem>> -> memref<1x!tpu.dma_semaphore, #tpu.memory_space<semaphore_mem>>
      %dma_wait3A_142 = tpu.memref_squeeze %dma_wait3A_141 : memref<1x!tpu.dma_semaphore, #tpu.memory_space<semaphore_mem>> -> memref<!tpu.dma_semaphore, #tpu.memory_space<semaphore_mem>>
      %dma_wait3A_143 = arith.constant 0 : i32
      %dma_wait3A_144 = tpu.memref_slice %arg4[%mul3A_135, %dma_wait3A_143] : memref<8192x260xf32, #tpu.memory_space<hbm>> -> memref<32x260xf32, #tpu.memory_space<hbm>>
      %dma_wait3A_145 = arith.constant 0 : i32
      %dma_wait3A_146 = arith.constant 0 : i32
      %dma_wait3A_147 = tpu.memref_slice %run_scoped3A_10[%rem3A_133, %dma_wait3A_145, %dma_wait3A_146] : memref<2x32x260xf32, #tpu.memory_space<vmem>> -> memref<1x32x260xf32, #tpu.memory_space<vmem>>
      %dma_wait3A_148 = tpu.memref_squeeze %dma_wait3A_147 : memref<1x32x260xf32, #tpu.memory_space<vmem>> -> memref<32x260xf32, #tpu.memory_space<vmem>>
      tpu.wait_dma2 semaphore(%dma_wait3A_142 : memref<!tpu.dma_semaphore, #tpu.memory_space<semaphore_mem>>) src(%dma_wait3A_148 : memref<32x260xf32, #tpu.memory_space<vmem>>) dst(%dma_wait3A_144 : memref<32x260xf32, #tpu.memory_space<hbm>>)
      "tpu.trace_stop"() : () -> ()
      tpu.yield
    }) : () -> ()
    return
  }
}

module attributes {stable_mosaic.version = 14 : i64} {
  func.func @_tc_body(%arg0: i32, %arg1: memref<512x516xf32, #tpu.memory_space<vmem>>, %arg2: memref<512x128xf32, #tpu.memory_space<vmem>>, %arg3: memref<512x260xf32, #tpu.memory_space<vmem>>) attributes {dimension_semantics = [#tpu.dimension_semantics<arbitrary>], iteration_bounds = array<i64: 16>, scalar_prefetch = 0 : i64, scratch_operands = 0 : i64, tpu.core_type = #tpu.core_type<tc>, window_params = [{transform_indices = @transform_0, window_bounds = array<i64: 512, 516>}, {transform_indices = @transform_1, window_bounds = array<i64: 512, 128>}, {transform_indices = @transform_2, window_bounds = array<i64: 512, 260>}]} {
    %get3A = arith.constant 0 : index
    %get3A_0 = arith.constant 0 : index
    %get3A_1 = vector.load %arg2[%get3A, %get3A_0] : memref<512x128xf32, #tpu.memory_space<vmem>>, vector<512x128xf32>
    %mul3A = arith.constant 182.142853 : f32
    %mul3A_2 = vector.broadcast %mul3A : f32 to vector<512x128xf32>
    %mul3A_3 = arith.mulf %get3A_1, %mul3A_2 : vector<512x128xf32>
    %max3A = arith.constant 0.000000e+00 : f32
    %max3A_4 = vector.broadcast %max3A : f32 to vector<512x128xf32>
    %max3A_5 = arith.maximumf %mul3A_3, %max3A_4 : vector<512x128xf32>
    %min3A = arith.constant 2.550000e+02 : f32
    %min3A_6 = vector.broadcast %min3A : f32 to vector<512x128xf32>
    %min3A_7 = arith.minimumf %max3A_5, %min3A_6 : vector<512x128xf32>
    %convert_element_type3A = arith.fptosi %min3A_7 : vector<512x128xf32> to vector<512x128xi32>
    %min3A_8 = arith.constant 254 : i32
    %min3A_9 = vector.broadcast %min3A_8 : i32 to vector<512x128xi32>
    %min3A_10 = arith.minsi %convert_element_type3A, %min3A_9 : vector<512x128xi32>
    %convert_element_type3A_11 = arith.sitofp %min3A_10 : vector<512x128xi32> to vector<512x128xf32>
    %sub3A = arith.subf %min3A_7, %convert_element_type3A_11 : vector<512x128xf32>
    %get3A_12 = arith.constant 0 : index
    %get3A_13 = arith.constant 0 : index
    %get3A_14 = vector.load %arg1[%get3A_12, %get3A_13] : memref<512x516xf32, #tpu.memory_space<vmem>>, vector<512x128xf32>
    %get3A_15 = arith.constant 0 : index
    %get3A_16 = arith.constant 128 : index
    %get3A_17 = vector.load %arg1[%get3A_15, %get3A_16] : memref<512x516xf32, #tpu.memory_space<vmem>>, vector<512x128xf32>
    %get3A_18 = arith.constant 0 : index
    %get3A_19 = arith.constant 256 : index
    %get3A_20 = vector.load %arg1[%get3A_18, %get3A_19] : memref<512x516xf32, #tpu.memory_space<vmem>>, vector<512x128xf32>
    %get3A_21 = arith.constant 0 : index
    %get3A_22 = arith.constant 384 : index
    %get3A_23 = vector.load %arg1[%get3A_21, %get3A_22] : memref<512x516xf32, #tpu.memory_space<vmem>>, vector<512x128xf32>
    %min3A_24 = arith.constant 127 : i32
    %min3A_25 = vector.broadcast %min3A_24 : i32 to vector<512x128xi32>
    %min3A_26 = arith.minsi %min3A_10, %min3A_25 : vector<512x128xi32>
    %sub3A_27 = arith.constant 128 : i32
    %sub3A_28 = vector.broadcast %sub3A_27 : i32 to vector<512x128xi32>
    %sub3A_29 = arith.subi %min3A_10, %sub3A_28 : vector<512x128xi32>
    %max3A_30 = arith.constant 0 : i32
    %max3A_31 = vector.broadcast %max3A_30 : i32 to vector<512x128xi32>
    %max3A_32 = arith.maxsi %sub3A_29, %max3A_31 : vector<512x128xi32>
    %reshape3A = vector.shape_cast %min3A_26 : vector<512x128xi32> to vector<512x128x1xi32>
    %gather3A = vector.shape_cast %reshape3A : vector<512x128x1xi32> to vector<512x128xi32>
    %gather3A_33 = tpu.dynamic_gather %get3A_14[%gather3A] in [1] : vector<512x128xf32>, vector<512x128xi32> -> vector<512x128xf32>
    %reshape3A_34 = vector.shape_cast %max3A_32 : vector<512x128xi32> to vector<512x128x1xi32>
    %gather3A_35 = vector.shape_cast %reshape3A_34 : vector<512x128x1xi32> to vector<512x128xi32>
    %gather3A_36 = tpu.dynamic_gather %get3A_17[%gather3A_35] in [1] : vector<512x128xf32>, vector<512x128xi32> -> vector<512x128xf32>
    %lt3A = arith.constant 128 : i32
    %lt3A_37 = vector.broadcast %lt3A : i32 to vector<512x128xi32>
    %lt3A_38 = arith.cmpi slt, %min3A_10, %lt3A_37 : vector<512x128xi32>
    %select_n3A = arith.select %lt3A_38, %gather3A_33, %gather3A_36 : vector<512x128xi1>, vector<512x128xf32>
    %add3A = arith.constant 1 : i32
    %add3A_39 = vector.broadcast %add3A : i32 to vector<512x128xi32>
    %add3A_40 = arith.addi %min3A_10, %add3A_39 : vector<512x128xi32>
    %min3A_41 = arith.constant 127 : i32
    %min3A_42 = vector.broadcast %min3A_41 : i32 to vector<512x128xi32>
    %min3A_43 = arith.minsi %add3A_40, %min3A_42 : vector<512x128xi32>
    %sub3A_44 = arith.constant 128 : i32
    %sub3A_45 = vector.broadcast %sub3A_44 : i32 to vector<512x128xi32>
    %sub3A_46 = arith.subi %add3A_40, %sub3A_45 : vector<512x128xi32>
    %max3A_47 = arith.constant 0 : i32
    %max3A_48 = vector.broadcast %max3A_47 : i32 to vector<512x128xi32>
    %max3A_49 = arith.maxsi %sub3A_46, %max3A_48 : vector<512x128xi32>
    %reshape3A_50 = vector.shape_cast %min3A_43 : vector<512x128xi32> to vector<512x128x1xi32>
    %gather3A_51 = vector.shape_cast %reshape3A_50 : vector<512x128x1xi32> to vector<512x128xi32>
    %gather3A_52 = tpu.dynamic_gather %get3A_14[%gather3A_51] in [1] : vector<512x128xf32>, vector<512x128xi32> -> vector<512x128xf32>
    %reshape3A_53 = vector.shape_cast %max3A_49 : vector<512x128xi32> to vector<512x128x1xi32>
    %gather3A_54 = vector.shape_cast %reshape3A_53 : vector<512x128x1xi32> to vector<512x128xi32>
    %gather3A_55 = tpu.dynamic_gather %get3A_17[%gather3A_54] in [1] : vector<512x128xf32>, vector<512x128xi32> -> vector<512x128xf32>
    %lt3A_56 = arith.constant 128 : i32
    %lt3A_57 = vector.broadcast %lt3A_56 : i32 to vector<512x128xi32>
    %lt3A_58 = arith.cmpi slt, %add3A_40, %lt3A_57 : vector<512x128xi32>
    %select_n3A_59 = arith.select %lt3A_58, %gather3A_52, %gather3A_55 : vector<512x128xi1>, vector<512x128xf32>
    %min3A_60 = arith.constant 127 : i32
    %min3A_61 = vector.broadcast %min3A_60 : i32 to vector<512x128xi32>
    %min3A_62 = arith.minsi %min3A_10, %min3A_61 : vector<512x128xi32>
    %sub3A_63 = arith.constant 128 : i32
    %sub3A_64 = vector.broadcast %sub3A_63 : i32 to vector<512x128xi32>
    %sub3A_65 = arith.subi %min3A_10, %sub3A_64 : vector<512x128xi32>
    %max3A_66 = arith.constant 0 : i32
    %max3A_67 = vector.broadcast %max3A_66 : i32 to vector<512x128xi32>
    %max3A_68 = arith.maxsi %sub3A_65, %max3A_67 : vector<512x128xi32>
    %reshape3A_69 = vector.shape_cast %min3A_62 : vector<512x128xi32> to vector<512x128x1xi32>
    %gather3A_70 = vector.shape_cast %reshape3A_69 : vector<512x128x1xi32> to vector<512x128xi32>
    %gather3A_71 = tpu.dynamic_gather %get3A_20[%gather3A_70] in [1] : vector<512x128xf32>, vector<512x128xi32> -> vector<512x128xf32>
    %reshape3A_72 = vector.shape_cast %max3A_68 : vector<512x128xi32> to vector<512x128x1xi32>
    %gather3A_73 = vector.shape_cast %reshape3A_72 : vector<512x128x1xi32> to vector<512x128xi32>
    %gather3A_74 = tpu.dynamic_gather %get3A_23[%gather3A_73] in [1] : vector<512x128xf32>, vector<512x128xi32> -> vector<512x128xf32>
    %lt3A_75 = arith.constant 128 : i32
    %lt3A_76 = vector.broadcast %lt3A_75 : i32 to vector<512x128xi32>
    %lt3A_77 = arith.cmpi slt, %min3A_10, %lt3A_76 : vector<512x128xi32>
    %select_n3A_78 = arith.select %lt3A_77, %gather3A_71, %gather3A_74 : vector<512x128xi1>, vector<512x128xf32>
    %add3A_79 = arith.constant 1 : i32
    %add3A_80 = vector.broadcast %add3A_79 : i32 to vector<512x128xi32>
    %add3A_81 = arith.addi %min3A_10, %add3A_80 : vector<512x128xi32>
    %min3A_82 = arith.constant 127 : i32
    %min3A_83 = vector.broadcast %min3A_82 : i32 to vector<512x128xi32>
    %min3A_84 = arith.minsi %add3A_81, %min3A_83 : vector<512x128xi32>
    %sub3A_85 = arith.constant 128 : i32
    %sub3A_86 = vector.broadcast %sub3A_85 : i32 to vector<512x128xi32>
    %sub3A_87 = arith.subi %add3A_81, %sub3A_86 : vector<512x128xi32>
    %max3A_88 = arith.constant 0 : i32
    %max3A_89 = vector.broadcast %max3A_88 : i32 to vector<512x128xi32>
    %max3A_90 = arith.maxsi %sub3A_87, %max3A_89 : vector<512x128xi32>
    %reshape3A_91 = vector.shape_cast %min3A_84 : vector<512x128xi32> to vector<512x128x1xi32>
    %gather3A_92 = vector.shape_cast %reshape3A_91 : vector<512x128x1xi32> to vector<512x128xi32>
    %gather3A_93 = tpu.dynamic_gather %get3A_20[%gather3A_92] in [1] : vector<512x128xf32>, vector<512x128xi32> -> vector<512x128xf32>
    %reshape3A_94 = vector.shape_cast %max3A_90 : vector<512x128xi32> to vector<512x128x1xi32>
    %gather3A_95 = vector.shape_cast %reshape3A_94 : vector<512x128x1xi32> to vector<512x128xi32>
    %gather3A_96 = tpu.dynamic_gather %get3A_23[%gather3A_95] in [1] : vector<512x128xf32>, vector<512x128xi32> -> vector<512x128xf32>
    %lt3A_97 = arith.constant 128 : i32
    %lt3A_98 = vector.broadcast %lt3A_97 : i32 to vector<512x128xi32>
    %lt3A_99 = arith.cmpi slt, %add3A_81, %lt3A_98 : vector<512x128xi32>
    %select_n3A_100 = arith.select %lt3A_99, %gather3A_93, %gather3A_96 : vector<512x128xi1>, vector<512x128xf32>
    %sub3A_101 = arith.subf %select_n3A_59, %select_n3A : vector<512x128xf32>
    %mul3A_102 = arith.mulf %sub3A, %sub3A_101 : vector<512x128xf32>
    %add3A_103 = arith.addf %select_n3A, %mul3A_102 : vector<512x128xf32>
    %swap3A = arith.constant 0 : index
    %swap3A_104 = arith.constant 0 : index
    %swap3A_105 = vector.load %arg3[%swap3A, %swap3A_104] : memref<512x260xf32, #tpu.memory_space<vmem>>, vector<512x128xf32>
    tpu.vector_store %arg3[%swap3A, %swap3A_104], %add3A_103 {strides = array<i32>} : memref<512x260xf32, #tpu.memory_space<vmem>>, vector<512x128xf32>,
    %sub3A_106 = arith.subf %select_n3A_100, %select_n3A_78 : vector<512x128xf32>
    %mul3A_107 = arith.mulf %sub3A, %sub3A_106 : vector<512x128xf32>
    %add3A_108 = arith.addf %select_n3A_78, %mul3A_107 : vector<512x128xf32>
    %swap3A_109 = arith.constant 0 : index
    %swap3A_110 = arith.constant 128 : index
    %swap3A_111 = vector.load %arg3[%swap3A_109, %swap3A_110] : memref<512x260xf32, #tpu.memory_space<vmem>>, vector<512x128xf32>
    tpu.vector_store %arg3[%swap3A_109, %swap3A_110], %add3A_108 {strides = array<i32>} : memref<512x260xf32, #tpu.memory_space<vmem>>, vector<512x128xf32>,
    %get3A_112 = arith.constant 0 : index
    %get3A_113 = arith.constant 512 : index
    %get3A_114 = vector.load %arg1[%get3A_112, %get3A_113] : memref<512x516xf32, #tpu.memory_space<vmem>>, vector<512x4xf32>
    %swap3A_115 = arith.constant 0 : index
    %swap3A_116 = arith.constant 256 : index
    %swap3A_117 = vector.load %arg3[%swap3A_115, %swap3A_116] : memref<512x260xf32, #tpu.memory_space<vmem>>, vector<512x4xf32>
    tpu.vector_store %arg3[%swap3A_115, %swap3A_116], %get3A_114 {strides = array<i32>} : memref<512x260xf32, #tpu.memory_space<vmem>>, vector<512x4xf32>,
    return
  }
  func.func @transform_0(%arg0: i32) -> (i32, i32) {
    %add3A = arith.constant 16 : i32
    %add3A_0 = arith.addi %arg0, %add3A : i32
    %c0_i32 = arith.constant 0 : i32
    %c0_i32_1 = arith.constant 0 : i32
    return %add3A_0, %c0_i32 : i32, i32
  }
  func.func @transform_1(%arg0: i32) -> (i32, i32) {
    %add3A = arith.constant 16 : i32
    %add3A_0 = arith.addi %arg0, %add3A : i32
    %c0_i32 = arith.constant 0 : i32
    %c0_i32_1 = arith.constant 0 : i32
    return %add3A_0, %c0_i32 : i32, i32
  }
  func.func @transform_2(%arg0: i32) -> (i32, i32) {
    %add3A = arith.constant 16 : i32
    %add3A_0 = arith.addi %arg0, %add3A : i32
    %c0_i32 = arith.constant 0 : i32
    %c0_i32_1 = arith.constant 0 : i32
    return %add3A_0, %c0_i32 : i32, i32
  }
}

</mosaic_0001>

<sc_bundles>
// kernel: kernel.4.cloned.1.call-start
scs
__scs_entry_jumppad:
0x0: {  	(pc) =	sbr.rel $0x88, $3  }
0x1: {  	(tag) =	ssettag $0x0;
	lr =	simm.s32 $0x1  }
0x2: {  	[smem:$0x3F9F] =	sst lr;
	_ =	strace $0xD0000000  }
0x3: {  	_ = 	snop  }
0x4: {  	_ = 	snop  }
0x5: {  	_ = 	snop  }
0x6: {  	_ = 	snop  }
0x7: {  	_ = 	snop  }
__scs_overlays_trampoline_lowered:
0x8: {  	[smem:$0x3FAE] =	sst s0  }
0x9: {  	[smem:$0x3FAF] =	sst s1  }
0xa: {  	[smem:$0x3FB0] =	sst s2  }
0xb: {  	[smem:$0x3FB1] =	sst s3  }
0xc: {  	[smem:$0x3FB2] =	sst s4  }
0xd: {  	[smem:$0x3FB3] =	sst s5  }
0xe: {  	[smem:$0x3FB4] =	sst s6  }
0xf: {  	[smem:$0x3FB5] =	sst s7  }
0x10: {  	[smem:$0x3FB6] =	sst s8  }
0x11: {  	[smem:$0x3FB7] =	sst s9;
	s0 =	simm.s32 @!p0 $0x0  }
0x12: {  	s1 =	sld [smem:$0x3F9D];
	s0 =	simm.s32 @p0 $0x1  }
0x13: {  	[smem:$0x3FB8] =	sst s0;
	s0 =	simm.s32 @!p1 $0x0  }
0x14: {  	s2 =	sld [smem:$0x3F9C];
	s0 =	simm.s32 @p1 $0x1  }
0x15: {  	[smem:$0x3FB9] =	sst s0;
	s0 =	simm.s32 @!p2 $0x0  }
0x16: {  	s3 =	sld [smem:$0x3FDB];
	s0 =	simm.s32 @p2 $0x1  }
0x17: {  	s4 =	simm.s32 $0x1BF5;
	[smem:$0x3FBB] =	sst s0  }
0x18: {  	s0 =	sld [smem:$0x3F9E];
	_ =	swait.ge [sflag:s4], $0x0  }
0x19: {  	s7 =	sld [smem:$0x3F9F]  }
0x1a: {  	s8 =	sadd.s32 $0xFFFFE003, lr  }
0x1b: {  	s9 =	sadd.s32 $0xFFFFFEF7, lr;
	s5 =	simm.s32 $0xFFFFFFFF;
	p2 =	slt.u32 s8, $0xFFFFF086  }
0x1c: {  	p1 =	slt.u32 s9, $0xF7A;
	s5 =	simm.s32 @!p2 $0x0  }
0x1d: {  	s5 =	simm.s32 @p1 $0x1;
	p0 =	seq.s32 s7, s2  }
0x1e: {  	s7 =	smul.u32 @!p0 $0xF7A, s2;
	p2 =	seq.s32 @!p0 s5, $0x0  }
0x1f: {  	s9 =	smul.u32 $0xF7A, s1;
	s8 =	simm.s32 @!p0 $0x1BF5;
	p2 =	por !p2, p0  }
0x20: {  	[sflag:s8] =	ssyncset.s32 @!p0 $0xFFFFF086;
	s6 =	sadd.s32 @!p0 s3, s7;
	s7 =	simm.s32 @!p0 $0x108  }
0x21: {  	s3 =	sadd.s32 s3, s9;
	s6 =	sadd.s32 @!p0 $0x88, s6;
	s7 =	simm.s32 @p2 $0x1082  }
0x22: {  	[simem:s7], [sflag:s8] =	dma.local @!p0 [hbm:s6], $0xF7A  }
0x23: {  	s9 =	sor.u32 $0xD0000000, s2;
	s6 =	simm.s32 $0x108;
	_ =	swait.ge @!p0 [sflag:s8], $0x0  }
0x24: {  	s3 =	sadd.s32 $0x88, s3;
	s6 =	simm.s32 @!p1 $0x1082;
	[sflag:s4] =	ssyncset.s32 $0xFFFFF086  }
0x25: {  	[simem:s6], [sflag:s4] =	dma.local [hbm:s3], $0xF7A  }
0x26: {  	[smem:$0x3F9F] =	sst s1;
	(tag) =	ssettag s2;
	_ =	strace s9  }
0x27: {  	s1 =	sld [smem:$0x3FAF]  }
0x28: {  	s2 =	sld [smem:$0x3FB0]  }
0x29: {  	s4 =	sld [smem:$0x3FB2]  }
0x2a: {  	p0 =	seq.s32 s5, $0x0;
	s5 =	sld [smem:$0x3FB3]  }
0x2b: {  	s6 =	sld [smem:$0x3FB4]  }
0x2c: {  	s7 =	sld [smem:$0x3FB5]  }
0x2d: {  	s3 =	simm.s32 $0x108;
	s8 =	sld [smem:$0x3FB6]  }
0x2e: {  	s3 =	simm.s32 @!p0 $0x1082;
	s9 =	sld [smem:$0x3FB7]  }
0x2f: {  	lr =	sadd.s32 s0, s3;
	s0 =	sld [smem:$0x3FAE]  }
0x30: {  	s3 =	sld [smem:$0x3FB1]  }
0x31: {  	[smem:$0x3FBA] =	sst s10  }
0x32: {  	s10 =	sld [smem:$0x3FB8];
	_ =	sdelay $0x3  }
0x33: {  	p0 =	seq.s32 s10, $0x1;
	s10 =	sld [smem:$0x3FBA];
	_ =	sdelay $0x3  }
0x34: {  	[smem:$0x3FBA] =	sst s10  }
0x35: {  	s10 =	sld [smem:$0x3FB9];
	_ =	sdelay $0x3  }
0x36: {  	p1 =	seq.s32 s10, $0x1;
	s10 =	sld [smem:$0x3FBA];
	_ =	sdelay $0x3  }
0x37: {  	[smem:$0x3FBA] =	sst s10  }
0x38: {  	s10 =	sld [smem:$0x3FBB]  }
0x39: {  	_ = 	snop;
	(pc) =	sbr.ind lr, $3  }
0x3a: {  	_ = 	snop  }
0x3b: {  	_ = 	snop  }
0x3c: {  	p2 =	seq.s32 s10, $0x1;
	s10 =	sld [smem:$0x3FBA]  }
0x3d: {  	_ =	shalt  }
0x3e: {  	_ =	shalt  }
0x3f: {  	_ =	shalt  }
0x40: {  	_ =	shalt  }
0x41: {  	_ =	shalt  }
0x42: {  	_ =	shalt  }
0x43: {  	_ =	shalt  }
0x44: {  	_ =	shalt  }
0x45: {  	_ =	shalt  }
0x46: {  	_ =	shalt  }
0x47: {  	_ =	shalt  }
0x48: {  	_ =	shalt  }
0x49: {  	_ =	shalt  }
0x4a: {  	_ =	shalt  }
0x4b: {  	_ =	shalt  }
0x4c: {  	_ =	shalt  }
0x4d: {  	_ =	shalt  }
0x4e: {  	_ =	shalt  }
0x4f: {  	_ =	shalt  }
0x50: {  	_ =	shalt  }
0x51: {  	_ =	shalt  }
0x52: {  	_ =	shalt  }
0x53: {  	_ =	shalt  }
0x54: {  	_ =	shalt  }
0x55: {  	_ =	shalt  }
0x56: {  	_ =	shalt  }
0x57: {  	_ =	shalt  }
0x58: {  	_ =	shalt  }
0x59: {  	_ =	shalt  }
0x5a: {  	_ =	shalt  }
0x5b: {  	_ =	shalt  }
0x5c: {  	_ =	shalt  }
0x5d: {  	_ =	shalt  }
0x5e: {  	_ =	shalt  }
0x5f: {  	_ =	shalt  }
0x60: {  	_ =	shalt  }
0x61: {  	_ =	shalt  }
0x62: {  	_ =	shalt  }
0x63: {  	_ =	shalt  }
0x64: {  	_ =	shalt  }
0x65: {  	_ =	shalt  }
0x66: {  	_ =	shalt  }
0x67: {  	_ =	shalt  }
0x68: {  	_ =	shalt  }
0x69: {  	_ =	shalt  }
0x6a: {  	_ =	shalt  }
0x6b: {  	_ =	shalt  }
0x6c: {  	_ =	shalt  }
0x6d: {  	_ =	shalt  }
0x6e: {  	_ =	shalt  }
0x6f: {  	_ =	shalt  }
0x70: {  	_ =	shalt  }
0x71: {  	_ =	shalt  }
0x72: {  	_ =	shalt  }
0x73: {  	_ =	shalt  }
0x74: {  	_ =	shalt  }
0x75: {  	_ =	shalt  }
0x76: {  	_ =	shalt  }
0x77: {  	_ =	shalt  }
0x78: {  	_ =	shalt  }
0x79: {  	_ =	shalt  }
0x7a: {  	_ =	shalt  }
0x7b: {  	_ =	shalt  }
0x7c: {  	_ =	shalt  }
0x7d: {  	_ =	shalt  }
0x7e: {  	_ =	shalt  }
0x7f: {  	_ =	shalt  }
0x80: {  	_ =	shalt  }
0x81: {  	_ =	shalt  }
0x82: {  	_ =	shalt  }
0x83: {  	_ =	shalt  }
0x84: {  	_ =	shalt  }
0x85: {  	_ =	shalt  }
0x86: {  	_ =	shalt  }
0x87: {  	_ =	shalt  }
.Lfunc_end0:
.L_simem_size_0:
called_computation_lowered:
.L_overlay_start_0:
0x88: {  	s2 =	sld [smem:$0x3FD9]  }
0x89: {  	s3 =	sld [smem:$0x3FFE];
	_ =	sdelay $0x1  }
0x8a: {  	s1 =	srdreg.scid  }
0x8b: {  	s0 =	sand.u32 $0x1, s1  }
0x8c: {  	s17 =	sshll.u32 s0, $0xA;
	s2 =	sadd.s32 s3, s2  }
0x8d: {  	s2 =	sadd.s32 s2, s17  }
0x8e: {  	[smem:$0x3FC6] =	sst s2  }
0x8f: {  	_ = 	snop  }
0x90: {  	s2 =	sld [smem:$0x3FC8]  }
0x91: {  	s18 =	sld [smem:$0x3FD0];
	(tm) =	ssettm $0x1  }
0x92: {  	s4 =	sld [smem:$0x3FFB];
	_ =	sdelay $0x3  }
0x93: {  	_ =	strace s4  }
0x94: {  	s4 =	sld [smem:$0x3FFC];
	_ =	sdelay $0x3  }
0x95: {  	_ =	strace s4  }
0x96: {  	s4 =	sld [smem:$0x3FFD];
	_ =	sdelay $0x3  }
0x97: {  	_ =	strace s4  }
0x98: {  	_ =	strace $0x8FFFFFFF  }
0x99: {  	s19 =	sld [smem:$0x3FDB];
	_ =	sdelay $0x1  }
0x9a: {  	s5 =	simm.s32 $_scs_section_size  }
0x9b: {  	s6 =	simm.s32 $_size__tile_overlayer_lowered;
	s7 =	simm.s32 $_tile_overlayer_lowered  }
0x9c: {  	s22 =	simm.s32 $0x1BFF;
	s21 =	sshll.u32 s7, $0x1;
	s4 =	sadd.s32 s5, s19  }
0x9d: {  	s8 =	simm.s32 $0x0;
	s20 =	sshll.u32 s6, $0x1;
	s6 =	sadd.s32 s21, s4  }
0x9e: {  	[timem:s8], [sflag:s22] =	dma.local [hbm:s6], s20  }
0x9f: {  	_ =	swait.ge [sflag:s22], s20  }
0xa0: {  	s5 =	ssub.s32 $0x0, s20;
	[sflag:s22] =	ssyncset.done $0x0  }
0xa1: {  	[sflag:s22] =	ssyncadd.s32 s5;
	_ =	sdelay $0x1  }
0xa2: {  	s23 =	simm.s32 $0x1B8B  }
0xa3: {  	_ =	swait.ge [sflag:s23], $0x1  }
0xa4: {  	[sflag:s23] =	ssyncset.done $0x0  }
0xa5: {  	s25 =	simm.s32 $0x1B8E;
	s24 =	sld [smem:$0x3FFE];
	[sflag:s23] =	ssyncadd.s32 $0xFFFFFFFF  }
0xa6: {  	s26 =	simm.s32 $execute0_lowered;
	[smem:$0x3FD2] =	sst s25  }
0xa7: {  	s6 =	sshll.u32 s26, $0x1;
	_ =	strace $0x80000046;
	[dreg:$0x1] =	wrdreg $0xFFFFFFFF  }
0xa8: {  	s28 =	simm.s32 $_size_execute0_lowered;
	s4 =	sadd.s32 s4, s6;
	[dreg:$0x0] =	wrdreg $0x0  }
0xa9: {  	s6 =	sshll.u32 s28, $0x1;
	[dreg:$0x2] =	wrdreg s4  }
0xaa: {  	[dreg:$0x3] =	wrdreg s6  }
0xab: {  	[dreg:$0x4] =	wrdreg $0xC0  }
0xac: {  	_ =	task [dreg:s8], $0x5FFFF  }
0xad: {  	[dreg:$0x1] =	wrdreg $0xFFFFFFFF  }
0xae: {  	[dreg:$0x0] =	wrdreg $0x60  }
0xaf: {  	[dreg:$0x2] =	wrdreg s24  }
0xb0: {  	[dreg:$0x3] =	wrdreg s2  }
0xb1: {  	[dreg:$0x4] =	wrdreg s18  }
0xb2: {  	[dreg:$0x5] =	wrdreg $0x9  }
0xb3: {  	_ =	task.clear_ibuf [dreg:s8], $0x6FFFF;
	_ =	strace $0x90000046  }
0xb4: {  	s29 =	simm.s32 $0x9;
	_ =	strace $0x80000051  }
0xb5: {  	_ =	swait.ge [sflag:s29], $0x1  }
0xb6: {  	[sflag:s29] =	ssyncadd.s32 $0xFFFFFFFF  }
0xb7: {  	_ =	strace $0x90000051  }
0xb8: {  	_ =	sfence  }
0xb9: {  	s30 =	sld [smem:$0x0];
	_ =	sdelay $0x2  }
0xba: {  	s31 =	sshll.u32 s1, $0xD;
	s1 =	sshrl.u32 s1, $0x2  }
0xbb: {  	s3 =	sand.u32 $0x4000, s31;
	s1 =	sadd.s32 s1, s30  }
0xbc: {  	s0 =	sor.u32 s3, s0;
	s1 =	sshll.u32 s1, $0x11  }
0xbd: {  	s0 =	sor.u32 s1, s0  }
0xbe: {  	s0 =	sadd.s32 $0x8F2B, s0  }
0xbf: {  	[sflag:s0] =	ssyncadd.remote.s32 $0x1  }
0xc0: {  	_ =	sfence.sel $0xFFFF  }
0xc1: {  	[dreg:$0x0] =	wrdreg $0xFFFFFFFF;
	(pc) =	sbr.abs _section_cstart, $3  }
0xc2: {  	[dreg:$0x1] =	wrdreg $0xFFFFFFFF  }
0xc3: {  	_ =	task.clear_ibuf [dreg:s8], $0x2FFFF;
	_ =	strace $0x9FFFFFFF  }
0xc4: {  	(tm) =	ssettm $0x7FFFFFFF  }
0xc5: {  	_ =	shalt  }
tec
execute0_lowered:
.L_overlay_start_1:
0x0: {  	(tag) =	ssettag $0x1  }
0x1: {  	s0 =	rddreg [dreg:$0x0]  }
0x2: {  	s4 =	rddreg [dreg:$0x1]  }
0x3: {  	s1 =	srdreg.scid;
	s2 =	simm.s32 $0x0;
	s3 =	stileid.u32  }
0x4: {  	s1 =	sand.u32 $0x1, s1;
	[smem:$0x7FF] =	sst s2;
	s5 =	sadd.s32 $0xC00, s0  }
0x5: {  	s26 =	sshll.u32 s1, $0x4;
	_ =	strace $0x80000047;
	s1 =	ssub.s32 $0x2, s1  }
0x6: {  	[dreg:$0x4] =	wrdreg s5;
	s2 =	sor.u32 s3, s26;
	s28 =	sshrl.u32 s1, $0x1  }
0x7: {  	s3 =	smul.u32 $0x5000, s2;
	s29 =	sshll.u32 s2, $0x3;
	s30 =	sshll.u32 s2, $0xC  }
0x8: {  	s0 =	ssub.s32 s1, s28;
	[dreg:$0x5] =	wrdreg s29;
	s1 =	sadd.s32 s4, s30  }
0x9: {  	s0 =	smax.u32 s0, $0x1;
	[dreg:$0x7] =	wrdreg s1  }
0xa: {  	s31 =	sadd.s32 s5, s3;
	[dreg:$0x8] =	wrdreg s0  }
0xb: {  	v0 =	vlaneseq.u32;
	s1 =	simm.s32 $0x0;
	[dreg:$0x6] =	wrdreg s31  }
.LBB2_1:
0xc: {  	[dreg:$0x9] =	wrdreg s1;
	s0 =	simm.s32 $0x0;
	s2 =	simm.s32 $0xA000  }
0xd: {  	s21 =	simm.s32 $0x0;
	s13 =	simm.s32 $0x0;
	_ =	strace $0x80000048  }
0xe: {  	s14 =	simm.s32 $0x0;
	s15 =	simm.s32 $0x0;
	s30 =	rddreg [dreg:$0x6]  }
0xf: {  	[tilespmem:s0], [sflag:$0x1] =	stream.linear.gather [hbm4b:s30+s0], $0x5000, $0x200038;
	[tilespmem:$0x12000] =	vst v63  }
0x10: {  	s16 =	simm.s32 $0x1;
	s17 =	simm.s32 $0x0;
	s31 =	rddreg [dreg:$0x7]  }
0x11: {  	[tilespmem:s2], [sflag:$0x3] =	stream.linear.gather [hbm4b:s31+s0], $0x1000, $0x200038;
	[tilespmem:$0x12000] =	vst v63  }
0x12: {  	s22 =	simm.s32 $0x1;
	s19 =	simm.s32 $0x0;
	_ =	strace $0x90000048  }
.LBB2_2:
0x13: {  	s20 =	sadd.s32 $0x1, s21  }
0x14: {  	p0 =	seq.s32 s20, $0x8  }
0x15: {  	s20 =	simm.s32 @p0 $0x0;
	p0 =	seq.s32 s19, $0x7  }
0x16: {  	p1 =	seq.s32 @!p0 s21, s20  }
0x17: {  	p2 =	por p1, p0  }
0x18: {  	s18 =	rddreg [dreg:$0x5];
	s0 =	sand.u32 @!p2 $0x1, s22  }
0x19: {  	s1 =	sadd.s32 @!p2 s18, s20;
	s2 =	smul.u32 @!p2 $0x14000, s0  }
0x1a: {  	_ =	strace @!p2 $0x80000049;
	s3 =	smul.u32 @!p2 $0xA00, s1  }
0x1b: {  	s0 =	sadd.s32 @!p2 $0x1, s0;
	s4 =	rddreg [dreg:$0x4]  }
0x1c: {  	s2 =	sshrl.u32 @!p2 s2, $0x2;
	s3 =	sadd.s32 @!p2 s4, s3;
	s4 =	simm.s32 @!p2 $0x0  }
0x1d: {  	[tilespmem:s2], [sflag:s0] =	stream.linear.gather @!p2 [hbm4b:s3+s4], $0x5000, $0x200038;
	[tilespmem:$0x12000] =	vst v63  }
0x1e: {  	_ =	strace @!p2 $0x90000049  }
0x1f: {  	s1 =	sshll.u32 @!p2 s1, $0x9;
	s0 =	sand.u32 @!p2 $0x1, s16;
	_ =	strace @!p2 $0x8000004A  }
0x20: {  	s1 =	sand.u32 @!p2 $0x1FFFFE00, s1;
	s2 =	sshll.u32 @!p2 s0, $0xC;
	s3 =	rddreg [dreg:$0x1]  }
0x21: {  	s0 =	sadd.s32 @!p2 $0x3, s0;
	s2 =	sor.u32 @!p2 $0xA000, s2;
	s1 =	sadd.s32 @!p2 s3, s1  }
0x22: {  	[tilespmem:s2], [sflag:s0] =	stream.linear.gather @!p2 [hbm4b:s1+s4], $0x1000, $0x200038;
	[tilespmem:$0x12000] =	vst v63  }
0x23: {  	s24 =	sand.u32 $0x1, s17;
	_ =	strace @!p2 $0x9000004A  }
0x24: {  	s25 =	sadd.s32 $0x1, s24;
	_ =	strace $0x8000004B  }
0x25: {  	_ =	swait.ge [sflag:s25], $0x5000  }
0x26: {  	[sflag:s25] =	ssyncset.done $0x0  }
0x27: {  	[sflag:s25] =	ssyncadd.s32 $0xFFFFB000  }
0x28: {  	s26 =	sand.u32 $0x1, s15;
	_ =	strace $0x9000004B  }
0x29: {  	s3 =	sadd.s32 $0x3, s26;
	_ =	strace $0x8000004C  }
0x2a: {  	_ =	swait.ge [sflag:s3], $0x1000  }
0x2b: {  	[sflag:s3] =	ssyncset.done $0x0  }
0x2c: {  	[sflag:s3] =	ssyncadd.s32 $0xFFFFF000  }
0x2d: {  	s1 =	sshll.u32 s26, $0xC;
	_ =	strace $0x9000004C  }
0x2e: {  	s11 =	sor.u32 $0xA080, s1;
	_ =	strace $0x8000004D  }
0x2f: {  	v1 =	vld [tilespmem:s11+$0x0];
	_ =	sdelay $0x4  }
0x30: {  	v1 =	vmul.f32 $1.821428530e+02, v1;
	_ =	sdelay $0x1  }
0x31: {  	v1 =	vmax.f32 v1, $0.0e+00  }
0x32: {  	s4 =	simm.s32 $0x1;
	v1 =	vmin.f32 v1, $2.550000000e+02  }
0x33: {  	v2 =	vmov s4;
	v3 =	vtrunc.f32 v1  }
0x34: {  	v4 =	vshrl.u32 v2, $0x3;
	v3 =	vcvt.f32.s32 v3  }
0x35: {  	v2 =	vshll.u32 v2, $0x7;
	v8 =	vmul.u32 $0x1400, v4  }
0x36: {  	v7 =	vand.u32 $0x380, v2;
	vm0 =	vlt.s32 v3, $0xFE  }
0x37: {  	v2 =	vor.u32 v7, v8;
	v3 =	vnsel vm0, $0xFE, v3  }
0x38: {  	v9 =	vadd.s32 $0x800, v2;
	v2 =	vand.u32 $0x7F, v3  }
0x39: {  	v4 =	vshll.u32 v3, $0x3;
	v5 =	vadd.s32 $0x1, v3;
	v10 =	vadd.s32 $0x101, v3  }
0x3a: {  	v6 =	vor.u32 v2, v9;
	v4 =	vand.u32 $0xFFFFFC00, v4;
	v11 =	vand.u32 $0x7F, v5  }
0x3b: {  	v12 =	vand.u32 $0x7F, v10;
	v5 =	vshll.u32 v5, $0x3;
	v10 =	vshll.u32 v10, $0x3  }
0x3c: {  	v13 =	vadd.s32 v8, v4;
	v4 =	vadd.s32 v4, v6;
	v5 =	vand.u32 $0xFFFFFC00, v5  }
0x3d: {  	v6 =	vand.u32 $0xFFFFFC00, v10;
	v2 =	vor.u32 v2, v13;
	v5 =	vadd.s32 v8, v5  }
0x3e: {  	v6 =	vadd.s32 v8, v6;
	v2 =	vor.u32 v7, v2;
	v5 =	vor.u32 v11, v5  }
0x3f: {  	s0 =	smul.u32 $0x14000, s24;
	v6 =	vor.u32 v12, v6;
	v5 =	vor.u32 v7, v5  }
0x40: {  	v6 =	vor.u32 v7, v6  }
0x41: {  	s23 =	sshrl.u32 s0, $0x2  }
0x42: {  	v4 =	vld.idx.msk [tilespmem:v4+s23+$0x0], $0xffff  }
0x43: {  	v2 =	vld.idx.msk [tilespmem:v2+s23+$0x0], $0xffff  }
0x44: {  	v5 =	vld.idx.msk [tilespmem:v5+s23+$0x0], $0xffff  }
0x45: {  	v6 =	vld.idx.msk [tilespmem:v6+s23+$0x0], $0xffff;
	_ =	sdelay $0x1  }
0x46: {  	v3 =	vcvt.s32.f32 v3  }
0x47: {  	s5 =	sand.u32 $0x1, s14;
	v10 =	vld [tilespmem:s11+$0xFFFFFF80]  }
0x48: {  	s6 =	simm.s32 $0x0;
	s0 =	smul.u32 $0xC000, s5;
	v1 =	vsub.f32 v1, v3;
	v3 =	vsub.f32 v5, v2  }
0x49: {  	s1 =	smul.u32 $0x3000, s6;
	v5 =	vsub.f32 v6, v4  }
0x4a: {  	s0 =	sshrl.u32 s0, $0x2;
	v3 =	vmul.f32 v1, v3  }
0x4b: {  	s7 =	simm.s32 $0x80;
	s9 =	sshra.s32 s1, $0x2;
	s24 =	sor.u32 $0xC000, s0;
	v1 =	vmul.f32 v1, v5  }
0x4c: {  	s2 =	sand.u32 $0x380, s7;
	s0 =	sadd.s32 s9, s24;
	v5 =	vmul.f32 $1.821428530e+02, v10;
	v2 =	vadd.f32 v3, v2  }
0x4d: {  	s10 =	sadd.s32 $0x400, s0;
	s9 =	sadd.s32 s2, s0;
	[dreg:$0xb] =	wrdreg s5;
	v1 =	vadd.f32 v1, v4  }
0x4e: {  	s25 =	simm.s32 $0x0;
	s12 =	sadd.s32 s2, s10;
	v3 =	vmax.f32 v5, $0.0e+00;
	[tilespmem:s9+$0x0] =	vst v2  }
0x4f: {  	v3 =	vmin.f32 v3, $2.550000000e+02;
	v2 =	vmov s25;
	[tilespmem:s12+$0x0] =	vst v1  }
0x50: {  	v4 =	vtrunc.f32 v3;
	v1 =	vshrl.u32 v2, $0x3;
	v5 =	vld [tilespmem:s11+$0x10]  }
0x51: {  	v4 =	vcvt.f32.s32 v4;
	v6 =	vmul.u32 $0x1400, v1;
	v1 =	vshll.u32 v2, $0x7  }
0x52: {  	v1 =	vand.u32 $0x300, v1  }
0x53: {  	vm12 =	vlt.s32 v4, $0xFE;
	v2 =	vor.u32 v1, v6  }
0x54: {  	v4 =	vnsel vm12, $0xFE, v4;
	v2 =	vadd.s32 $0x800, v2  }
0x55: {  	v10 =	vadd.s32 $0x1, v4;
	v11 =	vadd.s32 $0x101, v4;
	v5 =	vmul.f32 $1.821428530e+02, v5  }
0x56: {  	v13 =	vshll.u32 v4, $0x3;
	v17 =	vand.u32 $0x7F, v4;
	v12 =	vshll.u32 v10, $0x3  }
0x57: {  	v14 =	vshll.u32 v11, $0x3;
	v13 =	vand.u32 $0xFFFFFC00, v13;
	v5 =	vmax.f32 v5, $0.0e+00  }
0x58: {  	v10 =	vand.u32 $0x7F, v10;
	v11 =	vand.u32 $0x7F, v11;
	v5 =	vmin.f32 v5, $2.550000000e+02  }
0x59: {  	v12 =	vand.u32 $0xFFFFFC00, v12;
	v14 =	vand.u32 $0xFFFFFC00, v14;
	v16 =	vtrunc.f32 v5  }
0x5a: {  	v12 =	vadd.s32 v6, v12;
	v14 =	vadd.s32 v6, v14;
	v16 =	vcvt.f32.s32 v16  }
0x5b: {  	v15 =	vadd.s32 v6, v13;
	v10 =	vor.u32 v10, v12;
	v11 =	vor.u32 v11, v14  }
0x5c: {  	v12 =	vor.u32 v17, v15;
	v14 =	vor.u32 v17, v2;
	vm13 =	vlt.s32 v16, $0xFE  }
0x5d: {  	v12 =	vor.u32 v1, v12;
	v10 =	vor.u32 v1, v10;
	v15 =	vnsel vm13, $0xFE, v16  }
0x5e: {  	v11 =	vor.u32 v1, v11;
	v13 =	vadd.s32 v13, v14;
	v14 =	vand.u32 $0x7F, v15  }
0x5f: {  	v16 =	vshll.u32 v15, $0x3;
	v17 =	vadd.s32 $0x1, v15;
	v19 =	vadd.s32 $0x101, v15  }
0x60: {  	v18 =	vor.u32 v14, v9;
	v20 =	vand.u32 $0x7F, v17;
	v16 =	vand.u32 $0xFFFFFC00, v16  }
0x61: {  	v21 =	vand.u32 $0x7F, v19;
	v17 =	vshll.u32 v17, $0x3;
	v19 =	vshll.u32 v19, $0x3  }
0x62: {  	v18 =	vadd.s32 v16, v18;
	v16 =	vadd.s32 v8, v16;
	v17 =	vand.u32 $0xFFFFFC00, v17  }
0x63: {  	v14 =	vor.u32 v14, v16;
	v16 =	vadd.s32 v8, v17;
	v17 =	vand.u32 $0xFFFFFC00, v19  }
0x64: {  	v10 =	vld.idx.msk [tilespmem:v10+s23+$0x0], $0xffff;
	v14 =	vor.u32 v7, v14;
	v17 =	vadd.s32 v8, v17;
	v16 =	vor.u32 v20, v16  }
0x65: {  	v11 =	vld.idx.msk [tilespmem:v11+s23+$0x0], $0xffff;
	v17 =	vor.u32 v21, v17;
	v16 =	vor.u32 v7, v16  }
0x66: {  	v12 =	vld.idx.msk [tilespmem:v12+s23+$0x0], $0xffff;
	v17 =	vor.u32 v7, v17  }
0x67: {  	v13 =	vld.idx.msk [tilespmem:v13+s23+$0x0], $0xffff  }
0x68: {  	v18 =	vld.idx.msk [tilespmem:v18+s23+$0x0], $0xffff  }
0x69: {  	v14 =	vld.idx.msk [tilespmem:v14+s23+$0x0], $0xffff  }
0x6a: {  	v16 =	vld.idx.msk [tilespmem:v16+s23+$0x0], $0xffff  }
0x6b: {  	v4 =	vcvt.s32.f32 v4;
	v17 =	vld.idx.msk [tilespmem:v17+s23+$0x0], $0xffff;
	_ =	sdelay $0x1  }
0x6c: {  	v3 =	vsub.f32 v3, v4;
	v4 =	vsub.f32 v10, v12;
	v10 =	vcvt.s32.f32 v15  }
0x6d: {  	v11 =	vsub.f32 v11, v13  }
0x6e: {  	v4 =	vmul.f32 v3, v4;
	v5 =	vsub.f32 v5, v10;
	v10 =	vsub.f32 v16, v14  }
0x6f: {  	s26 =	simm.s32 $0x0;
	v3 =	vmul.f32 v3, v11;
	v11 =	vsub.f32 v17, v18  }
0x70: {  	s2 =	sand.u32 $0x300, s26;
	v4 =	vadd.f32 v4, v12;
	v10 =	vmul.f32 v5, v10  }
0x71: {  	s28 =	sadd.s32 s2, s0;
	v3 =	vadd.f32 v3, v13;
	v5 =	vmul.f32 v5, v11  }
0x72: {  	s26 =	sadd.s32 s2, s10;
	[tilespmem:s28+$0x0] =	vst v4;
	v4 =	vadd.f32 v10, v14  }
0x73: {  	[tilespmem:s26+$0x0] =	vst v3;
	v3 =	vadd.f32 v5, v18  }
0x74: {  	[tilespmem:s9+$0x10] =	vst v4  }
0x75: {  	v4 =	vld [tilespmem:s11+$0xFFFFFF90];
	[tilespmem:s12+$0x10] =	vst v3  }
0x76: {  	v3 =	vld [tilespmem:s11+$0x20];
	_ =	sdelay $0x4  }
0x77: {  	v4 =	vmul.f32 $1.821428530e+02, v4;
	v3 =	vmul.f32 $1.821428530e+02, v3;
	_ =	sdelay $0x1  }
0x78: {  	v4 =	vmax.f32 v4, $0.0e+00;
	v3 =	vmax.f32 v3, $0.0e+00  }
0x79: {  	v4 =	vmin.f32 v4, $2.550000000e+02;
	v3 =	vmin.f32 v3, $2.550000000e+02  }
0x7a: {  	v5 =	vtrunc.f32 v4;
	v10 =	vtrunc.f32 v3  }
0x7b: {  	v5 =	vcvt.f32.s32 v5;
	v10 =	vcvt.f32.s32 v10;
	_ =	sdelay $0x1  }
0x7c: {  	vm14 =	vlt.s32 v5, $0xFE;
	vm1 =	vlt.s32 v10, $0xFE  }
0x7d: {  	v5 =	vnsel vm14, $0xFE, v5;
	v10 =	vnsel vm1, $0xFE, v10  }
0x7e: {  	v11 =	vshll.u32 v5, $0x3;
	v12 =	vadd.s32 $0x1, v5;
	v13 =	vand.u32 $0x7F, v10  }
0x7f: {  	v14 =	vshll.u32 v10, $0x3;
	v15 =	vadd.s32 $0x1, v10;
	v16 =	vadd.s32 $0x101, v10  }
0x80: {  	v17 =	vor.u32 v13, v9;
	v18 =	vand.u32 $0x7F, v15;
	v19 =	vand.u32 $0x7F, v16  }
0x81: {  	v14 =	vand.u32 $0xFFFFFC00, v14;
	v15 =	vshll.u32 v15, $0x3;
	v16 =	vshll.u32 v16, $0x3  }
0x82: {  	v20 =	vadd.s32 v8, v14;
	v15 =	vand.u32 $0xFFFFFC00, v15;
	v14 =	vadd.s32 v14, v17  }
0x83: {  	v16 =	vand.u32 $0xFFFFFC00, v16;
	v13 =	vor.u32 v13, v20;
	v15 =	vadd.s32 v8, v15  }
0x84: {  	v16 =	vadd.s32 v8, v16;
	v13 =	vor.u32 v7, v13;
	v15 =	vor.u32 v18, v15  }
0x85: {  	v11 =	vand.u32 $0xFFFFFC00, v11;
	v16 =	vor.u32 v19, v16;
	v15 =	vor.u32 v7, v15  }
0x86: {  	v17 =	vadd.s32 $0x101, v5;
	v18 =	vshll.u32 v12, $0x3;
	v16 =	vor.u32 v7, v16  }
0x87: {  	v20 =	vadd.s32 v6, v11;
	v19 =	vshll.u32 v17, $0x3;
	v18 =	vand.u32 $0xFFFFFC00, v18  }
0x88: {  	v12 =	vand.u32 $0x7F, v12;
	v19 =	vand.u32 $0xFFFFFC00, v19;
	v18 =	vadd.s32 v6, v18;
	v14 =	vld.idx.msk [tilespmem:v14+s23+$0x0], $0xffff  }
0x89: {  	v17 =	vand.u32 $0x7F, v17;
	v19 =	vadd.s32 v6, v19;
	v12 =	vor.u32 v12, v18;
	v13 =	vld.idx.msk [tilespmem:v13+s23+$0x0], $0xffff  }
0x8a: {  	v18 =	vand.u32 $0x7F, v5;
	v17 =	vor.u32 v17, v19;
	v12 =	vor.u32 v1, v12;
	v15 =	vld.idx.msk [tilespmem:v15+s23+$0x0], $0xffff  }
0x8b: {  	v19 =	vor.u32 v18, v20;
	v17 =	vor.u32 v1, v17;
	v16 =	vld.idx.msk [tilespmem:v16+s23+$0x0], $0xffff  }
0x8c: {  	v19 =	vor.u32 v1, v19  }
0x8d: {  	v10 =	vcvt.s32.f32 v10;
	v18 =	vor.u32 v18, v2  }
0x8e: {  	v11 =	vadd.s32 v11, v18  }
0x8f: {  	v3 =	vsub.f32 v3, v10;
	v12 =	vld.idx.msk [tilespmem:v12+s23+$0x0], $0xffff;
	v10 =	vsub.f32 v15, v13  }
0x90: {  	v15 =	vld.idx.msk [tilespmem:v17+s23+$0x0], $0xffff;
	v16 =	vsub.f32 v16, v14  }
0x91: {  	v17 =	vld.idx.msk [tilespmem:v19+s23+$0x0], $0xffff;
	v10 =	vmul.f32 v3, v10  }
0x92: {  	v3 =	vmul.f32 v3, v16  }
0x93: {  	v11 =	vld.idx.msk [tilespmem:v11+s23+$0x0], $0xffff;
	v10 =	vadd.f32 v10, v13  }
0x94: {  	v5 =	vcvt.s32.f32 v5;
	v3 =	vadd.f32 v3, v14  }
0x95: {  	[tilespmem:s9+$0x20] =	vst v10  }
0x96: {  	v4 =	vsub.f32 v4, v5;
	v10 =	vsub.f32 v12, v17;
	[tilespmem:s12+$0x20] =	vst v3  }
0x97: {  	v5 =	vld [tilespmem:s11+$0x30]  }
0x98: {  	v3 =	vsub.f32 v15, v11;
	v10 =	vmul.f32 v4, v10;
	_ =	sdelay $0x1  }
0x99: {  	v3 =	vmul.f32 v4, v3;
	v4 =	vadd.f32 v10, v17;
	_ =	sdelay $0x1  }
0x9a: {  	[tilespmem:s28+$0x10] =	vst v4;
	v4 =	vmul.f32 $1.821428530e+02, v5  }
0x9b: {  	v3 =	vadd.f32 v3, v11  }
0x9c: {  	v4 =	vmax.f32 v4, $0.0e+00  }
0x9d: {  	[tilespmem:s26+$0x10] =	vst v3;
	v4 =	vmin.f32 v4, $2.550000000e+02  }
0x9e: {  	v3 =	vld [tilespmem:s11+$0xFFFFFFA0];
	v5 =	vtrunc.f32 v4  }
0x9f: {  	v5 =	vcvt.f32.s32 v5;
	_ =	sdelay $0x1  }
0xa0: {  	vm15 =	vlt.s32 v5, $0xFE  }
0xa1: {  	v5 =	vnsel vm15, $0xFE, v5  }
0xa2: {  	v3 =	vmul.f32 $1.821428530e+02, v3;
	v10 =	vand.u32 $0x7F, v5  }
0xa3: {  	v11 =	vshll.u32 v5, $0x3;
	v12 =	vadd.s32 $0x1, v5;
	v13 =	vadd.s32 $0x101, v5  }
0xa4: {  	v14 =	vand.u32 $0x7F, v12;
	v15 =	vor.u32 v10, v9;
	v16 =	vand.u32 $0x7F, v13  }
0xa5: {  	v11 =	vand.u32 $0xFFFFFC00, v11;
	v12 =	vshll.u32 v12, $0x3;
	v13 =	vshll.u32 v13, $0x3  }
0xa6: {  	v17 =	vadd.s32 v8, v11;
	v12 =	vand.u32 $0xFFFFFC00, v12;
	v11 =	vadd.s32 v11, v15  }
0xa7: {  	v13 =	vand.u32 $0xFFFFFC00, v13;
	v10 =	vor.u32 v10, v17;
	v12 =	vadd.s32 v8, v12  }
0xa8: {  	v13 =	vadd.s32 v8, v13;
	v10 =	vor.u32 v7, v10;
	v12 =	vor.u32 v14, v12  }
0xa9: {  	v3 =	vmax.f32 v3, $0.0e+00;
	v13 =	vor.u32 v16, v13;
	v12 =	vor.u32 v7, v12  }
0xaa: {  	v3 =	vmin.f32 v3, $2.550000000e+02;
	v13 =	vor.u32 v7, v13  }
0xab: {  	v14 =	vtrunc.f32 v3  }
0xac: {  	v14 =	vcvt.f32.s32 v14;
	v11 =	vld.idx.msk [tilespmem:v11+s23+$0x0], $0xffff  }
0xad: {  	v10 =	vld.idx.msk [tilespmem:v10+s23+$0x0], $0xffff  }
0xae: {  	v5 =	vcvt.s32.f32 v5;
	vm4 =	vlt.s32 v14, $0xFE;
	v12 =	vld.idx.msk [tilespmem:v12+s23+$0x0], $0xffff  }
0xaf: {  	v14 =	vnsel vm4, $0xFE, v14;
	v13 =	vld.idx.msk [tilespmem:v13+s23+$0x0], $0xffff  }
0xb0: {  	v4 =	vsub.f32 v4, v5;
	v15 =	vadd.s32 $0x1, v14  }
0xb1: {  	v17 =	vadd.s32 $0x101, v14;
	v18 =	vshll.u32 v14, $0x3;
	v20 =	vand.u32 $0x7F, v14  }
0xb2: {  	v16 =	vshll.u32 v15, $0x3;
	v19 =	vshll.u32 v17, $0x3;
	v18 =	vand.u32 $0xFFFFFC00, v18  }
0xb3: {  	v15 =	vand.u32 $0x7F, v15;
	v16 =	vand.u32 $0xFFFFFC00, v16;
	v5 =	vsub.f32 v12, v10  }
0xb4: {  	v19 =	vand.u32 $0xFFFFFC00, v19;
	v16 =	vadd.s32 v6, v16;
	v13 =	vsub.f32 v13, v11  }
0xb5: {  	v19 =	vadd.s32 v6, v19;
	v15 =	vor.u32 v15, v16;
	v5 =	vmul.f32 v4, v5  }
0xb6: {  	v16 =	vand.u32 $0x7F, v17;
	v15 =	vor.u32 v1, v15;
	v4 =	vmul.f32 v4, v13  }
0xb7: {  	v12 =	vadd.s32 v6, v18;
	v13 =	vor.u32 v16, v19;
	v5 =	vadd.f32 v5, v10  }
0xb8: {  	v10 =	vor.u32 v20, v12;
	v12 =	vor.u32 v1, v13;
	v4 =	vadd.f32 v4, v11  }
0xb9: {  	v11 =	vor.u32 v20, v2;
	v10 =	vor.u32 v1, v10;
	[tilespmem:s9+$0x30] =	vst v5  }
0xba: {  	v5 =	vadd.s32 v18, v11;
	[tilespmem:s12+$0x30] =	vst v4  }
0xbb: {  	v4 =	vld [tilespmem:s11+$0x40]  }
0xbc: {  	v11 =	vld.idx.msk [tilespmem:v15+s23+$0x0], $0xffff  }
0xbd: {  	v12 =	vld.idx.msk [tilespmem:v12+s23+$0x0], $0xffff  }
0xbe: {  	v10 =	vld.idx.msk [tilespmem:v10+s23+$0x0], $0xffff  }
0xbf: {  	v5 =	vld.idx.msk [tilespmem:v5+s23+$0x0], $0xffff  }
0xc0: {  	v4 =	vmul.f32 $1.821428530e+02, v4  }
0xc1: {  	v13 =	vcvt.s32.f32 v14  }
0xc2: {  	v4 =	vmax.f32 v4, $0.0e+00  }
0xc3: {  	v3 =	vsub.f32 v3, v13;
	v11 =	vsub.f32 v11, v10;
	v13 =	vmin.f32 v4, $2.550000000e+02  }
0xc4: {  	v4 =	vsub.f32 v12, v5;
	v12 =	vtrunc.f32 v13  }
0xc5: {  	v11 =	vmul.f32 v3, v11;
	v12 =	vcvt.f32.s32 v12  }
0xc6: {  	v3 =	vmul.f32 v3, v4  }
0xc7: {  	v4 =	vadd.f32 v11, v10;
	vm5 =	vlt.s32 v12, $0xFE  }
0xc8: {  	v3 =	vadd.f32 v3, v5;
	v11 =	vnsel vm5, $0xFE, v12  }
0xc9: {  	[tilespmem:s28+$0x20] =	vst v4;
	v4 =	vand.u32 $0x7F, v11  }
0xca: {  	[tilespmem:s26+$0x20] =	vst v3;
	v3 =	vshll.u32 v11, $0x3;
	v5 =	vadd.s32 $0x1, v11;
	v10 =	vadd.s32 $0x101, v11  }
0xcb: {  	v14 =	vand.u32 $0x7F, v5;
	v15 =	vor.u32 v4, v9;
	v16 =	vand.u32 $0x7F, v10  }
0xcc: {  	v12 =	vld [tilespmem:s11+$0xFFFFFFB0];
	v3 =	vand.u32 $0xFFFFFC00, v3;
	v5 =	vshll.u32 v5, $0x3;
	v10 =	vshll.u32 v10, $0x3  }
0xcd: {  	v17 =	vadd.s32 v8, v3;
	v5 =	vand.u32 $0xFFFFFC00, v5;
	v3 =	vadd.s32 v3, v15  }
0xce: {  	v10 =	vand.u32 $0xFFFFFC00, v10;
	v4 =	vor.u32 v4, v17;
	v5 =	vadd.s32 v8, v5  }
0xcf: {  	v10 =	vadd.s32 v8, v10;
	v4 =	vor.u32 v7, v4;
	v5 =	vor.u32 v14, v5  }
0xd0: {  	v10 =	vor.u32 v16, v10;
	v5 =	vor.u32 v7, v5  }
0xd1: {  	v14 =	vor.u32 v7, v10;
	v12 =	vmul.f32 $1.821428530e+02, v12;
	_ =	sdelay $0x1  }
0xd2: {  	v10 =	vmax.f32 v12, $0.0e+00;
	v12 =	vld.idx.msk [tilespmem:v3+s23+$0x0], $0xffff  }
0xd3: {  	v10 =	vmin.f32 v10, $2.550000000e+02;
	v15 =	vld.idx.msk [tilespmem:v4+s23+$0x0], $0xffff  }
0xd4: {  	v3 =	vtrunc.f32 v10;
	v18 =	vld.idx.msk [tilespmem:v5+s23+$0x0], $0xffff  }
0xd5: {  	s2 =	simm.s32 $0x2;
	v14 =	vld.idx.msk [tilespmem:v14+s23+$0x0], $0xffff;
	v17 =	vcvt.f32.s32 v3  }
0xd6: {  	v16 =	vmov s2  }
0xd7: {  	s31 =	sadd.s32 $0x100, s11;
	v11 =	vcvt.s32.f32 v11;
	v3 =	vshrl.u32 v16, $0x3;
	vm6 =	vlt.s32 v17, $0xFE  }
0xd8: {  	v4 =	vmul.u32 $0x1400, v3;
	v3 =	vshll.u32 v16, $0x7;
	v16 =	vld [tilespmem:s31+$0x0];
	v5 =	vnsel vm6, $0xFE, v17  }
0xd9: {  	v11 =	vsub.f32 v13, v11;
	v17 =	vshll.u32 v5, $0x3;
	v19 =	vadd.s32 $0x1, v5  }
0xda: {  	v20 =	vadd.s32 $0x101, v5;
	v13 =	vsub.f32 v18, v15;
	v14 =	vsub.f32 v14, v12  }
0xdb: {  	v17 =	vand.u32 $0xFFFFFC00, v17;
	v18 =	vshll.u32 v19, $0x3;
	v21 =	vshll.u32 v20, $0x3  }
0xdc: {  	v20 =	vand.u32 $0x7F, v20;
	v18 =	vand.u32 $0xFFFFFC00, v18;
	v21 =	vand.u32 $0xFFFFFC00, v21  }
0xdd: {  	v23 =	vld [tilespmem:s31+$0xFFFFFF80];
	v13 =	vmul.f32 v11, v13;
	v22 =	vadd.s32 v6, v17;
	v16 =	vmul.f32 $1.821428530e+02, v16  }
0xde: {  	v11 =	vmul.f32 v11, v14;
	v18 =	vadd.s32 v6, v18;
	v21 =	vadd.s32 v6, v21  }
0xdf: {  	s3 =	simm.s32 $0x3;
	v13 =	vadd.f32 v13, v15;
	v15 =	vand.u32 $0x7F, v19;
	v14 =	vmax.f32 v16, $0.0e+00  }
0xe0: {  	v11 =	vadd.f32 v11, v12;
	v12 =	vand.u32 $0x7F, v5;
	v16 =	vmov s3  }
0xe1: {  	v20 =	vor.u32 v20, v21;
	v19 =	vmin.f32 v14, $2.550000000e+02;
	v14 =	vshrl.u32 v16, $0x3  }
0xe2: {  	v18 =	vor.u32 v15, v18;
	v15 =	vmul.f32 $1.821428530e+02, v23;
	[tilespmem:s9+$0x40] =	vst v13;
	v13 =	vtrunc.f32 v19  }
0xe3: {  	v14 =	vmul.u32 $0x1400, v14;
	[tilespmem:s12+$0x40] =	vst v11;
	v11 =	vcvt.f32.s32 v13;
	v13 =	vshll.u32 v16, $0x7  }
0xe4: {  	v22 =	vor.u32 v12, v22;
	v12 =	vor.u32 v12, v2;
	v16 =	vld [tilespmem:s11+$0x50];
	v13 =	vand.u32 $0x380, v13  }
0xe5: {  	v20 =	vor.u32 v1, v20;
	vm7 =	vlt.s32 v11, $0xFE;
	v21 =	vor.u32 v13, v14  }
0xe6: {  	v23 =	vmax.f32 v15, $0.0e+00;
	v11 =	vnsel vm7, $0xFE, v11;
	v15 =	vadd.s32 $0x800, v21  }
0xe7: {  	v21 =	vand.u32 $0x7F, v11;
	v24 =	vshll.u32 v11, $0x3;
	v25 =	vadd.s32 $0x1, v11  }
0xe8: {  	v27 =	vadd.s32 $0x101, v11;
	v26 =	vor.u32 v21, v15;
	v24 =	vand.u32 $0xFFFFFC00, v24  }
0xe9: {  	v28 =	vand.u32 $0x7F, v25;
	v29 =	vand.u32 $0x7F, v27;
	v16 =	vmul.f32 $1.821428530e+02, v16  }
0xea: {  	v25 =	vshll.u32 v25, $0x3;
	v27 =	vshll.u32 v27, $0x3;
	v30 =	vadd.s32 v14, v24  }
0xeb: {  	v24 =	vadd.s32 v24, v26;
	v25 =	vand.u32 $0xFFFFFC00, v25;
	v16 =	vmax.f32 v16, $0.0e+00  }
0xec: {  	v26 =	vand.u32 $0xFFFFFC00, v27;
	v21 =	vor.u32 v21, v30;
	v16 =	vmin.f32 v16, $2.550000000e+02  }
0xed: {  	v25 =	vadd.s32 v14, v25;
	v26 =	vadd.s32 v14, v26;
	v27 =	vtrunc.f32 v16  }
0xee: {  	v21 =	vor.u32 v13, v21;
	v25 =	vor.u32 v28, v25;
	v27 =	vcvt.f32.s32 v27  }
0xef: {  	v23 =	vmin.f32 v23, $2.550000000e+02;
	v26 =	vor.u32 v29, v26;
	v25 =	vor.u32 v13, v25  }
0xf0: {  	v11 =	vcvt.s32.f32 v11;
	v26 =	vor.u32 v13, v26;
	vm8 =	vlt.s32 v27, $0xFE  }
0xf1: {  	v12 =	vadd.s32 v17, v12;
	v28 =	vtrunc.f32 v23;
	v27 =	vnsel vm8, $0xFE, v27  }
0xf2: {  	v11 =	vsub.f32 v19, v11;
	v28 =	vcvt.f32.s32 v28;
	v24 =	vld.idx.msk [tilespmem:v24+s23+$0x0], $0xffff;
	v29 =	vand.u32 $0x7F, v27  }
0xf3: {  	v21 =	vld.idx.msk [tilespmem:v21+s23+$0x0], $0xffff;
	v30 =	vadd.s32 $0x1, v27;
	v31 =	vshll.u32 v27, $0x3;
	v32 =	vadd.s32 $0x101, v27  }
0xf4: {  	v25 =	vld.idx.msk [tilespmem:v25+s23+$0x0], $0xffff;
	v33 =	vand.u32 $0x7F, v30;
	v34 =	vor.u32 v29, v9;
	v35 =	vand.u32 $0x7F, v32  }
0xf5: {  	v26 =	vld.idx.msk [tilespmem:v26+s23+$0x0], $0xffff;
	v31 =	vand.u32 $0xFFFFFC00, v31;
	v30 =	vshll.u32 v30, $0x3;
	v32 =	vshll.u32 v32, $0x3  }
0xf6: {  	v36 =	vadd.s32 v8, v31;
	v30 =	vand.u32 $0xFFFFFC00, v30;
	v31 =	vadd.s32 v31, v34  }
0xf7: {  	v32 =	vand.u32 $0xFFFFFC00, v32;
	v29 =	vor.u32 v29, v36;
	v30 =	vadd.s32 v8, v30  }
0xf8: {  	v20 =	vld.idx.msk [tilespmem:v20+s23+$0x0], $0xffff;
	v32 =	vadd.s32 v8, v32;
	v29 =	vor.u32 v7, v29;
	v30 =	vor.u32 v33, v30  }
0xf9: {  	s4 =	simm.s32 $0x0;
	v12 =	vld.idx.msk [tilespmem:v12+s23+$0x0], $0xffff;
	v32 =	vor.u32 v35, v32;
	v19 =	vsub.f32 v25, v21;
	v30 =	vor.u32 v7, v30  }
0xfa: {  	s0 =	smul.u32 $0x3000, s4;
	v25 =	vsub.f32 v26, v24;
	v32 =	vor.u32 v7, v32  }
0xfb: {  	v3 =	vand.u32 $0x300, v3;
	vm9 =	vlt.s32 v28, $0xFE;
	v19 =	vmul.f32 v11, v19  }
0xfc: {  	s0 =	sshra.s32 s0, $0x2;
	s5 =	simm.s32 $0x180;
	v18 =	vor.u32 v1, v18;
	v28 =	vnsel vm9, $0xFE, v28;
	v11 =	vmul.f32 v11, v25;
	v26 =	vld.idx.msk [tilespmem:v31+s23+$0x0], $0xffff  }
0xfd: {  	s0 =	sadd.s32 s0, s24;
	s6 =	sand.u32 $0x380, s5;
	v22 =	vor.u32 v1, v22;
	v25 =	vadd.s32 $0x1, v28;
	v19 =	vadd.f32 v19, v21;
	v29 =	vld.idx.msk [tilespmem:v29+s23+$0x0], $0xffff  }
0xfe: {  	s7 =	sadd.s32 $0x400, s0;
	s1 =	sadd.s32 s6, s0;
	v20 =	vsub.f32 v20, v12;
	v17 =	vshll.u32 v25, $0x3;
	v11 =	vadd.f32 v11, v24;
	v30 =	vld.idx.msk [tilespmem:v30+s23+$0x0], $0xffff  }
0xff: {  	s5 =	sadd.s32 s6, s7;
	v31 =	vshll.u32 v28, $0x3;
	v25 =	vand.u32 $0x7F, v25;
	v17 =	vand.u32 $0xFFFFFC00, v17;
	v21 =	vld.idx.msk [tilespmem:v32+s23+$0x0], $0xffff;
	[tilespmem:s1+$0x0] =	vst v19  }
0x100: {  	v17 =	vadd.s32 v4, v17;
	v19 =	vand.u32 $0xFFFFFC00, v31;
	v31 =	vand.u32 $0x7F, v28;
	[tilespmem:s5+$0x0] =	vst v11  }
0x101: {  	v17 =	vor.u32 v25, v17;
	v11 =	vcvt.s32.f32 v27;
	v27 =	vadd.s32 v4, v19;
	v58 =	vld [tilespmem:s31+$0x10]  }
0x102: {  	v24 =	vadd.s32 $0x101, v28;
	v17 =	vor.u32 v3, v17;
	v25 =	vor.u32 v31, v27  }
0x103: {  	v18 =	vld.idx.msk [tilespmem:v18+s23+$0x0], $0xffff;
	v27 =	vshll.u32 v24, $0x3;
	v11 =	vsub.f32 v16, v11;
	v16 =	vsub.f32 v30, v29  }
0x104: {  	v22 =	vld.idx.msk [tilespmem:v22+s23+$0x0], $0xffff;
	v24 =	vand.u32 $0x7F, v24;
	v25 =	vor.u32 v3, v25;
	v21 =	vsub.f32 v21, v26  }
0x105: {  	v27 =	vand.u32 $0xFFFFFC00, v27;
	v30 =	vor.u32 v3, v4;
	v16 =	vmul.f32 v11, v16  }
0x106: {  	v11 =	vmul.f32 v11, v21;
	v21 =	vadd.s32 v4, v27;
	v27 =	vmul.f32 $1.821428530e+02, v58  }
0x107: {  	v21 =	vor.u32 v24, v21;
	v16 =	vadd.f32 v16, v29;
	v29 =	vcvt.s32.f32 v5  }
0x108: {  	v17 =	vld.idx.msk [tilespmem:v17+s23+$0x0], $0xffff;
	v11 =	vadd.f32 v11, v26;
	v5 =	vadd.s32 $0x800, v30;
	v24 =	vmax.f32 v27, $0.0e+00  }
0x109: {  	v24 =	vmin.f32 v24, $2.550000000e+02;
	[tilespmem:s9+$0x50] =	vst v16;
	v16 =	vsub.f32 v18, v22;
	v10 =	vsub.f32 v10, v29;
	v18 =	vld.idx.msk [tilespmem:v25+s23+$0x0], $0xffff  }
0x10a: {  	v21 =	vor.u32 v3, v21;
	v25 =	vtrunc.f32 v24;
	[tilespmem:s12+$0x50] =	vst v11;
	v11 =	vcvt.s32.f32 v28  }
0x10b: {  	v27 =	vor.u32 v31, v5;
	v25 =	vcvt.f32.s32 v25;
	v26 =	vld [tilespmem:s11+$0x60];
	v16 =	vmul.f32 v10, v16  }
0x10c: {  	v19 =	vadd.s32 v19, v27;
	v10 =	vmul.f32 v10, v20  }
0x10d: {  	v11 =	vsub.f32 v23, v11;
	vm10 =	vlt.s32 v25, $0xFE;
	v16 =	vadd.f32 v16, v22  }
0x10e: {  	v10 =	vadd.f32 v10, v12;
	v12 =	vsub.f32 v17, v18;
	v17 =	vnsel vm10, $0xFE, v25  }
0x10f: {  	v20 =	vand.u32 $0x7F, v17;
	v22 =	vshll.u32 v17, $0x3;
	v25 =	vadd.s32 $0x1, v17  }
0x110: {  	v21 =	vld.idx.msk [tilespmem:v21+s23+$0x0], $0xffff;
	v27 =	vadd.s32 $0x101, v17;
	v23 =	vmul.f32 $1.821428530e+02, v26;
	v26 =	vor.u32 v20, v15  }
0x111: {  	v19 =	vld.idx.msk [tilespmem:v19+s23+$0x0], $0xffff;
	v28 =	vand.u32 $0x7F, v25;
	v29 =	vand.u32 $0x7F, v27;
	v22 =	vand.u32 $0xFFFFFC00, v22  }
0x112: {  	v25 =	vshll.u32 v25, $0x3;
	v27 =	vshll.u32 v27, $0x3;
	v12 =	vmul.f32 v11, v12  }
0x113: {  	v26 =	vadd.s32 v22, v26;
	v22 =	vadd.s32 v14, v22;
	v23 =	vmax.f32 v23, $0.0e+00  }
0x114: {  	v25 =	vand.u32 $0xFFFFFC00, v25;
	v20 =	vor.u32 v20, v22;
	v23 =	vmin.f32 v23, $2.550000000e+02  }
0x115: {  	v22 =	vadd.s32 v14, v25;
	v25 =	vand.u32 $0xFFFFFC00, v27;
	v30 =	vtrunc.f32 v23  }
0x116: {  	v25 =	vadd.s32 v14, v25;
	v21 =	vsub.f32 v21, v19;
	v30 =	vcvt.f32.s32 v30  }
0x117: {  	v20 =	vor.u32 v13, v20;
	v22 =	vor.u32 v28, v22;
	v25 =	vor.u32 v29, v25  }
0x118: {  	v22 =	vor.u32 v13, v22;
	v11 =	vmul.f32 v11, v21;
	vm11 =	vlt.s32 v30, $0xFE  }
0x119: {  	v17 =	vcvt.s32.f32 v17;
	v25 =	vor.u32 v13, v25;
	v27 =	vnsel vm11, $0xFE, v30  }
0x11a: {  	v12 =	vadd.f32 v12, v18;
	v11 =	vadd.f32 v11, v19;
	v28 =	vand.u32 $0x7F, v27  }
0x11b: {  	v26 =	vld.idx.msk [tilespmem:v26+s23+$0x0], $0xffff;
	v29 =	vshll.u32 v27, $0x3;
	v30 =	vadd.s32 $0x1, v27;
	v31 =	vadd.s32 $0x101, v27  }
0x11c: {  	v20 =	vld.idx.msk [tilespmem:v20+s23+$0x0], $0xffff;
	v59 =	vand.u32 $0x7F, v30;
	v60 =	vor.u32 v28, v9;
	v61 =	vand.u32 $0x7F, v31  }
0x11d: {  	v22 =	vld.idx.msk [tilespmem:v22+s23+$0x0], $0xffff;
	v29 =	vand.u32 $0xFFFFFC00, v29;
	v30 =	vshll.u32 v30, $0x3;
	v31 =	vshll.u32 v31, $0x3  }
0x11e: {  	s10 =	simm.s32 $0x100;
	v21 =	vld.idx.msk [tilespmem:v25+s23+$0x0], $0xffff;
	v62 =	vadd.s32 v8, v29;
	v30 =	vand.u32 $0xFFFFFC00, v30;
	v29 =	vadd.s32 v29, v60  }
0x11f: {  	s3 =	sand.u32 $0x300, s10;
	[tilespmem:s28+$0x30] =	vst v16;
	v31 =	vand.u32 $0xFFFFFC00, v31;
	v28 =	vor.u32 v28, v62;
	v30 =	vadd.s32 v8, v30  }
0x120: {  	s29 =	sadd.s32 s3, s0;
	[tilespmem:s26+$0x30] =	vst v10;
	v10 =	vadd.s32 v8, v31;
	v16 =	vor.u32 v7, v28;
	v25 =	vor.u32 v59, v30  }
0x121: {  	s30 =	sadd.s32 s3, s7;
	[tilespmem:s29+$0x0] =	vst v12;
	v10 =	vor.u32 v61, v10;
	v18 =	vor.u32 v7, v25  }
0x122: {  	v12 =	vld [tilespmem:s11+$0xFFFFFFC0];
	[tilespmem:s30+$0x0] =	vst v11;
	v11 =	vsub.f32 v24, v17;
	v10 =	vor.u32 v7, v10;
	v17 =	vsub.f32 v22, v20  }
0x123: {  	v19 =	vld [tilespmem:s31+$0xFFFFFF90];
	v21 =	vsub.f32 v21, v26  }
0x124: {  	v22 =	vld.idx.msk [tilespmem:v29+s23+$0x0], $0xffff;
	v17 =	vmul.f32 v11, v17  }
0x125: {  	v11 =	vmul.f32 v11, v21;
	v16 =	vld.idx.msk [tilespmem:v16+s23+$0x0], $0xffff  }
0x126: {  	v17 =	vadd.f32 v17, v20;
	v18 =	vld.idx.msk [tilespmem:v18+s23+$0x0], $0xffff  }
0x127: {  	v10 =	vld.idx.msk [tilespmem:v10+s23+$0x0], $0xffff;
	v11 =	vadd.f32 v11, v26  }
0x128: {  	v12 =	vmul.f32 $1.821428530e+02, v12;
	v19 =	vmul.f32 $1.821428530e+02, v19;
	[tilespmem:s1+$0x10] =	vst v17  }
0x129: {  	v17 =	vcvt.s32.f32 v27;
	[tilespmem:s5+$0x10] =	vst v11  }
0x12a: {  	v11 =	vmax.f32 v12, $0.0e+00;
	v12 =	vmax.f32 v19, $0.0e+00;
	v19 =	vld [tilespmem:s31+$0x20]  }
0x12b: {  	v11 =	vmin.f32 v11, $2.550000000e+02;
	v17 =	vsub.f32 v23, v17;
	v12 =	vmin.f32 v12, $2.550000000e+02  }
0x12c: {  	v20 =	vtrunc.f32 v12;
	v18 =	vsub.f32 v18, v16;
	v10 =	vsub.f32 v10, v22  }
0x12d: {  	v21 =	vtrunc.f32 v11;
	v20 =	vcvt.f32.s32 v20  }
0x12e: {  	v18 =	vmul.f32 v17, v18;
	v10 =	vmul.f32 v17, v10  }
0x12f: {  	v17 =	vcvt.f32.s32 v21;
	vm12 =	vlt.s32 v20, $0xFE;
	v19 =	vmul.f32 $1.821428530e+02, v19  }
0x130: {  	v16 =	vadd.f32 v18, v16;
	v10 =	vadd.f32 v10, v22;
	v18 =	vnsel vm12, $0xFE, v20  }
0x131: {  	v20 =	vshll.u32 v18, $0x3;
	v21 =	vadd.s32 $0x1, v18;
	v19 =	vmax.f32 v19, $0.0e+00  }
0x132: {  	v22 =	vadd.s32 $0x101, v18;
	v27 =	vand.u32 $0x7F, v18;
	v20 =	vand.u32 $0xFFFFFC00, v20  }
0x133: {  	v19 =	vmin.f32 v19, $2.550000000e+02;
	v23 =	vshll.u32 v21, $0x3;
	v24 =	vshll.u32 v22, $0x3  }
0x134: {  	v21 =	vand.u32 $0x7F, v21;
	v22 =	vand.u32 $0x7F, v22;
	v25 =	vtrunc.f32 v19  }
0x135: {  	v23 =	vand.u32 $0xFFFFFC00, v23;
	v24 =	vand.u32 $0xFFFFFC00, v24;
	v25 =	vcvt.f32.s32 v25  }
0x136: {  	v26 =	vadd.s32 v4, v20;
	v23 =	vadd.s32 v4, v23;
	v24 =	vadd.s32 v4, v24  }
0x137: {  	v21 =	vor.u32 v21, v23;
	v23 =	vor.u32 v27, v26;
	vm13 =	vlt.s32 v25, $0xFE  }
0x138: {  	v22 =	vor.u32 v22, v24;
	v21 =	vor.u32 v3, v21;
	v25 =	vnsel vm13, $0xFE, v25  }
0x139: {  	v23 =	vor.u32 v3, v23;
	v22 =	vor.u32 v3, v22;
	v26 =	vand.u32 $0x7F, v25  }
0x13a: {  	v28 =	vshll.u32 v25, $0x3;
	v29 =	vadd.s32 $0x1, v25;
	v30 =	vadd.s32 $0x101, v25  }
0x13b: {  	v31 =	vor.u32 v26, v15;
	v63 =	vand.u32 $0x7F, v29;
	v36 =	vand.u32 $0x7F, v30  }
0x13c: {  	v28 =	vand.u32 $0xFFFFFC00, v28;
	v29 =	vshll.u32 v29, $0x3;
	v30 =	vshll.u32 v30, $0x3  }
0x13d: {  	[tilespmem:s9+$0x60] =	vst v16;
	v37 =	vadd.s32 v14, v28;
	v29 =	vand.u32 $0xFFFFFC00, v29;
	v28 =	vadd.s32 v28, v31  }
0x13e: {  	[tilespmem:s12+$0x60] =	vst v10;
	v16 =	vor.u32 v26, v37;
	v26 =	vadd.s32 v14, v29;
	v29 =	vand.u32 $0xFFFFFC00, v30  }
0x13f: {  	v21 =	vld.idx.msk [tilespmem:v21+s23+$0x0], $0xffff;
	v10 =	vor.u32 v13, v16;
	v16 =	vor.u32 v63, v26;
	v26 =	vadd.s32 v14, v29  }
0x140: {  	v23 =	vld.idx.msk [tilespmem:v23+s23+$0x0], $0xffff;
	v16 =	vor.u32 v13, v16;
	v26 =	vor.u32 v36, v26  }
0x141: {  	v22 =	vld.idx.msk [tilespmem:v22+s23+$0x0], $0xffff;
	v24 =	vor.u32 v13, v26;
	v26 =	vor.u32 v27, v5  }
0x142: {  	vm14 =	vlt.s32 v17, $0xFE;
	v18 =	vcvt.s32.f32 v18;
	v29 =	vld [tilespmem:s11+$0x70];
	v20 =	vadd.s32 v20, v26  }
0x143: {  	v17 =	vnsel vm14, $0xFE, v17;
	v25 =	vcvt.s32.f32 v25;
	v26 =	vld.idx.msk [tilespmem:v28+s23+$0x0], $0xffff  }
0x144: {  	v12 =	vsub.f32 v12, v18;
	v31 =	vshll.u32 v17, $0x3;
	v30 =	vld.idx.msk [tilespmem:v10+s23+$0x0], $0xffff  }
0x145: {  	v19 =	vsub.f32 v19, v25;
	v25 =	vand.u32 $0x7F, v17;
	v31 =	vand.u32 $0xFFFFFC00, v31;
	v16 =	vld.idx.msk [tilespmem:v16+s23+$0x0], $0xffff  }
0x146: {  	v40 =	vadd.s32 v6, v31;
	v27 =	vadd.s32 $0x1, v17;
	v28 =	vadd.s32 $0x101, v17;
	v24 =	vld.idx.msk [tilespmem:v24+s23+$0x0], $0xffff  }
0x147: {  	v38 =	vshll.u32 v28, $0x3;
	v21 =	vsub.f32 v21, v23;
	v28 =	vand.u32 $0x7F, v28;
	v20 =	vld.idx.msk [tilespmem:v20+s23+$0x0], $0xffff  }
0x148: {  	v10 =	vshll.u32 v27, $0x3;
	v29 =	vmul.f32 $1.821428530e+02, v29;
	v32 =	vand.u32 $0xFFFFFC00, v38  }
0x149: {  	v27 =	vand.u32 $0x7F, v27;
	v10 =	vand.u32 $0xFFFFFC00, v10;
	v21 =	vmul.f32 v12, v21  }
0x14a: {  	v39 =	vadd.s32 v6, v10;
	v10 =	vmax.f32 v29, $0.0e+00;
	v16 =	vsub.f32 v16, v30  }
0x14b: {  	v29 =	vadd.s32 v6, v32;
	v18 =	vor.u32 v27, v39;
	v24 =	vsub.f32 v24, v26  }
0x14c: {  	v18 =	vor.u32 v1, v18;
	v16 =	vmul.f32 v19, v16;
	v22 =	vsub.f32 v22, v20  }
0x14d: {  	v10 =	vmin.f32 v10, $2.550000000e+02;
	v21 =	vadd.f32 v21, v23;
	v19 =	vmul.f32 v19, v24  }
0x14e: {  	v24 =	vor.u32 v28, v29;
	v16 =	vadd.f32 v16, v30;
	v12 =	vmul.f32 v12, v22  }
0x14f: {  	[tilespmem:s29+$0x10] =	vst v21;
	v22 =	vor.u32 v25, v40;
	v23 =	vor.u32 v1, v24;
	v19 =	vadd.f32 v19, v26  }
0x150: {  	v22 =	vor.u32 v1, v22;
	[tilespmem:s1+$0x20] =	vst v16;
	v16 =	vor.u32 v25, v2;
	v12 =	vadd.f32 v12, v20  }
0x151: {  	v41 =	vtrunc.f32 v10;
	v18 =	vld.idx.msk [tilespmem:v18+s23+$0x0], $0xffff;
	[tilespmem:s5+$0x20] =	vst v19;
	v16 =	vadd.s32 v31, v16  }
0x152: {  	v19 =	vcvt.f32.s32 v41;
	v20 =	vld [tilespmem:s31+$0x30];
	[tilespmem:s30+$0x10] =	vst v12  }
0x153: {  	v12 =	vld [tilespmem:s31+$0xFFFFFFA0]  }
0x154: {  	v17 =	vcvt.s32.f32 v17;
	vm15 =	vlt.s32 v19, $0xFE;
	v21 =	vld.idx.msk [tilespmem:v23+s23+$0x0], $0xffff  }
0x155: {  	v19 =	vnsel vm15, $0xFE, v19;
	v22 =	vld.idx.msk [tilespmem:v22+s23+$0x0], $0xffff  }
0x156: {  	v11 =	vsub.f32 v11, v17;
	v23 =	vadd.s32 $0x101, v19;
	v24 =	vand.u32 $0x7F, v19;
	v16 =	vld.idx.msk [tilespmem:v16+s23+$0x0], $0xffff  }
0x157: {  	v26 =	vshll.u32 v19, $0x3;
	v25 =	vshll.u32 v23, $0x3;
	v20 =	vmul.f32 $1.821428530e+02, v20  }
0x158: {  	v9 =	vor.u32 v24, v9;
	v26 =	vand.u32 $0xFFFFFC00, v26;
	v23 =	vand.u32 $0x7F, v23  }
0x159: {  	v25 =	vand.u32 $0xFFFFFC00, v25;
	v12 =	vmul.f32 $1.821428530e+02, v12;
	v20 =	vmax.f32 v20, $0.0e+00  }
0x15a: {  	v9 =	vadd.s32 v26, v9;
	v18 =	vsub.f32 v18, v22;
	v17 =	vmin.f32 v20, $2.550000000e+02  }
0x15b: {  	v12 =	vmax.f32 v12, $0.0e+00;
	v20 =	vtrunc.f32 v17;
	v21 =	vsub.f32 v21, v16  }
0x15c: {  	v12 =	vmin.f32 v12, $2.550000000e+02;
	v18 =	vmul.f32 v11, v18;
	v20 =	vcvt.f32.s32 v20  }
0x15d: {  	v25 =	vadd.s32 v8, v25;
	v27 =	vtrunc.f32 v12;
	v11 =	vmul.f32 v11, v21  }
0x15e: {  	v23 =	vor.u32 v23, v25;
	v21 =	vcvt.f32.s32 v27;
	vm4 =	vlt.s32 v20, $0xFE  }
0x15f: {  	v18 =	vadd.f32 v18, v22;
	v20 =	vnsel vm4, $0xFE, v20;
	v11 =	vadd.f32 v11, v16  }
0x160: {  	vm5 =	vlt.s32 v21, $0xFE;
	v16 =	vand.u32 $0x7F, v20;
	v22 =	vshll.u32 v20, $0x3  }
0x161: {  	[tilespmem:s28+$0x40] =	vst v18;
	v27 =	vadd.s32 $0x1, v20;
	v28 =	vadd.s32 $0x101, v20;
	v18 =	vnsel vm5, $0xFE, v21  }
0x162: {  	v29 =	vand.u32 $0x7F, v27;
	v30 =	vor.u32 v16, v15;
	v31 =	vand.u32 $0x7F, v28  }
0x163: {  	v22 =	vand.u32 $0xFFFFFC00, v22;
	v27 =	vshll.u32 v27, $0x3;
	v28 =	vshll.u32 v28, $0x3  }
0x164: {  	v42 =	vadd.s32 v14, v22;
	v27 =	vand.u32 $0xFFFFFC00, v27;
	v22 =	vadd.s32 v22, v30  }
0x165: {  	v28 =	vand.u32 $0xFFFFFC00, v28;
	v16 =	vor.u32 v16, v42;
	v27 =	vadd.s32 v14, v27  }
0x166: {  	v28 =	vadd.s32 v14, v28;
	v16 =	vor.u32 v13, v16;
	v27 =	vor.u32 v29, v27  }
0x167: {  	[tilespmem:s26+$0x40] =	vst v11;
	v11 =	vadd.s32 $0x1, v18;
	v21 =	vor.u32 v13, v27;
	v27 =	vor.u32 v31, v28  }
0x168: {  	v30 =	vadd.s32 $0x101, v18;
	v29 =	vshll.u32 v11, $0x3;
	v25 =	vor.u32 v13, v27  }
0x169: {  	v23 =	vor.u32 v7, v23;
	v43 =	vshll.u32 v30, $0x3;
	v28 =	vld [tilespmem:s11+$0xFFFFFFD0];
	v29 =	vand.u32 $0xFFFFFC00, v29  }
0x16a: {  	v11 =	vand.u32 $0x7F, v11;
	v31 =	vshll.u32 v18, $0x3;
	v29 =	vadd.s32 v4, v29;
	v22 =	vld.idx.msk [tilespmem:v22+s23+$0x0], $0xffff  }
0x16b: {  	v31 =	vand.u32 $0xFFFFFC00, v31;
	v11 =	vor.u32 v11, v29;
	v44 =	vld.idx.msk [tilespmem:v16+s23+$0x0], $0xffff;
	v16 =	vand.u32 $0xFFFFFC00, v43  }
0x16c: {  	v29 =	vand.u32 $0x7F, v30;
	v11 =	vor.u32 v3, v11;
	v21 =	vld.idx.msk [tilespmem:v21+s23+$0x0], $0xffff;
	v16 =	vadd.s32 v4, v16  }
0x16d: {  	v45 =	vadd.s32 v4, v31;
	v30 =	vand.u32 $0x7F, v18;
	v25 =	vld.idx.msk [tilespmem:v25+s23+$0x0], $0xffff;
	v16 =	vor.u32 v29, v16  }
0x16e: {  	v26 =	vadd.s32 v8, v26;
	v29 =	vor.u32 v30, v45;
	v46 =	vor.u32 v3, v16  }
0x16f: {  	v20 =	vcvt.s32.f32 v20;
	v30 =	vor.u32 v30, v5;
	v29 =	vor.u32 v3, v29  }
0x170: {  	v24 =	vor.u32 v24, v26;
	v28 =	vmul.f32 $1.821428530e+02, v28;
	v16 =	vld.idx.msk [tilespmem:v9+s23+$0x0], $0xffff;
	v9 =	vadd.s32 v31, v30  }
0x171: {  	v17 =	vsub.f32 v17, v20;
	v27 =	vadd.s32 $0x1, v19;
	v11 =	vld.idx.msk [tilespmem:v11+s23+$0x0], $0xffff;
	v20 =	vsub.f32 v21, v44  }
0x172: {  	v19 =	vcvt.s32.f32 v19;
	v28 =	vmax.f32 v28, $0.0e+00;
	v21 =	vld.idx.msk [tilespmem:v23+s23+$0x0], $0xffff;
	v25 =	vsub.f32 v25, v22  }
0x173: {  	v23 =	vshll.u32 v27, $0x3;
	v27 =	vand.u32 $0x7F, v27;
	v20 =	vmul.f32 v17, v20;
	v30 =	vld.idx.msk [tilespmem:v46+s23+$0x0], $0xffff  }
0x174: {  	v25 =	vmul.f32 v17, v25;
	v17 =	vsub.f32 v10, v19;
	v10 =	vmin.f32 v28, $2.550000000e+02;
	v19 =	vld.idx.msk [tilespmem:v29+s23+$0x0], $0xffff  }
0x175: {  	v23 =	vand.u32 $0xFFFFFC00, v23;
	v9 =	vld.idx.msk [tilespmem:v9+s23+$0x0], $0xffff;
	v20 =	vadd.f32 v20, v44;
	v26 =	vtrunc.f32 v10  }
0x176: {  	v8 =	vadd.s32 v8, v23;
	v22 =	vadd.f32 v25, v22;
	v23 =	vcvt.f32.s32 v26  }
0x177: {  	v18 =	vcvt.s32.f32 v18;
	v8 =	vor.u32 v27, v8;
	[tilespmem:s1+$0x30] =	vst v20;
	v20 =	vor.u32 v7, v24  }
0x178: {  	v24 =	vsub.f32 v21, v16;
	v7 =	vor.u32 v7, v8;
	[tilespmem:s5+$0x30] =	vst v22;
	vm6 =	vlt.s32 v23, $0xFE  }
0x179: {  	s4 =	simm.s32 $0x4;
	v8 =	vsub.f32 v12, v18;
	v12 =	vld [tilespmem:s31+$0x40];
	v18 =	vnsel vm6, $0xFE, v23;
	v11 =	vsub.f32 v11, v19  }
0x17a: {  	v21 =	vmov s4;
	v25 =	vsub.f32 v30, v9;
	v22 =	vshll.u32 v18, $0x3  }
0x17b: {  	v23 =	vadd.s32 $0x1, v18;
	v26 =	vadd.s32 $0x101, v18;
	v11 =	vmul.f32 v8, v11  }
0x17c: {  	v22 =	vand.u32 $0xFFFFFC00, v22;
	v27 =	vshll.u32 v23, $0x3;
	v8 =	vmul.f32 v8, v25  }
0x17d: {  	v28 =	vshll.u32 v26, $0x3;
	v11 =	vadd.f32 v11, v19;
	v19 =	vand.u32 $0xFFFFFC00, v27  }
0x17e: {  	v27 =	vand.u32 $0xFFFFFC00, v28;
	v8 =	vadd.f32 v8, v9;
	v12 =	vmul.f32 $1.821428530e+02, v12  }
0x17f: {  	v25 =	vadd.s32 v6, v22;
	v9 =	vadd.s32 v6, v19;
	v19 =	vadd.s32 v6, v27;
	[tilespmem:s29+$0x20] =	vst v11  }
0x180: {  	v11 =	vmax.f32 v12, $0.0e+00;
	v12 =	vand.u32 $0x7F, v23;
	v23 =	vand.u32 $0x7F, v26;
	[tilespmem:s30+$0x20] =	vst v8  }
0x181: {  	v8 =	vand.u32 $0x7F, v18;
	v11 =	vmin.f32 v11, $2.550000000e+02;
	v9 =	vor.u32 v12, v9;
	v12 =	vld [tilespmem:s31+$0xFFFFFFB0]  }
0x182: {  	v18 =	vcvt.s32.f32 v18;
	v25 =	vor.u32 v8, v25;
	v26 =	vtrunc.f32 v11  }
0x183: {  	v19 =	vor.u32 v23, v19;
	v8 =	vor.u32 v8, v2;
	v23 =	vcvt.f32.s32 v26  }
0x184: {  	v9 =	vor.u32 v1, v9;
	v19 =	vor.u32 v1, v19;
	v25 =	vor.u32 v1, v25  }
0x185: {  	v8 =	vadd.s32 v22, v8;
	v22 =	vshrl.u32 v21, $0x3;
	vm7 =	vlt.s32 v23, $0xFE  }
0x186: {  	v10 =	vsub.f32 v10, v18;
	v26 =	vnsel vm7, $0xFE, v23;
	v12 =	vmul.f32 $1.821428530e+02, v12  }
0x187: {  	v18 =	vand.u32 $0x7F, v26;
	v23 =	vshll.u32 v26, $0x3;
	v27 =	vadd.s32 $0x1, v26  }
0x188: {  	v28 =	vadd.s32 $0x101, v26;
	v26 =	vcvt.s32.f32 v26;
	v29 =	vand.u32 $0x7F, v27  }
0x189: {  	v9 =	vld.idx.msk [tilespmem:v9+s23+$0x0], $0xffff;
	v30 =	vor.u32 v18, v15;
	v31 =	vand.u32 $0x7F, v28;
	v23 =	vand.u32 $0xFFFFFC00, v23  }
0x18a: {  	v25 =	vld.idx.msk [tilespmem:v25+s23+$0x0], $0xffff;
	v27 =	vshll.u32 v27, $0x3;
	v28 =	vshll.u32 v28, $0x3;
	v12 =	vmax.f32 v12, $0.0e+00  }
0x18b: {  	v19 =	vld.idx.msk [tilespmem:v19+s23+$0x0], $0xffff;
	v47 =	vadd.s32 v14, v23;
	v27 =	vand.u32 $0xFFFFFC00, v27;
	v23 =	vadd.s32 v23, v30  }
0x18c: {  	v30 =	vld.idx.msk [tilespmem:v8+s23+$0x0], $0xffff;
	v8 =	vor.u32 v18, v47;
	v18 =	vadd.s32 v14, v27;
	v27 =	vand.u32 $0xFFFFFC00, v28  }
0x18d: {  	v28 =	vor.u32 v13, v8;
	v8 =	vor.u32 v29, v18;
	v27 =	vadd.s32 v14, v27  }
0x18e: {  	v11 =	vsub.f32 v11, v26;
	v18 =	vld.idx.msk [tilespmem:v20+s23+$0x0], $0xffff;
	v20 =	vor.u32 v13, v8;
	v8 =	vor.u32 v31, v27  }
0x18f: {  	v27 =	vld.idx.msk [tilespmem:v7+s23+$0x0], $0xffff;
	v7 =	vshll.u32 v21, $0x7;
	v21 =	vmin.f32 v12, $2.550000000e+02;
	v9 =	vsub.f32 v9, v25  }
0x190: {  	v12 =	vor.u32 v13, v8;
	v8 =	vmul.u32 $0x1400, v22;
	v22 =	vtrunc.f32 v21  }
0x191: {  	v7 =	vand.u32 $0x300, v7;
	v29 =	vsub.f32 v19, v30;
	v22 =	vcvt.f32.s32 v22;
	v31 =	vld.idx.msk [tilespmem:v23+s23+$0x0], $0xffff  }
0x192: {  	v19 =	vmul.f32 v17, v24;
	v23 =	vor.u32 v7, v8;
	v24 =	vld.idx.msk [tilespmem:v28+s23+$0x0], $0xffff;
	v28 =	vmul.f32 v10, v9  }
0x193: {  	v10 =	vmul.f32 v10, v29;
	vm8 =	vlt.s32 v22, $0xFE;
	v9 =	vadd.s32 $0x800, v23;
	v29 =	vld.idx.msk [tilespmem:v20+s23+$0x0], $0xffff  }
0x194: {  	v20 =	vsub.f32 v27, v18;
	v22 =	vnsel vm8, $0xFE, v22;
	v25 =	vadd.f32 v28, v25  }
0x195: {  	s0 =	sadd.s32 $0x100, s31;
	v12 =	vld.idx.msk [tilespmem:v12+s23+$0x0], $0xffff;
	v23 =	vadd.f32 v10, v30;
	v10 =	vshll.u32 v22, $0x3;
	v27 =	vadd.s32 $0x1, v22  }
0x196: {  	v28 =	vadd.s32 $0x101, v22;
	v30 =	vld [tilespmem:s0+$0x0];
	v51 =	vand.u32 $0x7F, v22;
	v22 =	vcvt.s32.f32 v22  }
0x197: {  	v48 =	vand.u32 $0xFFFFFC00, v10;
	v10 =	vshll.u32 v27, $0x3;
	v49 =	vshll.u32 v28, $0x3  }
0x198: {  	v27 =	vand.u32 $0x7F, v27;
	v28 =	vand.u32 $0x7F, v28;
	v26 =	vsub.f32 v29, v24  }
0x199: {  	v10 =	vand.u32 $0xFFFFFC00, v10;
	v50 =	vadd.s32 v4, v48;
	v21 =	vsub.f32 v21, v22  }
0x19a: {  	v29 =	vand.u32 $0xFFFFFC00, v49;
	v12 =	vsub.f32 v12, v31;
	v26 =	vmul.f32 v11, v26  }
0x19b: {  	v10 =	vadd.s32 v4, v10;
	v29 =	vadd.s32 v4, v29;
	v30 =	vmul.f32 $1.821428530e+02, v30  }
0x19c: {  	s6 =	simm.s32 $0x5;
	v11 =	vmul.f32 v11, v12;
	v24 =	vadd.f32 v26, v24;
	v26 =	vor.u32 v27, v10  }
0x19d: {  	v12 =	vld [tilespmem:s0+$0xFFFFFF80];
	v10 =	vmax.f32 v30, $0.0e+00;
	v27 =	vor.u32 v28, v29;
	v28 =	vmov s6  }
0x19e: {  	v11 =	vadd.f32 v11, v31;
	v29 =	vmin.f32 v10, $2.550000000e+02;
	v30 =	vshrl.u32 v28, $0x3  }
0x19f: {  	v26 =	vor.u32 v3, v26;
	v27 =	vor.u32 v3, v27;
	[tilespmem:s1+$0x40] =	vst v24;
	v10 =	vtrunc.f32 v29  }
0x1a0: {  	v24 =	vor.u32 v51, v50;
	[tilespmem:s5+$0x40] =	vst v11;
	v31 =	vcvt.f32.s32 v10;
	v11 =	vmul.u32 $0x1400, v30  }
0x1a1: {  	v10 =	vshll.u32 v28, $0x7;
	v30 =	vor.u32 v51, v5;
	v24 =	vor.u32 v3, v24  }
0x1a2: {  	v12 =	vmul.f32 $1.821428530e+02, v12;
	v10 =	vand.u32 $0x380, v10;
	vm9 =	vlt.s32 v31, $0xFE  }
0x1a3: {  	v30 =	vadd.s32 v48, v30;
	v52 =	vor.u32 v10, v11;
	v31 =	vnsel vm9, $0xFE, v31  }
0x1a4: {  	v28 =	vld [tilespmem:s31+$0x50];
	v53 =	vmax.f32 v12, $0.0e+00;
	v12 =	vadd.s32 $0x800, v52;
	v54 =	vand.u32 $0x7F, v31  }
0x1a5: {  	v55 =	vshll.u32 v31, $0x3;
	v56 =	vadd.s32 $0x1, v31;
	v38 =	vadd.s32 $0x101, v31  }
0x1a6: {  	v34 =	vmin.f32 v53, $2.550000000e+02;
	v31 =	vcvt.s32.f32 v31;
	v37 =	vor.u32 v54, v12  }
0x1a7: {  	v35 =	vand.u32 $0xFFFFFC00, v55;
	v39 =	vand.u32 $0x7F, v56;
	v40 =	vand.u32 $0x7F, v38  }
0x1a8: {  	v36 =	vshll.u32 v56, $0x3;
	v38 =	vshll.u32 v38, $0x3;
	v59 =	vtrunc.f32 v34  }
0x1a9: {  	v28 =	vmul.f32 $1.821428530e+02, v28;
	v41 =	vadd.s32 v11, v35;
	v35 =	vadd.s32 v35, v37  }
0x1aa: {  	v26 =	vld.idx.msk [tilespmem:v26+s23+$0x0], $0xffff;
	v36 =	vand.u32 $0xFFFFFC00, v36;
	v57 =	vand.u32 $0xFFFFFC00, v38;
	v29 =	vsub.f32 v29, v31  }
0x1ab: {  	v24 =	vld.idx.msk [tilespmem:v24+s23+$0x0], $0xffff;
	v33 =	vor.u32 v54, v41;
	v36 =	vadd.s32 v11, v36;
	v28 =	vmax.f32 v28, $0.0e+00  }
0x1ac: {  	v36 =	vor.u32 v39, v36;
	v39 =	vcvt.f32.s32 v59;
	v28 =	vmin.f32 v28, $2.550000000e+02  }
0x1ad: {  	v37 =	vadd.s32 v11, v57;
	v33 =	vor.u32 v10, v33;
	v58 =	vtrunc.f32 v28  }
0x1ae: {  	v37 =	vor.u32 v40, v37;
	vm11 =	vlt.s32 v39, $0xFE;
	v38 =	vcvt.f32.s32 v58  }
0x1af: {  	v36 =	vor.u32 v10, v36;
	v37 =	vor.u32 v10, v37;
	v63 =	vnsel vm11, $0xFE, v39  }
0x1b0: {  	[tilespmem:s28+$0x50] =	vst v25;
	v26 =	vsub.f32 v26, v24;
	v25 =	vadd.s32 $0x101, v63;
	vm10 =	vlt.s32 v38, $0xFE  }
0x1b1: {  	[tilespmem:s26+$0x50] =	vst v23;
	v23 =	vshll.u32 v63, $0x3;
	v52 =	vand.u32 $0x7F, v63;
	v38 =	vnsel vm10, $0xFE, v38  }
0x1b2: {  	v35 =	vld.idx.msk [tilespmem:v35+s23+$0x0], $0xffff;
	v48 =	vshll.u32 v25, $0x3;
	v23 =	vand.u32 $0xFFFFFC00, v23;
	v60 =	vand.u32 $0x7F, v38  }
0x1b3: {  	v33 =	vld.idx.msk [tilespmem:v33+s23+$0x0], $0xffff;
	v61 =	vadd.s32 $0x1, v38;
	v42 =	vshll.u32 v38, $0x3;
	v43 =	vadd.s32 $0x101, v38  }
0x1b4: {  	v36 =	vld.idx.msk [tilespmem:v36+s23+$0x0], $0xffff;
	v44 =	vand.u32 $0x7F, v61;
	v45 =	vor.u32 v60, v15;
	v46 =	vand.u32 $0x7F, v43  }
0x1b5: {  	v37 =	vld.idx.msk [tilespmem:v37+s23+$0x0], $0xffff;
	v42 =	vand.u32 $0xFFFFFC00, v42;
	v41 =	vshll.u32 v61, $0x3;
	v43 =	vshll.u32 v43, $0x3  }
0x1b6: {  	v47 =	vadd.s32 v14, v42;
	v41 =	vand.u32 $0xFFFFFC00, v41;
	v42 =	vadd.s32 v42, v45  }
0x1b7: {  	v43 =	vand.u32 $0xFFFFFC00, v43;
	v40 =	vor.u32 v60, v47;
	v41 =	vadd.s32 v14, v41  }
0x1b8: {  	v43 =	vadd.s32 v14, v43;
	v40 =	vor.u32 v13, v40;
	v41 =	vor.u32 v44, v41  }
0x1b9: {  	s7 =	simm.s32 $0x0;
	v43 =	vor.u32 v46, v43;
	v31 =	vsub.f32 v36, v33;
	v41 =	vor.u32 v13, v41  }
0x1ba: {  	s2 =	smul.u32 $0x3000, s7;
	v27 =	vld.idx.msk [tilespmem:v27+s23+$0x0], $0xffff;
	v25 =	vand.u32 $0x7F, v25;
	v62 =	vsub.f32 v37, v35;
	v43 =	vor.u32 v13, v43  }
0x1bb: {  	v30 =	vld.idx.msk [tilespmem:v30+s23+$0x0], $0xffff;
	v56 =	vor.u32 v52, v9;
	v51 =	vadd.s32 v8, v23;
	v31 =	vmul.f32 v29, v31  }
0x1bc: {  	s10 =	sshra.s32 s2, $0x2;
	s2 =	simm.s32 $0x280;
	v23 =	vadd.s32 v23, v56;
	v46 =	vadd.s32 $0x1, v63;
	v29 =	vmul.f32 v29, v62;
	v45 =	vld.idx.msk [tilespmem:v42+s23+$0x0], $0xffff  }
0x1bd: {  	s7 =	sand.u32 $0x380, s2;
	s4 =	sadd.s32 s10, s24;
	v54 =	vor.u32 v52, v51;
	v47 =	vshll.u32 v46, $0x3;
	v31 =	vadd.f32 v31, v33;
	v40 =	vld.idx.msk [tilespmem:v40+s23+$0x0], $0xffff  }
0x1be: {  	s3 =	sadd.s32 s7, s4;
	s6 =	sadd.s32 $0x400, s4;
	v36 =	vand.u32 $0xFFFFFC00, v47;
	v29 =	vadd.f32 v29, v35;
	v33 =	vand.u32 $0xFFFFFC00, v48;
	v41 =	vld.idx.msk [tilespmem:v41+s23+$0x0], $0xffff  }
0x1bf: {  	s10 =	sadd.s32 s7, s6;
	v32 =	vand.u32 $0x7F, v46;
	v33 =	vadd.s32 v8, v33;
	v49 =	vld.idx.msk [tilespmem:v43+s23+$0x0], $0xffff;
	[tilespmem:s3+$0x0] =	vst v31;
	v31 =	vadd.s32 v8, v36  }
0x1c0: {  	v25 =	vor.u32 v25, v33;
	[tilespmem:s10+$0x0] =	vst v29;
	v31 =	vor.u32 v32, v31;
	v32 =	vor.u32 v7, v54  }
0x1c1: {  	v27 =	vsub.f32 v27, v30;
	v29 =	vcvt.s32.f32 v38;
	v25 =	vor.u32 v7, v25;
	v53 =	vld [tilespmem:s0+$0x10]  }
0x1c2: {  	v26 =	vmul.f32 v21, v26;
	v31 =	vor.u32 v7, v31  }
0x1c3: {  	v50 =	vld [tilespmem:s11+$0xFFFFFFE0];
	v27 =	vmul.f32 v21, v27;
	v28 =	vsub.f32 v28, v29;
	v29 =	vsub.f32 v41, v40  }
0x1c4: {  	v24 =	vadd.f32 v26, v24;
	v23 =	vld.idx.msk [tilespmem:v23+s23+$0x0], $0xffff;
	v55 =	vsub.f32 v49, v45  }
0x1c5: {  	v26 =	vadd.f32 v27, v30;
	v32 =	vld.idx.msk [tilespmem:v32+s23+$0x0], $0xffff;
	v29 =	vmul.f32 v28, v29  }
0x1c6: {  	[tilespmem:s29+$0x30] =	vst v24;
	v25 =	vld.idx.msk [tilespmem:v25+s23+$0x0], $0xffff;
	v28 =	vmul.f32 v28, v55;
	v57 =	vmul.f32 $1.821428530e+02, v53  }
0x1c7: {  	[tilespmem:s30+$0x30] =	vst v26;
	v22 =	vld.idx.msk [tilespmem:v31+s23+$0x0], $0xffff;
	v29 =	vadd.f32 v29, v40  }
0x1c8: {  	v52 =	vld [tilespmem:s31+$0xFFFFFFC0];
	v28 =	vadd.f32 v28, v45;
	v31 =	vmax.f32 v57, $0.0e+00  }
0x1c9: {  	v31 =	vmin.f32 v31, $2.550000000e+02;
	[tilespmem:s1+$0x50] =	vst v29;
	v29 =	vmul.f32 $1.821428530e+02, v50  }
0x1ca: {  	v37 =	vcvt.s32.f32 v63;
	[tilespmem:s5+$0x50] =	vst v28;
	v28 =	vtrunc.f32 v31  }
0x1cb: {  	v25 =	vsub.f32 v25, v23;
	v21 =	vmax.f32 v29, $0.0e+00;
	v28 =	vcvt.f32.s32 v28  }
0x1cc: {  	v22 =	vsub.f32 v22, v32;
	v58 =	vld [tilespmem:s31+$0x60];
	v29 =	vsub.f32 v34, v37;
	v21 =	vmin.f32 v21, $2.550000000e+02  }
0x1cd: {  	v56 =	vmul.f32 $1.821428530e+02, v52;
	v27 =	vtrunc.f32 v21;
	vm12 =	vlt.s32 v28, $0xFE  }
0x1ce: {  	v22 =	vmul.f32 v29, v22;
	v25 =	vmul.f32 v29, v25;
	v28 =	vnsel vm12, $0xFE, v28  }
0x1cf: {  	v27 =	vcvt.f32.s32 v27;
	v30 =	vand.u32 $0x7F, v28;
	v59 =	vshll.u32 v28, $0x3  }
0x1d0: {  	v60 =	vadd.s32 $0x1, v28;
	v62 =	vadd.s32 $0x101, v28;
	v32 =	vadd.f32 v22, v32  }
0x1d1: {  	v28 =	vcvt.s32.f32 v28;
	v33 =	vmul.f32 $1.821428530e+02, v58;
	v61 =	vor.u32 v30, v12  }
0x1d2: {  	v63 =	vand.u32 $0x7F, v60;
	v44 =	vand.u32 $0x7F, v62;
	v34 =	vand.u32 $0xFFFFFC00, v59  }
0x1d3: {  	v35 =	vshll.u32 v60, $0x3;
	v37 =	vshll.u32 v62, $0x3;
	v33 =	vmax.f32 v33, $0.0e+00  }
0x1d4: {  	v36 =	vadd.s32 v34, v61;
	v34 =	vadd.s32 v11, v34;
	v33 =	vmin.f32 v33, $2.550000000e+02  }
0x1d5: {  	v35 =	vand.u32 $0xFFFFFC00, v35;
	v47 =	vand.u32 $0xFFFFFC00, v37;
	v45 =	vtrunc.f32 v33  }
0x1d6: {  	v30 =	vor.u32 v30, v34;
	v46 =	vadd.s32 v11, v35;
	v40 =	vcvt.f32.s32 v45  }
0x1d7: {  	v35 =	vadd.s32 v11, v47;
	v30 =	vor.u32 v10, v30;
	v34 =	vor.u32 v63, v46  }
0x1d8: {  	v35 =	vor.u32 v44, v35;
	v34 =	vor.u32 v10, v34;
	vm13 =	vlt.s32 v40, $0xFE  }
0x1d9: {  	vm14 =	vlt.s32 v27, $0xFE;
	v35 =	vor.u32 v10, v35;
	v37 =	vnsel vm13, $0xFE, v40  }
0x1da: {  	v22 =	vnsel vm14, $0xFE, v27;
	v48 =	vand.u32 $0x7F, v37;
	v49 =	vadd.s32 $0x1, v37  }
0x1db: {  	v36 =	vld.idx.msk [tilespmem:v36+s23+$0x0], $0xffff;
	v24 =	vshll.u32 v37, $0x3;
	v40 =	vadd.s32 $0x101, v37;
	v26 =	vand.u32 $0x7F, v49  }
0x1dc: {  	v30 =	vld.idx.msk [tilespmem:v30+s23+$0x0], $0xffff;
	v50 =	vor.u32 v48, v15;
	v51 =	vand.u32 $0x7F, v40;
	v24 =	vand.u32 $0xFFFFFC00, v24  }
0x1dd: {  	v34 =	vld.idx.msk [tilespmem:v34+s23+$0x0], $0xffff;
	v39 =	vshll.u32 v49, $0x3;
	v53 =	vadd.s32 v14, v24;
	v24 =	vadd.s32 v24, v50  }
0x1de: {  	v35 =	vld.idx.msk [tilespmem:v35+s23+$0x0], $0xffff;
	v40 =	vshll.u32 v40, $0x3;
	v39 =	vand.u32 $0xFFFFFC00, v39;
	v38 =	vor.u32 v48, v53  }
0x1df: {  	v40 =	vand.u32 $0xFFFFFC00, v40;
	v39 =	vadd.s32 v14, v39;
	v38 =	vor.u32 v13, v38  }
0x1e0: {  	s7 =	simm.s32 $0x200;
	v37 =	vcvt.s32.f32 v37;
	v54 =	vadd.s32 v14, v40;
	v26 =	vor.u32 v26, v39  }
0x1e1: {  	s7 =	sand.u32 $0x300, s7;
	v31 =	vsub.f32 v31, v28;
	v55 =	vor.u32 v13, v26;
	v26 =	vor.u32 v51, v54  }
0x1e2: {  	s4 =	sadd.s32 s7, s4;
	v33 =	vsub.f32 v33, v37;
	v29 =	vor.u32 v13, v26;
	v57 =	vld.idx.msk [tilespmem:v24+s23+$0x0], $0xffff;
	v24 =	vadd.f32 v25, v23  }
0x1e3: {  	s7 =	sadd.s32 s7, s6;
	v27 =	vmax.f32 v56, $0.0e+00;
	[tilespmem:s4+$0x0] =	vst v32;
	v34 =	vsub.f32 v34, v30;
	v35 =	vsub.f32 v35, v36  }
0x1e4: {  	v26 =	vadd.s32 $0x1, v22;
	v23 =	vmin.f32 v27, $2.550000000e+02;
	v25 =	vadd.s32 $0x101, v22;
	v38 =	vld.idx.msk [tilespmem:v38+s23+$0x0], $0xffff;
	[tilespmem:s7+$0x0] =	vst v24  }
0x1e5: {  	v59 =	vshll.u32 v26, $0x3;
	v34 =	vmul.f32 v31, v34;
	v27 =	vtrunc.f32 v23;
	v61 =	vld [tilespmem:s0+$0xFFFFFF90]  }
0x1e6: {  	v31 =	vmul.f32 v31, v35;
	v60 =	vshll.u32 v25, $0x3;
	v27 =	vcvt.f32.s32 v27;
	v58 =	vld.idx.msk [tilespmem:v55+s23+$0x0], $0xffff  }
0x1e7: {  	v26 =	vand.u32 $0x7F, v26;
	v25 =	vand.u32 $0x7F, v25;
	v63 =	vand.u32 $0xFFFFFC00, v60;
	v62 =	vld.idx.msk [tilespmem:v29+s23+$0x0], $0xffff  }
0x1e8: {  	v30 =	vadd.f32 v34, v30;
	v31 =	vadd.f32 v31, v36;
	vm15 =	vlt.s32 v27, $0xFE  }
0x1e9: {  	v28 =	vadd.s32 v6, v63;
	v29 =	vand.u32 $0xFFFFFC00, v59;
	v27 =	vnsel vm15, $0xFE, v27  }
0x1ea: {  	[tilespmem:s3+$0x10] =	vst v30;
	v34 =	vadd.s32 $0x1, v27;
	v30 =	vadd.s32 $0x101, v27;
	v41 =	vmul.f32 $1.821428530e+02, v61  }
0x1eb: {  	[tilespmem:s10+$0x10] =	vst v31;
	v45 =	vshll.u32 v27, $0x3;
	v46 =	vshll.u32 v34, $0x3;
	v32 =	vsub.f32 v58, v38  }
0x1ec: {  	v48 =	vld [tilespmem:s0+$0x20];
	v47 =	vshll.u32 v30, $0x3;
	v42 =	vsub.f32 v62, v57;
	v37 =	vmax.f32 v41, $0.0e+00  }
0x1ed: {  	v36 =	vand.u32 $0xFFFFFC00, v45;
	v32 =	vmul.f32 v33, v32;
	v35 =	vmin.f32 v37, $2.550000000e+02  }
0x1ee: {  	v34 =	vand.u32 $0x7F, v34;
	v33 =	vmul.f32 v33, v42;
	v43 =	vtrunc.f32 v35  }
0x1ef: {  	v30 =	vand.u32 $0x7F, v30;
	v32 =	vadd.f32 v32, v38;
	v44 =	vcvt.f32.s32 v43  }
0x1f0: {  	v39 =	vadd.s32 v4, v36;
	v37 =	vand.u32 $0xFFFFFC00, v46;
	v31 =	vadd.f32 v33, v57  }
0x1f1: {  	v38 =	vand.u32 $0xFFFFFC00, v47;
	[tilespmem:s1+$0x60] =	vst v32;
	v32 =	vmul.f32 $1.821428530e+02, v48;
	vm4 =	vlt.s32 v44, $0xFE  }
0x1f2: {  	[tilespmem:s5+$0x60] =	vst v31;
	v31 =	vadd.s32 v4, v37;
	v37 =	vadd.s32 v4, v38;
	v33 =	vnsel vm4, $0xFE, v44  }
0x1f3: {  	v32 =	vmax.f32 v32, $0.0e+00;
	v31 =	vor.u32 v34, v31;
	v30 =	vor.u32 v30, v37  }
0x1f4: {  	v50 =	vadd.s32 $0x1, v33;
	v51 =	vadd.s32 $0x101, v33;
	v52 =	vshll.u32 v33, $0x3  }
0x1f5: {  	v32 =	vmin.f32 v32, $2.550000000e+02;
	v56 =	vand.u32 $0x7F, v33;
	v33 =	vcvt.s32.f32 v33  }
0x1f6: {  	v49 =	vld [tilespmem:s31+$0x70];
	v30 =	vor.u32 v3, v30;
	v53 =	vshll.u32 v50, $0x3;
	v54 =	vshll.u32 v51, $0x3  }
0x1f7: {  	v42 =	vand.u32 $0xFFFFFC00, v52;
	v40 =	vand.u32 $0x7F, v50;
	v41 =	vand.u32 $0x7F, v51  }
0x1f8: {  	v57 =	vtrunc.f32 v32;
	v46 =	vor.u32 v56, v9;
	v43 =	vand.u32 $0xFFFFFC00, v53  }
0x1f9: {  	v44 =	vand.u32 $0xFFFFFC00, v54;
	v55 =	vadd.s32 v8, v42;
	v58 =	vcvt.f32.s32 v57  }
0x1fa: {  	v42 =	vadd.s32 v42, v46;
	v33 =	vsub.f32 v35, v33;
	v43 =	vadd.s32 v8, v43  }
0x1fb: {  	v44 =	vadd.s32 v8, v44;
	v45 =	vor.u32 v56, v55;
	v38 =	vmul.f32 $1.821428530e+02, v49  }
0x1fc: {  	v40 =	vor.u32 v40, v43;
	v41 =	vor.u32 v41, v44;
	vm5 =	vlt.s32 v58, $0xFE  }
0x1fd: {  	v45 =	vor.u32 v7, v45;
	v40 =	vor.u32 v7, v40;
	v41 =	vor.u32 v7, v41  }
0x1fe: {  	v43 =	vnsel vm5, $0xFE, v58;
	v58 =	vand.u32 $0x7F, v27;
	v38 =	vmax.f32 v38, $0.0e+00  }
0x1ff: {  	v61 =	vand.u32 $0x7F, v43;
	v48 =	vshll.u32 v43, $0x3;
	v49 =	vadd.s32 $0x1, v43  }
0x200: {  	v51 =	vadd.s32 $0x101, v43;
	v43 =	vcvt.s32.f32 v43;
	v38 =	vmin.f32 v38, $2.550000000e+02  }
0x201: {  	v52 =	vor.u32 v61, v12;
	v53 =	vand.u32 $0x7F, v49;
	v48 =	vand.u32 $0xFFFFFC00, v48  }
0x202: {  	v49 =	vshll.u32 v49, $0x3;
	v62 =	vshll.u32 v51, $0x3;
	v51 =	vand.u32 $0x7F, v51  }
0x203: {  	v59 =	vtrunc.f32 v38;
	v52 =	vadd.s32 v48, v52;
	v48 =	vadd.s32 v11, v48  }
0x204: {  	v49 =	vand.u32 $0xFFFFFC00, v49;
	v60 =	vcvt.f32.s32 v59;
	v47 =	vor.u32 v61, v48  }
0x205: {  	v49 =	vadd.s32 v11, v49;
	v48 =	vand.u32 $0xFFFFFC00, v62;
	v62 =	vor.u32 v58, v39  }
0x206: {  	v42 =	vld.idx.msk [tilespmem:v42+s23+$0x0], $0xffff;
	v49 =	vor.u32 v53, v49;
	v47 =	vor.u32 v10, v47;
	v48 =	vadd.s32 v11, v48  }
0x207: {  	v45 =	vld.idx.msk [tilespmem:v45+s23+$0x0], $0xffff;
	vm6 =	vlt.s32 v60, $0xFE;
	v48 =	vor.u32 v51, v48;
	v49 =	vor.u32 v10, v49  }
0x208: {  	v40 =	vld.idx.msk [tilespmem:v40+s23+$0x0], $0xffff;
	v37 =	vor.u32 v3, v62;
	v44 =	vnsel vm6, $0xFE, v60;
	v48 =	vor.u32 v10, v48  }
0x209: {  	v41 =	vld.idx.msk [tilespmem:v41+s23+$0x0], $0xffff;
	v50 =	vadd.s32 $0x101, v44;
	v63 =	vand.u32 $0x7F, v44;
	v55 =	vshll.u32 v44, $0x3  }
0x20a: {  	v52 =	vld.idx.msk [tilespmem:v52+s23+$0x0], $0xffff;
	v56 =	vadd.s32 $0x1, v44;
	v54 =	vshll.u32 v50, $0x3;
	v15 =	vor.u32 v63, v15  }
0x20b: {  	v46 =	vand.u32 $0xFFFFFC00, v55;
	v50 =	vand.u32 $0x7F, v50;
	v51 =	vand.u32 $0xFFFFFC00, v54;
	v47 =	vld.idx.msk [tilespmem:v47+s23+$0x0], $0xffff  }
0x20c: {  	v57 =	vshll.u32 v56, $0x3;
	v15 =	vadd.s32 v46, v15;
	v51 =	vadd.s32 v14, v51;
	v49 =	vld.idx.msk [tilespmem:v49+s23+$0x0], $0xffff  }
0x20d: {  	v46 =	vadd.s32 v14, v46;
	v53 =	vand.u32 $0xFFFFFC00, v57;
	v50 =	vor.u32 v50, v51;
	v48 =	vld.idx.msk [tilespmem:v48+s23+$0x0], $0xffff  }
0x20e: {  	v40 =	vsub.f32 v40, v45;
	v46 =	vor.u32 v63, v46;
	v50 =	vor.u32 v13, v50  }
0x20f: {  	v14 =	vadd.s32 v14, v53;
	v51 =	vand.u32 $0x7F, v56;
	v46 =	vor.u32 v13, v46  }
0x210: {  	v63 =	vsub.f32 v41, v42;
	v40 =	vmul.f32 v33, v40;
	v14 =	vor.u32 v51, v14  }
0x211: {  	v14 =	vor.u32 v13, v14;
	v13 =	vsub.f32 v32, v43;
	v59 =	vsub.f32 v49, v47  }
0x212: {  	v31 =	vor.u32 v3, v31;
	v33 =	vmul.f32 v33, v63;
	v15 =	vld.idx.msk [tilespmem:v15+s23+$0x0], $0xffff;
	v60 =	vsub.f32 v48, v52  }
0x213: {  	v29 =	vadd.s32 v6, v29;
	v40 =	vadd.f32 v40, v45;
	v32 =	vmul.f32 v13, v59;
	v61 =	vld.idx.msk [tilespmem:v50+s23+$0x0], $0xffff  }
0x214: {  	v49 =	vadd.f32 v33, v42;
	v34 =	vmul.f32 v13, v60;
	v13 =	vld.idx.msk [tilespmem:v46+s23+$0x0], $0xffff;
	v46 =	vor.u32 v58, v5  }
0x215: {  	v24 =	vshll.u32 v22, $0x3;
	v30 =	vld.idx.msk [tilespmem:v30+s23+$0x0], $0xffff;
	[tilespmem:s4+$0x10] =	vst v40;
	v32 =	vadd.f32 v32, v47;
	v36 =	vadd.s32 v36, v46  }
0x216: {  	v24 =	vand.u32 $0xFFFFFC00, v24;
	v26 =	vor.u32 v26, v29;
	v37 =	vld.idx.msk [tilespmem:v37+s23+$0x0], $0xffff;
	[tilespmem:s7+$0x10] =	vst v49;
	v34 =	vadd.f32 v34, v52  }
0x217: {  	v51 =	vand.u32 $0x7F, v22;
	v48 =	vld.idx.msk [tilespmem:v31+s23+$0x0], $0xffff;
	v31 =	vadd.s32 v6, v24;
	v47 =	vcvt.s32.f32 v44;
	[tilespmem:s3+$0x20] =	vst v32  }
0x218: {  	v25 =	vor.u32 v25, v28;
	v26 =	vor.u32 v1, v26;
	v31 =	vor.u32 v51, v31;
	v52 =	vld [tilespmem:s0+$0xFFFFFFA0];
	[tilespmem:s10+$0x20] =	vst v34  }
0x219: {  	v54 =	vor.u32 v1, v31;
	v50 =	vsub.f32 v38, v47;
	v28 =	vsub.f32 v61, v15;
	v29 =	vld [tilespmem:s0+$0x30]  }
0x21a: {  	v17 =	vmul.f32 v17, v20;
	v25 =	vor.u32 v1, v25;
	v20 =	vld.idx.msk [tilespmem:v36+s23+$0x0], $0xffff  }
0x21b: {  	v27 =	vcvt.s32.f32 v27;
	v31 =	vmul.f32 v50, v28  }
0x21c: {  	v53 =	vor.u32 v51, v2;
	v14 =	vld.idx.msk [tilespmem:v14+s23+$0x0], $0xffff;
	v28 =	vadd.f32 v17, v18;
	v17 =	vcvt.s32.f32 v22  }
0x21d: {  	v18 =	vld.idx.msk [tilespmem:v26+s23+$0x0], $0xffff;
	v31 =	vadd.f32 v31, v15;
	v15 =	vsub.f32 v23, v27;
	v23 =	vmul.f32 $1.821428530e+02, v52  }
0x21e: {  	v32 =	vadd.f32 v19, v16;
	v19 =	vsub.f32 v48, v37;
	v26 =	vld.idx.msk [tilespmem:v54+s23+$0x0], $0xffff;
	v16 =	vmul.f32 $1.821428530e+02, v29  }
0x21f: {  	v22 =	vld.idx.msk [tilespmem:v25+s23+$0x0], $0xffff;
	v17 =	vsub.f32 v21, v17;
	v23 =	vmax.f32 v23, $0.0e+00;
	v25 =	vsub.f32 v30, v20  }
0x220: {  	v19 =	vmul.f32 v15, v19;
	v23 =	vmin.f32 v23, $2.550000000e+02;
	v16 =	vmax.f32 v16, $0.0e+00  }
0x221: {  	v21 =	vtrunc.f32 v23;
	v16 =	vmin.f32 v16, $2.550000000e+02;
	v15 =	vmul.f32 v15, v25  }
0x222: {  	v19 =	vadd.f32 v19, v37;
	v21 =	vcvt.f32.s32 v21;
	v27 =	vtrunc.f32 v16  }
0x223: {  	v18 =	vsub.f32 v18, v26;
	v25 =	vcvt.f32.s32 v27;
	v15 =	vadd.f32 v15, v20  }
0x224: {  	v24 =	vadd.s32 v24, v53;
	v14 =	vsub.f32 v14, v13;
	[tilespmem:s29+$0x40] =	vst v19;
	vm8 =	vlt.s32 v21, $0xFE  }
0x225: {  	v19 =	vnsel vm8, $0xFE, v21;
	vm7 =	vlt.s32 v25, $0xFE;
	[tilespmem:s30+$0x40] =	vst v15;
	v15 =	vmul.f32 v17, v18  }
0x226: {  	v18 =	vadd.s32 $0x1, v19;
	v61 =	vshll.u32 v19, $0x3;
	v20 =	vnsel vm7, $0xFE, v25  }
0x227: {  	v40 =	vand.u32 $0x7F, v19;
	v59 =	vshll.u32 v18, $0x3;
	v25 =	vand.u32 $0x7F, v20  }
0x228: {  	v27 =	vshll.u32 v20, $0x3;
	v29 =	vadd.s32 $0x1, v20;
	v30 =	vadd.s32 $0x101, v20  }
0x229: {  	v55 =	vand.u32 $0x7F, v29;
	v56 =	vor.u32 v25, v12;
	v57 =	vand.u32 $0x7F, v30  }
0x22a: {  	v27 =	vand.u32 $0xFFFFFC00, v27;
	v29 =	vshll.u32 v29, $0x3;
	v30 =	vshll.u32 v30, $0x3  }
0x22b: {  	v58 =	vadd.s32 v11, v27;
	v29 =	vand.u32 $0xFFFFFC00, v29;
	v27 =	vadd.s32 v27, v56  }
0x22c: {  	v30 =	vand.u32 $0xFFFFFC00, v30;
	v25 =	vor.u32 v25, v58;
	v29 =	vadd.s32 v11, v29  }
0x22d: {  	v30 =	vadd.s32 v11, v30;
	v25 =	vor.u32 v10, v25;
	v29 =	vor.u32 v55, v29  }
0x22e: {  	v24 =	vld.idx.msk [tilespmem:v24+s23+$0x0], $0xffff;
	v35 =	vand.u32 $0xFFFFFC00, v61;
	v21 =	vor.u32 v10, v29;
	v29 =	vor.u32 v57, v30  }
0x22f: {  	v33 =	vand.u32 $0xFFFFFC00, v59;
	v63 =	vadd.s32 v8, v35;
	v29 =	vor.u32 v10, v29  }
0x230: {  	v18 =	vand.u32 $0x7F, v18;
	v33 =	vadd.s32 v8, v33;
	v42 =	vor.u32 v40, v63;
	v30 =	vld [tilespmem:s31+$0xFFFFFFD0]  }
0x231: {  	v60 =	vadd.s32 $0x101, v19;
	v18 =	vor.u32 v18, v33;
	v37 =	vor.u32 v7, v42;
	v27 =	vld.idx.msk [tilespmem:v27+s23+$0x0], $0xffff  }
0x232: {  	v62 =	vshll.u32 v60, $0x3;
	v18 =	vor.u32 v7, v18;
	v25 =	vld.idx.msk [tilespmem:v25+s23+$0x0], $0xffff  }
0x233: {  	v14 =	vmul.f32 v50, v14;
	v22 =	vsub.f32 v22, v24;
	v36 =	vand.u32 $0xFFFFFC00, v62;
	v21 =	vld.idx.msk [tilespmem:v21+s23+$0x0], $0xffff  }
0x234: {  	v41 =	vand.u32 $0x7F, v60;
	v43 =	vor.u32 v40, v9;
	v36 =	vadd.s32 v8, v36;
	v29 =	vld.idx.msk [tilespmem:v29+s23+$0x0], $0xffff  }
0x235: {  	v35 =	vadd.s32 v35, v43;
	v33 =	vor.u32 v41, v36;
	v30 =	vmul.f32 $1.821428530e+02, v30  }
0x236: {  	v17 =	vmul.f32 v17, v22;
	v20 =	vcvt.s32.f32 v20;
	v33 =	vor.u32 v7, v33;
	v22 =	vld.idx.msk [tilespmem:v37+s23+$0x0], $0xffff  }
0x237: {  	v34 =	vadd.f32 v14, v13;
	v19 =	vcvt.s32.f32 v19;
	v13 =	vld.idx.msk [tilespmem:v18+s23+$0x0], $0xffff;
	v30 =	vmax.f32 v30, $0.0e+00  }
0x238: {  	v16 =	vsub.f32 v16, v20;
	v20 =	vsub.f32 v21, v25;
	v21 =	vmin.f32 v30, $2.550000000e+02  }
0x239: {  	v29 =	vsub.f32 v29, v27;
	v30 =	vtrunc.f32 v21  }
0x23a: {  	v19 =	vsub.f32 v23, v19;
	v23 =	vld.idx.msk [tilespmem:v35+s23+$0x0], $0xffff;
	v14 =	vmul.f32 v16, v20;
	v18 =	vcvt.f32.s32 v30  }
0x23b: {  	v15 =	vadd.f32 v15, v26;
	v20 =	vld.idx.msk [tilespmem:v33+s23+$0x0], $0xffff;
	v16 =	vmul.f32 v16, v29  }
0x23c: {  	v13 =	vsub.f32 v13, v22;
	v14 =	vadd.f32 v14, v25;
	vm9 =	vlt.s32 v18, $0xFE  }
0x23d: {  	s6 =	simm.s32 $0x6;
	v17 =	vadd.f32 v17, v24;
	[tilespmem:s28+$0x60] =	vst v15;
	v16 =	vadd.f32 v16, v27;
	v18 =	vnsel vm9, $0xFE, v18  }
0x23e: {  	v24 =	vmov s6;
	v13 =	vmul.f32 v19, v13;
	[tilespmem:s3+$0x30] =	vst v14;
	v14 =	vshll.u32 v18, $0x3  }
0x23f: {  	v25 =	vadd.s32 $0x1, v18;
	v26 =	vadd.s32 $0x101, v18;
	[tilespmem:s10+$0x30] =	vst v16;
	v14 =	vand.u32 $0xFFFFFC00, v14  }
0x240: {  	[tilespmem:s26+$0x60] =	vst v17;
	v16 =	vshll.u32 v25, $0x3;
	v27 =	vshll.u32 v26, $0x3;
	v17 =	vsub.f32 v20, v23;
	v29 =	vld [tilespmem:s0+$0x40]  }
0x241: {  	v30 =	vadd.s32 v4, v14;
	v15 =	vand.u32 $0xFFFFFC00, v27;
	v27 =	vand.u32 $0x7F, v18  }
0x242: {  	v16 =	vand.u32 $0xFFFFFC00, v16;
	v17 =	vmul.f32 v19, v17;
	v19 =	vor.u32 v27, v30  }
0x243: {  	s6 =	simm.s32 $0x7;
	v20 =	vand.u32 $0x7F, v25;
	v16 =	vadd.s32 v4, v16;
	v19 =	vor.u32 v3, v19  }
0x244: {  	v58 =	vmov s6;
	v25 =	vld [tilespmem:s11+$0xFFFFFFF0];
	v16 =	vor.u32 v20, v16  }
0x245: {  	v13 =	vadd.f32 v13, v22;
	v16 =	vor.u32 v3, v16;
	v20 =	vmul.f32 $1.821428530e+02, v29  }
0x246: {  	v26 =	vand.u32 $0x7F, v26;
	s11 =	sadd.s32 $0x100, s0;
	v15 =	vadd.s32 v4, v15;
	v17 =	vadd.f32 v17, v23  }
0x247: {  	[tilespmem:s4+$0x20] =	vst v13;
	v52 =	vld [tilespmem:s11+$0x0];
	v22 =	vor.u32 v27, v5;
	v15 =	vor.u32 v26, v15;
	v13 =	vmax.f32 v20, $0.0e+00  }
0x248: {  	v23 =	vor.u32 v3, v15;
	[tilespmem:s7+$0x20] =	vst v17;
	v19 =	vld.idx.msk [tilespmem:v19+s23+$0x0], $0xffff;
	v20 =	vmin.f32 v13, $2.550000000e+02;
	v13 =	vcvt.s32.f32 v18  }
0x249: {  	v15 =	vmul.f32 $1.821428530e+02, v25;
	v18 =	vadd.s32 v14, v22;
	v22 =	vld [tilespmem:s0+$0xFFFFFFB0];
	v17 =	vtrunc.f32 v20  }
0x24a: {  	v14 =	vshrl.u32 v24, $0x3;
	v16 =	vld.idx.msk [tilespmem:v16+s23+$0x0], $0xffff;
	v25 =	vcvt.f32.s32 v17;
	v21 =	vsub.f32 v21, v13  }
0x24b: {  	v13 =	vmax.f32 v15, $0.0e+00;
	v17 =	vmul.u32 $0x1400, v14;
	v14 =	vshll.u32 v24, $0x7  }
0x24c: {  	v56 =	vmul.f32 $1.821428530e+02, v52;
	v15 =	vmin.f32 v13, $2.550000000e+02;
	v13 =	vand.u32 $0x300, v14  }
0x24d: {  	vm10 =	vlt.s32 v25, $0xFE;
	v14 =	vtrunc.f32 v15;
	v24 =	vor.u32 v13, v17  }
0x24e: {  	v27 =	vnsel vm10, $0xFE, v25;
	v26 =	vcvt.f32.s32 v14;
	v14 =	vadd.s32 $0x800, v24  }
0x24f: {  	v22 =	vmul.f32 $1.821428530e+02, v22;
	v16 =	vsub.f32 v16, v19;
	v24 =	vand.u32 $0x7F, v27  }
0x250: {  	v25 =	vshll.u32 v27, $0x3;
	v29 =	vadd.s32 $0x1, v27;
	v30 =	vadd.s32 $0x101, v27  }
0x251: {  	v44 =	vand.u32 $0x7F, v29;
	v45 =	vor.u32 v24, v12;
	v46 =	vand.u32 $0x7F, v30  }
0x252: {  	v23 =	vld.idx.msk [tilespmem:v23+s23+$0x0], $0xffff;
	v25 =	vand.u32 $0xFFFFFC00, v25;
	v29 =	vshll.u32 v29, $0x3;
	v30 =	vshll.u32 v30, $0x3  }
0x253: {  	v47 =	vld.idx.msk [tilespmem:v18+s23+$0x0], $0xffff;
	v18 =	vadd.s32 v11, v25;
	v29 =	vand.u32 $0xFFFFFC00, v29;
	v35 =	vadd.s32 v25, v45  }
0x254: {  	v25 =	vand.u32 $0xFFFFFC00, v30;
	v18 =	vor.u32 v24, v18;
	v24 =	vadd.s32 v11, v29  }
0x255: {  	v29 =	vor.u32 v10, v18;
	v18 =	vor.u32 v44, v24;
	v24 =	vadd.s32 v11, v25  }
0x256: {  	v22 =	vmax.f32 v22, $0.0e+00;
	v30 =	vor.u32 v10, v18;
	v18 =	vor.u32 v46, v24  }
0x257: {  	v27 =	vcvt.s32.f32 v27;
	v25 =	vmin.f32 v22, $2.550000000e+02;
	v48 =	vor.u32 v10, v18  }
0x258: {  	vm11 =	vlt.s32 v26, $0xFE;
	v22 =	vsub.f32 v23, v47;
	v18 =	vtrunc.f32 v25  }
0x259: {  	v23 =	vmul.f32 v21, v16;
	v16 =	vnsel vm11, $0xFE, v26;
	v24 =	vcvt.f32.s32 v18;
	v35 =	vld.idx.msk [tilespmem:v35+s23+$0x0], $0xffff  }
0x25a: {  	v20 =	vsub.f32 v20, v27;
	v21 =	vmul.f32 v21, v22;
	v22 =	vadd.s32 $0x1, v16;
	v29 =	vld.idx.msk [tilespmem:v29+s23+$0x0], $0xffff  }
0x25b: {  	v36 =	vadd.f32 v23, v19;
	v18 =	vadd.s32 $0x101, v16;
	vm12 =	vlt.s32 v24, $0xFE;
	v19 =	vld.idx.msk [tilespmem:v30+s23+$0x0], $0xffff  }
0x25c: {  	v23 =	vshll.u32 v22, $0x3;
	v37 =	vadd.f32 v21, v47;
	v26 =	vnsel vm12, $0xFE, v24;
	v21 =	vld.idx.msk [tilespmem:v48+s23+$0x0], $0xffff  }
0x25d: {  	v30 =	vshll.u32 v26, $0x3;
	v49 =	vadd.s32 $0x1, v26;
	v50 =	vadd.s32 $0x101, v26  }
0x25e: {  	v27 =	vand.u32 $0x7F, v26;
	v39 =	vand.u32 $0xFFFFFC00, v30;
	v30 =	vshll.u32 v49, $0x3  }
0x25f: {  	v53 =	vld [tilespmem:s11+$0xFFFFFF80];
	v51 =	vshll.u32 v50, $0x3;
	v33 =	vand.u32 $0x7F, v49;
	v38 =	vand.u32 $0x7F, v50  }
0x260: {  	v30 =	vand.u32 $0xFFFFFC00, v30;
	v40 =	vand.u32 $0xFFFFFC00, v51;
	v19 =	vsub.f32 v19, v29  }
0x261: {  	v54 =	vadd.s32 v8, v39;
	v30 =	vadd.s32 v8, v30;
	v21 =	vsub.f32 v21, v35  }
0x262: {  	v40 =	vadd.s32 v8, v40;
	v57 =	vor.u32 v27, v54;
	v19 =	vmul.f32 v20, v19  }
0x263: {  	v27 =	vor.u32 v27, v9;
	v30 =	vor.u32 v33, v30;
	v20 =	vmul.f32 v20, v21  }
0x264: {  	v21 =	vmul.f32 $1.821428530e+02, v53;
	v19 =	vadd.f32 v19, v29;
	v29 =	vmax.f32 v56, $0.0e+00  }
0x265: {  	v55 =	vor.u32 v38, v40;
	v20 =	vadd.f32 v20, v35;
	v45 =	vmin.f32 v29, $2.550000000e+02  }
0x266: {  	v38 =	vor.u32 v7, v30;
	v21 =	vmax.f32 v21, $0.0e+00;
	[tilespmem:s3+$0x40] =	vst v19;
	v19 =	vtrunc.f32 v45  }
0x267: {  	v30 =	vmin.f32 v21, $2.550000000e+02;
	v21 =	vshrl.u32 v58, $0x3;
	[tilespmem:s10+$0x40] =	vst v20;
	v29 =	vcvt.f32.s32 v19  }
0x268: {  	v20 =	vmul.u32 $0x1400, v21;
	v19 =	vshll.u32 v58, $0x7;
	v21 =	vtrunc.f32 v30;
	v59 =	vld [tilespmem:s0+$0x50]  }
0x269: {  	v44 =	vor.u32 v7, v57;
	v19 =	vand.u32 $0x380, v19;
	v60 =	vcvt.f32.s32 v21  }
0x26a: {  	v42 =	vor.u32 v7, v55;
	vm13 =	vlt.s32 v29, $0xFE;
	v21 =	vor.u32 v19, v20  }
0x26b: {  	v43 =	vnsel vm13, $0xFE, v29;
	v21 =	vadd.s32 $0x800, v21;
	vm15 =	vlt.s32 v60, $0xFE  }
0x26c: {  	v29 =	vand.u32 $0x7F, v43;
	v61 =	vshll.u32 v43, $0x3;
	v62 =	vadd.s32 $0x1, v43  }
0x26d: {  	[tilespmem:s29+$0x50] =	vst v36;
	v52 =	vadd.s32 $0x101, v43;
	v36 =	vnsel vm15, $0xFE, v60;
	v35 =	vmul.f32 $1.821428530e+02, v59  }
0x26e: {  	v63 =	vor.u32 v29, v21;
	v33 =	vand.u32 $0xFFFFFC00, v61;
	v53 =	vand.u32 $0x7F, v62  }
0x26f: {  	v54 =	vand.u32 $0x7F, v52;
	v40 =	vshll.u32 v62, $0x3;
	v35 =	vmax.f32 v35, $0.0e+00  }
0x270: {  	v55 =	vadd.s32 v20, v33;
	v46 =	vadd.s32 v33, v63;
	v33 =	vmin.f32 v35, $2.550000000e+02  }
0x271: {  	v47 =	vshll.u32 v52, $0x3;
	v56 =	vand.u32 $0xFFFFFC00, v40;
	v58 =	vtrunc.f32 v33  }
0x272: {  	v57 =	vand.u32 $0xFFFFFC00, v47;
	v29 =	vor.u32 v29, v55;
	v47 =	vcvt.f32.s32 v58  }
0x273: {  	[tilespmem:s12+$0x70] =	vst v32;
	v32 =	vld.idx.msk [tilespmem:v42+s23+$0x0], $0xffff;
	v42 =	vadd.s32 $0x1, v36;
	v29 =	vor.u32 v19, v29;
	v35 =	vadd.s32 v20, v56  }
0x274: {  	v40 =	vadd.s32 v20, v57;
	v35 =	vor.u32 v53, v35;
	vm14 =	vlt.s32 v47, $0xFE  }
0x275: {  	v59 =	vor.u32 v54, v40;
	v48 =	vor.u32 v19, v35;
	v35 =	vnsel vm14, $0xFE, v47  }
0x276: {  	[tilespmem:s30+$0x50] =	vst v37;
	v49 =	vor.u32 v19, v59;
	v47 =	vadd.s32 v39, v27;
	v37 =	vand.u32 $0x7F, v35  }
0x277: {  	v40 =	vld.idx.msk [tilespmem:v46+s23+$0x0], $0xffff;
	v60 =	vshll.u32 v35, $0x3;
	v61 =	vadd.s32 $0x1, v35;
	v62 =	vadd.s32 $0x101, v35  }
0x278: {  	v41 =	vld.idx.msk [tilespmem:v29+s23+$0x0], $0xffff;
	v63 =	vand.u32 $0x7F, v61;
	v56 =	vor.u32 v37, v12;
	v57 =	vand.u32 $0x7F, v62  }
0x279: {  	p1 =	por !p1, p0;
	s6 =	sadd.s32 @!p2 $0x1, s22;
	v27 =	vld [tilespmem:s31+$0xFFFFFFE0];
	v29 =	vand.u32 $0xFFFFFC00, v60;
	v58 =	vshll.u32 v61, $0x3;
	v59 =	vshll.u32 v62, $0x3  }
0x27a: {  	s8 =	smov.u32 s22;
	s22 =	smov.u32 @p1 s6;
	v48 =	vld.idx.msk [tilespmem:v48+s23+$0x0], $0xffff;
	v60 =	vadd.s32 v11, v29;
	v39 =	vand.u32 $0xFFFFFC00, v58;
	v52 =	vadd.s32 v29, v56  }
0x27b: {  	s22 =	smov.u32 @p0 s8;
	v49 =	vld.idx.msk [tilespmem:v49+s23+$0x0], $0xffff;
	v50 =	vand.u32 $0xFFFFFC00, v59;
	v37 =	vor.u32 v37, v60;
	v39 =	vadd.s32 v11, v39  }
0x27c: {  	v29 =	vld.idx.msk [tilespmem:v38+s23+$0x0], $0xffff;
	[dreg:$0xa] =	wrdreg s22;
	v62 =	vadd.s32 v11, v50;
	v37 =	vor.u32 v10, v37;
	v61 =	vor.u32 v63, v39  }
0x27d: {  	s18 =	sadd.s32 s18, s21;
	[tilespmem:s9+$0x70] =	vst v28;
	v63 =	vcvt.s32.f32 v43;
	v39 =	vor.u32 v57, v62;
	v38 =	vor.u32 v10, v61  }
0x27e: {  	s8 =	simm.s32 $0x0;
	v24 =	vshll.u32 v18, $0x3;
	v28 =	vld.idx.msk [tilespmem:v44+s23+$0x0], $0xffff;
	v44 =	vshll.u32 v42, $0x3;
	[dreg:$0xc] =	wrdreg s18;
	v39 =	vor.u32 v10, v39  }
0x27f: {  	s8 =	simm.s32 @p1 $0x1;
	s22 =	simm.s32 $0x0;
	v43 =	vadd.s32 $0x101, v36;
	[tilespmem:s5+$0x70] =	vst v31;
	v31 =	vld.idx.msk [tilespmem:v47+s23+$0x0], $0xffff;
	v46 =	vsub.f32 v45, v63;
	v48 =	vsub.f32 v48, v41  }
0x280: {  	s8 =	simm.s32 @p0 $0x0;
	v49 =	vsub.f32 v49, v40;
	v47 =	vshll.u32 v43, $0x3;
	s5 =	smul.u32 $0x3000, s22;
	[tilespmem:s1+$0x70] =	vst v34;
	v45 =	vshll.u32 v36, $0x3;
	s1 =	simm.s32 $0x8;
	v34 =	vld.idx.msk [tilespmem:v52+s23+$0x0], $0xffff  }
.LBB2_3:
0x281: {  	p1 =	slt.u32 s1, $0x1E;
	v44 =	vand.u32 $0xFFFFFC00, v44;
	v47 =	vand.u32 $0xFFFFFC00, v47;
	v48 =	vmul.f32 v46, v48;
	v37 =	vld.idx.msk [tilespmem:v37+s23+$0x0], $0xffff  }
0x282: {  	v45 =	vand.u32 $0xFFFFFC00, v45;
	s2 =	sadd.s32 $0x100, s2;
	v44 =	vadd.s32 v17, v44;
	s5 =	sshra.s32 s5, $0x2;
	v46 =	vmul.f32 v46, v49;
	v38 =	vld.idx.msk [tilespmem:v38+s23+$0x0], $0xffff  }
0x283: {  	s6 =	sadd.s32 $0xFFFFFF80, s2;
	v49 =	vadd.s32 v17, v45;
	v47 =	vadd.s32 v17, v47;
	s22 =	sand.u32 $0x380, s2;
	s5 =	sadd.s32 s5, s24;
	v41 =	vadd.f32 v48, v41;
	v39 =	vld.idx.msk [tilespmem:v39+s23+$0x0], $0xffff  }
0x284: {  	v42 =	vand.u32 $0x7F, v42;
	v43 =	vand.u32 $0x7F, v43;
	s9 =	sand.u32 $0x300, s6;
	s18 =	sadd.s32 $0x400, s5;
	s6 =	sadd.s32 s22, s5;
	v40 =	vadd.f32 v46, v40  }
0x285: {  	v42 =	vor.u32 v42, v44;
	v43 =	vor.u32 v43, v47;
	v46 =	vand.u32 $0x7F, v36;
	s12 =	sadd.s32 s9, s5;
	s5 =	sadd.s32 s9, s18;
	[tilespmem:s6+$0x0] =	vst v41;
	s22 =	sadd.s32 s22, s18  }
0x286: {  	v35 =	vcvt.s32.f32 v35;
	v41 =	vor.u32 v46, v49;
	v44 =	vor.u32 v46, v14;
	[tilespmem:s22+$0x0] =	vst v40  }
0x287: {  	v40 =	vor.u32 v13, v41;
	v41 =	vor.u32 v13, v42;
	v42 =	vor.u32 v13, v43;
	v43 =	vld [tilespmem:s11+$0x10]  }
0x288: {  	v33 =	vsub.f32 v33, v35;
	v44 =	vadd.s32 v45, v44;
	v35 =	vsub.f32 v38, v37  }
0x289: {  	v26 =	vcvt.s32.f32 v26;
	v36 =	vcvt.s32.f32 v36;
	v38 =	vsub.f32 v39, v34  }
0x28a: {  	v29 =	vsub.f32 v29, v28;
	v32 =	vsub.f32 v32, v31;
	v35 =	vmul.f32 v33, v35  }
0x28b: {  	v25 =	vsub.f32 v25, v26;
	v30 =	vsub.f32 v30, v36;
	v26 =	vmul.f32 v33, v38  }
0x28c: {  	v27 =	vmul.f32 $1.821428530e+02, v27;
	v35 =	vadd.f32 v35, v37;
	v33 =	vld.idx.msk [tilespmem:v41+s23+$0x0], $0xffff;
	v36 =	vmul.f32 $1.821428530e+02, v43  }
0x28d: {  	v29 =	vmul.f32 v25, v29;
	v25 =	vmul.f32 v25, v32;
	v26 =	vadd.f32 v26, v34;
	v37 =	vld.idx.msk [tilespmem:v42+s23+$0x0], $0xffff  }
0x28e: {  	v27 =	vmax.f32 v27, $0.0e+00;
	v32 =	vld.idx.msk [tilespmem:v40+s23+$0x0], $0xffff;
	v34 =	vmax.f32 v36, $0.0e+00;
	[tilespmem:s3+$0x50] =	vst v35;
	v35 =	vshll.u32 v16, $0x3  }
0x28f: {  	v28 =	vadd.f32 v29, v28;
	v29 =	vadd.f32 v25, v31;
	v36 =	vld.idx.msk [tilespmem:v44+s23+$0x0], $0xffff;
	v34 =	vmin.f32 v34, $2.550000000e+02;
	[tilespmem:s10+$0x50] =	vst v26  }
0x290: {  	v25 =	vmin.f32 v27, $2.550000000e+02;
	v27 =	vand.u32 $0xFFFFFC00, v23;
	v26 =	vtrunc.f32 v34;
	v31 =	vld [tilespmem:s0+$0x60]  }
0x291: {  	v23 =	vtrunc.f32 v25;
	v38 =	vcvt.f32.s32 v26;
	[tilespmem:s4+$0x30] =	vst v28;
	v26 =	vand.u32 $0xFFFFFC00, v24  }
0x292: {  	v28 =	vcvt.f32.s32 v23;
	v23 =	vand.u32 $0xFFFFFC00, v35;
	v24 =	vadd.s32 v6, v27;
	[tilespmem:s7+$0x30] =	vst v29  }
0x293: {  	v27 =	vadd.s32 v6, v23;
	v26 =	vadd.s32 v6, v26;
	v6 =	vmovc v4;
	v4 =	vmovc v8;
	vm0 =	vlt.s32 v38, $0xFE;
	v29 =	vld [tilespmem:s0+$0xFFFFFFC0]  }
0x294: {  	v8 =	vmovc v17;
	v33 =	vsub.f32 v33, v32;
	v35 =	vnsel vm0, $0xFE, v38;
	vm0 =	vlt.s32 v28, $0xFE  }
0x295: {  	v17 =	vand.u32 $0x7F, v35;
	v38 =	vshll.u32 v35, $0x3;
	v31 =	vmul.f32 $1.821428530e+02, v31  }
0x296: {  	v39 =	vadd.s32 $0x1, v35;
	v41 =	vadd.s32 $0x101, v35;
	v40 =	vor.u32 v17, v21  }
0x297: {  	v42 =	vand.u32 $0x7F, v39;
	v43 =	vand.u32 $0x7F, v41;
	v31 =	vmax.f32 v31, $0.0e+00  }
0x298: {  	v38 =	vand.u32 $0xFFFFFC00, v38;
	v39 =	vshll.u32 v39, $0x3;
	v44 =	vmin.f32 v31, $2.550000000e+02  }
0x299: {  	v31 =	vadd.s32 v38, v40;
	v40 =	vshll.u32 v41, $0x3;
	v41 =	vtrunc.f32 v44  }
0x29a: {  	v39 =	vand.u32 $0xFFFFFC00, v39;
	v38 =	vadd.s32 v20, v38;
	v41 =	vcvt.f32.s32 v41  }
0x29b: {  	v17 =	vor.u32 v17, v38;
	v38 =	vadd.s32 v20, v39;
	v39 =	vand.u32 $0xFFFFFC00, v40  }
0x29c: {  	v17 =	vor.u32 v19, v17;
	v39 =	vadd.s32 v20, v39;
	vm1 =	vlt.s32 v41, $0xFE  }
0x29d: {  	v38 =	vor.u32 v42, v38;
	v39 =	vor.u32 v43, v39;
	v40 =	vnsel vm1, $0xFE, v41  }
0x29e: {  	v38 =	vor.u32 v19, v38;
	v39 =	vor.u32 v19, v39;
	v41 =	vand.u32 $0x7F, v40  }
0x29f: {  	v42 =	vshll.u32 v40, $0x3;
	v43 =	vadd.s32 $0x1, v40;
	v45 =	vadd.s32 $0x101, v40  }
0x2a0: {  	v46 =	vand.u32 $0x7F, v43;
	v47 =	vor.u32 v41, v12;
	v48 =	vand.u32 $0x7F, v45  }
0x2a1: {  	v42 =	vand.u32 $0xFFFFFC00, v42;
	v43 =	vshll.u32 v43, $0x3;
	v45 =	vshll.u32 v45, $0x3  }
0x2a2: {  	v49 =	vadd.s32 v11, v42;
	v43 =	vand.u32 $0xFFFFFC00, v43;
	v42 =	vadd.s32 v42, v47  }
0x2a3: {  	v45 =	vand.u32 $0xFFFFFC00, v45;
	v41 =	vor.u32 v41, v49;
	v43 =	vadd.s32 v11, v43  }
0x2a4: {  	v41 =	vor.u32 v10, v41;
	v47 =	vld.idx.msk [tilespmem:v31+s23+$0x0], $0xffff;
	v31 =	vor.u32 v46, v43;
	v43 =	vadd.s32 v11, v45  }
0x2a5: {  	v37 =	vsub.f32 v37, v36;
	v45 =	vld.idx.msk [tilespmem:v17+s23+$0x0], $0xffff;
	v46 =	vor.u32 v10, v31;
	v17 =	vor.u32 v48, v43  }
0x2a6: {  	v29 =	vmul.f32 $1.821428530e+02, v29;
	v31 =	vmul.f32 v30, v33;
	v38 =	vld.idx.msk [tilespmem:v38+s23+$0x0], $0xffff;
	v33 =	vor.u32 v10, v17  }
0x2a7: {  	v28 =	vnsel vm0, $0xFE, v28;
	v30 =	vmul.f32 v30, v37;
	v17 =	vand.u32 $0x7F, v22;
	v37 =	vld.idx.msk [tilespmem:v39+s23+$0x0], $0xffff  }
0x2a8: {  	v29 =	vmax.f32 v29, $0.0e+00;
	v22 =	vadd.f32 v31, v32;
	v31 =	vadd.s32 $0x1, v28;
	v39 =	vld.idx.msk [tilespmem:v42+s23+$0x0], $0xffff  }
0x2a9: {  	v29 =	vmin.f32 v29, $2.550000000e+02;
	v32 =	vadd.f32 v30, v36;
	v30 =	vadd.s32 $0x101, v28;
	v36 =	vld.idx.msk [tilespmem:v41+s23+$0x0], $0xffff  }
0x2aa: {  	v42 =	vshll.u32 v31, $0x3;
	v43 =	vshll.u32 v30, $0x3;
	[tilespmem:s12+$0x0] =	vst v22;
	v22 =	vtrunc.f32 v29;
	v41 =	vld.idx.msk [tilespmem:v46+s23+$0x0], $0xffff  }
0x2ab: {  	[tilespmem:s5+$0x0] =	vst v32;
	v46 =	vcvt.f32.s32 v22;
	v48 =	vld.idx.msk [tilespmem:v33+s23+$0x0], $0xffff;
	v22 =	vshll.u32 v28, $0x3;
	v32 =	vand.u32 $0xFFFFFC00, v42  }
0x2ac: {  	v35 =	vcvt.s32.f32 v35;
	v33 =	vand.u32 $0xFFFFFC00, v43;
	v42 =	vld [tilespmem:s11+$0xFFFFFF90];
	v22 =	vand.u32 $0xFFFFFC00, v22  }
0x2ad: {  	v32 =	vadd.s32 v6, v32;
	v33 =	vadd.s32 v6, v33;
	vm0 =	vlt.s32 v46, $0xFE  }
0x2ae: {  	v40 =	vcvt.s32.f32 v40;
	v43 =	vsub.f32 v34, v35;
	v38 =	vsub.f32 v38, v45  }
0x2af: {  	v37 =	vsub.f32 v37, v47;
	v34 =	vadd.s32 v6, v22;
	v35 =	vnsel vm0, $0xFE, v46  }
0x2b0: {  	v40 =	vsub.f32 v44, v40;
	v38 =	vmul.f32 v43, v38;
	v41 =	vsub.f32 v41, v36  }
0x2b1: {  	v37 =	vmul.f32 v43, v37;
	v43 =	vsub.f32 v48, v39;
	v42 =	vmul.f32 $1.821428530e+02, v42  }
0x2b2: {  	v44 =	vadd.f32 v38, v45;
	v45 =	vadd.s32 $0x1, v35;
	v46 =	vmul.f32 v40, v41  }
0x2b3: {  	v37 =	vadd.f32 v37, v47;
	v40 =	vmul.f32 v40, v43;
	v38 =	vmax.f32 v42, $0.0e+00  }
0x2b4: {  	v41 =	vadd.s32 $0x101, v35;
	v36 =	vadd.f32 v46, v36;
	v38 =	vmin.f32 v38, $2.550000000e+02;
	[tilespmem:s6+$0x10] =	vst v44  }
0x2b5: {  	v39 =	vadd.f32 v40, v39;
	v42 =	vtrunc.f32 v38;
	[tilespmem:s22+$0x10] =	vst v37;
	v37 =	vshll.u32 v45, $0x3  }
0x2b6: {  	v43 =	vshll.u32 v41, $0x3;
	v40 =	vcvt.f32.s32 v42;
	v42 =	vshll.u32 v35, $0x3;
	[tilespmem:s3+$0x60] =	vst v36  }
0x2b7: {  	v37 =	vand.u32 $0xFFFFFC00, v37;
	v44 =	vld [tilespmem:s11+$0x20];
	v36 =	vand.u32 $0xFFFFFC00, v42;
	v42 =	vand.u32 $0xFFFFFC00, v43;
	[tilespmem:s10+$0x60] =	vst v39  }
0x2b8: {  	v39 =	vadd.s32 v4, v37;
	vm0 =	vlt.s32 v40, $0xFE;
	v37 =	vadd.s32 v4, v42;
	v43 =	vld [tilespmem:s0+$0x70]  }
0x2b9: {  	v42 =	vand.u32 $0x7F, v45;
	v46 =	vnsel vm0, $0xFE, v40;
	v40 =	vadd.s32 v4, v36  }
0x2ba: {  	v45 =	vshll.u32 v46, $0x3;
	v47 =	vadd.s32 $0x1, v46;
	v48 =	vadd.s32 $0x101, v46  }
0x2bb: {  	v45 =	vand.u32 $0xFFFFFC00, v45;
	v49 =	vshll.u32 v47, $0x3;
	v50 =	vshll.u32 v48, $0x3  }
0x2bc: {  	v49 =	vand.u32 $0xFFFFFC00, v49;
	v50 =	vand.u32 $0xFFFFFC00, v50;
	v44 =	vmul.f32 $1.821428530e+02, v44  }
0x2bd: {  	v49 =	vadd.s32 v8, v49;
	v50 =	vadd.s32 v8, v50;
	v43 =	vmul.f32 $1.821428530e+02, v43  }
0x2be: {  	v47 =	vand.u32 $0x7F, v47;
	v51 =	vadd.s32 v8, v45;
	v44 =	vmax.f32 v44, $0.0e+00  }
0x2bf: {  	v48 =	vand.u32 $0x7F, v48;
	v44 =	vmin.f32 v44, $2.550000000e+02;
	v43 =	vmax.f32 v43, $0.0e+00  }
0x2c0: {  	v52 =	vand.u32 $0x7F, v46;
	v53 =	vtrunc.f32 v44;
	v43 =	vmin.f32 v43, $2.550000000e+02  }
0x2c1: {  	v47 =	vor.u32 v47, v49;
	v49 =	vcvt.f32.s32 v53;
	v53 =	vtrunc.f32 v43  }
0x2c2: {  	v51 =	vor.u32 v52, v51;
	v48 =	vor.u32 v48, v50;
	v50 =	vcvt.f32.s32 v53  }
0x2c3: {  	v52 =	vor.u32 v52, v14;
	v47 =	vor.u32 v13, v47;
	vm0 =	vlt.s32 v49, $0xFE  }
0x2c4: {  	v48 =	vor.u32 v13, v48;
	v49 =	vnsel vm0, $0xFE, v49;
	vm0 =	vlt.s32 v50, $0xFE  }
0x2c5: {  	v51 =	vor.u32 v13, v51;
	v53 =	vand.u32 $0x7F, v49;
	v50 =	vnsel vm0, $0xFE, v50  }
0x2c6: {  	v54 =	vshll.u32 v49, $0x3;
	v55 =	vadd.s32 $0x1, v49;
	v56 =	vadd.s32 $0x101, v50  }
0x2c7: {  	v57 =	vadd.s32 $0x101, v49;
	v58 =	vand.u32 $0x7F, v50;
	v59 =	vshll.u32 v56, $0x3  }
0x2c8: {  	v60 =	vshll.u32 v50, $0x3;
	v61 =	vor.u32 v58, v12;
	v12 =	vmovc v21;
	v47 =	vld.idx.msk [tilespmem:v47+s23+$0x0], $0xffff;
	v59 =	vand.u32 $0xFFFFFC00, v59  }
0x2c9: {  	v56 =	vand.u32 $0x7F, v56;
	v21 =	vld.idx.msk [tilespmem:v48+s23+$0x0], $0xffff;
	v48 =	vand.u32 $0xFFFFFC00, v60;
	v59 =	vadd.s32 v11, v59  }
0x2ca: {  	v60 =	vor.u32 v53, v12;
	v51 =	vld.idx.msk [tilespmem:v51+s23+$0x0], $0xffff;
	v61 =	vadd.s32 v48, v61;
	v56 =	vor.u32 v56, v59  }
0x2cb: {  	v62 =	vand.u32 $0x7F, v57;
	v59 =	vand.u32 $0x7F, v55;
	v56 =	vor.u32 v10, v56  }
0x2cc: {  	v54 =	vand.u32 $0xFFFFFC00, v54;
	v57 =	vshll.u32 v57, $0x3;
	v55 =	vshll.u32 v55, $0x3  }
0x2cd: {  	v63 =	vadd.s32 v20, v54;
	v54 =	vadd.s32 v54, v60;
	v55 =	vand.u32 $0xFFFFFC00, v55  }
0x2ce: {  	v57 =	vand.u32 $0xFFFFFC00, v57;
	v53 =	vor.u32 v53, v63;
	v55 =	vadd.s32 v20, v55  }
0x2cf: {  	v57 =	vadd.s32 v20, v57;
	v53 =	vor.u32 v19, v53;
	v55 =	vor.u32 v59, v55;
	v59 =	vld.idx.msk [tilespmem:v61+s23+$0x0], $0xffff  }
0x2d0: {  	v45 =	vadd.s32 v45, v52;
	v52 =	vor.u32 v19, v55;
	v55 =	vor.u32 v62, v57;
	v56 =	vld.idx.msk [tilespmem:v56+s23+$0x0], $0xffff  }
0x2d1: {  	v46 =	vcvt.s32.f32 v46;
	v47 =	vsub.f32 v47, v51;
	v55 =	vor.u32 v19, v55  }
0x2d2: {  	v41 =	vand.u32 $0x7F, v41;
	v60 =	vadd.s32 $0x1, v50;
	v57 =	vand.u32 $0x7F, v35  }
0x2d3: {  	v38 =	vsub.f32 v38, v46;
	v50 =	vcvt.s32.f32 v50;
	v46 =	vld.idx.msk [tilespmem:v54+s23+$0x0], $0xffff;
	v54 =	vshll.u32 v60, $0x3  }
0x2d4: {  	v48 =	vadd.s32 v11, v48;
	v60 =	vand.u32 $0x7F, v60;
	v53 =	vld.idx.msk [tilespmem:v53+s23+$0x0], $0xffff;
	v54 =	vand.u32 $0xFFFFFC00, v54  }
0x2d5: {  	v48 =	vor.u32 v58, v48;
	v43 =	vsub.f32 v43, v50;
	v52 =	vld.idx.msk [tilespmem:v52+s23+$0x0], $0xffff;
	v11 =	vadd.s32 v11, v54  }
0x2d6: {  	v48 =	vor.u32 v10, v48;
	v54 =	vsub.f32 v56, v59;
	v50 =	vld.idx.msk [tilespmem:v55+s23+$0x0], $0xffff;
	v55 =	vor.u32 v60, v11  }
0x2d7: {  	v39 =	vor.u32 v42, v39;
	v47 =	vmul.f32 v38, v47;
	v45 =	vld.idx.msk [tilespmem:v45+s23+$0x0], $0xffff;
	v42 =	vor.u32 v10, v55  }
0x2d8: {  	v37 =	vor.u32 v41, v37;
	v40 =	vor.u32 v57, v40;
	v41 =	vmul.f32 v43, v54;
	v11 =	vmovc v20  }
0x2d9: {  	v10 =	vmovc v19;
	v20 =	vadd.f32 v47, v51;
	v47 =	vcvt.s32.f32 v49;
	v49 =	vor.u32 v57, v9  }
0x2da: {  	v37 =	vor.u32 v7, v37;
	v19 =	vor.u32 v7, v39;
	v39 =	vadd.f32 v41, v59  }
0x2db: {  	v35 =	vcvt.s32.f32 v35;
	v41 =	vsub.f32 v52, v53;
	[tilespmem:s12+$0x10] =	vst v20;
	v20 =	vsub.f32 v44, v47;
	v44 =	vld.idx.msk [tilespmem:v48+s23+$0x0], $0xffff  }
0x2dc: {  	v31 =	vand.u32 $0x7F, v31;
	v40 =	vor.u32 v7, v40;
	v47 =	vsub.f32 v50, v46;
	v42 =	vld.idx.msk [tilespmem:v42+s23+$0x0], $0xffff;
	[tilespmem:s10+$0x70] =	vst v39;
	s10 =	smov.u32 s22  }
0x2dd: {  	v36 =	vadd.s32 v36, v49;
	v21 =	vsub.f32 v21, v45;
	v39 =	vmul.f32 v20, v41  }
0x2de: {  	v30 =	vand.u32 $0x7F, v30;
	v29 =	vsub.f32 v29, v35;
	v20 =	vmul.f32 v20, v47  }
0x2df: {  	v21 =	vmul.f32 v38, v21;
	v38 =	vand.u32 $0x7F, v28;
	v35 =	vadd.f32 v39, v53;
	v19 =	vld.idx.msk [tilespmem:v19+s23+$0x0], $0xffff  }
0x2e0: {  	v31 =	vor.u32 v31, v32;
	v30 =	vor.u32 v30, v33;
	v20 =	vadd.f32 v20, v46;
	v37 =	vld.idx.msk [tilespmem:v37+s23+$0x0], $0xffff  }
0x2e1: {  	v28 =	vcvt.s32.f32 v28;
	v33 =	vor.u32 v38, v34;
	v21 =	vadd.f32 v21, v45;
	[tilespmem:s6+$0x20] =	vst v35;
	v32 =	vld.idx.msk [tilespmem:v40+s23+$0x0], $0xffff  }
0x2e2: {  	v31 =	vor.u32 v3, v31;
	v34 =	vor.u32 v38, v5;
	v35 =	vand.u32 $0x7F, v18;
	[tilespmem:s10+$0x20] =	vst v20;
	v20 =	vld.idx.msk [tilespmem:v36+s23+$0x0], $0xffff  }
0x2e3: {  	v30 =	vor.u32 v3, v30;
	v33 =	vor.u32 v3, v33;
	v22 =	vadd.s32 v22, v34;
	[tilespmem:s5+$0x10] =	vst v21;
	v21 =	vld [tilespmem:s11+$0x30]  }
0x2e4: {  	v17 =	vor.u32 v17, v24;
	v18 =	vsub.f32 v25, v28;
	v25 =	vand.u32 $0x7F, v16;
	v34 =	vld [tilespmem:s11+$0xFFFFFFA0]  }
0x2e5: {  	v24 =	vor.u32 v25, v27;
	v25 =	vor.u32 v25, v2;
	v26 =	vor.u32 v35, v26;
	v2 =	vmovc v5  }
0x2e6: {  	v17 =	vor.u32 v1, v17;
	v24 =	vor.u32 v1, v24;
	v26 =	vor.u32 v1, v26;
	v1 =	vmovc v3  }
0x2e7: {  	v16 =	vcvt.s32.f32 v16;
	v23 =	vadd.s32 v23, v25;
	v3 =	vmovc v7;
	v35 =	vsub.f32 v19, v32;
	v19 =	vld.idx.msk [tilespmem:v31+s23+$0x0], $0xffff  }
0x2e8: {  	v27 =	vsub.f32 v42, v44;
	v7 =	vmovc v13;
	v25 =	vsub.f32 v37, v20;
	v21 =	vmul.f32 $1.821428530e+02, v21;
	v28 =	vld.idx.msk [tilespmem:v30+s23+$0x0], $0xffff  }
0x2e9: {  	v5 =	vmovc v9;
	v15 =	vsub.f32 v15, v16;
	v30 =	vmul.f32 v29, v35;
	v13 =	vmul.f32 $1.821428530e+02, v34;
	v31 =	vld.idx.msk [tilespmem:v33+s23+$0x0], $0xffff  }
0x2ea: {  	v9 =	vmovc v14;
	v16 =	vmax.f32 v21, $0.0e+00;
	v21 =	vmul.f32 v29, v25;
	v25 =	vmul.f32 v43, v27;
	v22 =	vld.idx.msk [tilespmem:v22+s23+$0x0], $0xffff  }
0x2eb: {  	v13 =	vmax.f32 v13, $0.0e+00;
	v14 =	vmin.f32 v16, $2.550000000e+02;
	v16 =	vadd.f32 v30, v32;
	v17 =	vld.idx.msk [tilespmem:v17+s23+$0x0], $0xffff  }
0x2ec: {  	v27 =	vmin.f32 v13, $2.550000000e+02;
	v13 =	vtrunc.f32 v14;
	v20 =	vadd.f32 v21, v20;
	v21 =	vld.idx.msk [tilespmem:v26+s23+$0x0], $0xffff  }
0x2ed: {  	v26 =	vtrunc.f32 v27;
	v29 =	vcvt.f32.s32 v13;
	[tilespmem:s4+$0x40] =	vst v16;
	v16 =	vadd.f32 v25, v44;
	v24 =	vld.idx.msk [tilespmem:v24+s23+$0x0], $0xffff  }
0x2ee: {  	v25 =	vcvt.f32.s32 v26;
	[tilespmem:s7+$0x40] =	vst v20;
	v13 =	vld.idx.msk [tilespmem:v23+s23+$0x0], $0xffff  }
0x2ef: {  	vm0 =	vlt.s32 v29, $0xFE;
	v20 =	vld [tilespmem:s0+$0xFFFFFFD0];
	[tilespmem:s3+$0x70] =	vst v16;
	v16 =	vsub.f32 v19, v31;
	s3 =	smov.u32 s6  }
0x2f0: {  	v23 =	vsub.f32 v28, v22;
	vm1 =	vlt.s32 v25, $0xFE;
	v19 =	vnsel vm0, $0xFE, v29  }
0x2f1: {  	v25 =	vnsel vm1, $0xFE, v25;
	v26 =	vand.u32 $0x7F, v19;
	v16 =	vmul.f32 v18, v16  }
0x2f2: {  	v28 =	vshll.u32 v19, $0x3;
	v29 =	vadd.s32 $0x1, v19;
	v30 =	vadd.s32 $0x101, v19  }
0x2f3: {  	v32 =	vand.u32 $0x7F, v29;
	v33 =	vor.u32 v26, v12;
	v34 =	vand.u32 $0x7F, v30  }
0x2f4: {  	v28 =	vand.u32 $0xFFFFFC00, v28;
	v29 =	vshll.u32 v29, $0x3;
	v30 =	vshll.u32 v30, $0x3  }
0x2f5: {  	v35 =	vadd.s32 v11, v28;
	v29 =	vand.u32 $0xFFFFFC00, v29;
	v28 =	vadd.s32 v28, v33  }
0x2f6: {  	v30 =	vand.u32 $0xFFFFFC00, v30;
	v26 =	vor.u32 v26, v35;
	v29 =	vadd.s32 v11, v29  }
0x2f7: {  	v30 =	vadd.s32 v11, v30;
	v26 =	vor.u32 v10, v26;
	v29 =	vor.u32 v32, v29  }
0x2f8: {  	v32 =	vadd.s32 $0x1, v25;
	v30 =	vor.u32 v34, v30;
	v29 =	vor.u32 v10, v29  }
0x2f9: {  	v34 =	vadd.s32 $0x101, v25;
	v33 =	vshll.u32 v32, $0x3;
	v30 =	vor.u32 v10, v30  }
0x2fa: {  	v35 =	vshll.u32 v25, $0x3;
	v36 =	vshll.u32 v34, $0x3;
	v33 =	vand.u32 $0xFFFFFC00, v33  }
0x2fb: {  	v35 =	vand.u32 $0xFFFFFC00, v35;
	v36 =	vand.u32 $0xFFFFFC00, v36;
	v33 =	vadd.s32 v8, v33;
	v28 =	vld.idx.msk [tilespmem:v28+s23+$0x0], $0xffff  }
0x2fc: {  	v37 =	vadd.s32 v8, v35;
	v32 =	vand.u32 $0x7F, v32;
	v36 =	vadd.s32 v8, v36;
	v26 =	vld.idx.msk [tilespmem:v26+s23+$0x0], $0xffff  }
0x2fd: {  	v38 =	vand.u32 $0x7F, v25;
	v32 =	vor.u32 v32, v33;
	v33 =	vand.u32 $0x7F, v34;
	v29 =	vld.idx.msk [tilespmem:v29+s23+$0x0], $0xffff  }
0x2fe: {  	v34 =	vor.u32 v38, v37;
	v37 =	vor.u32 v38, v9;
	v33 =	vor.u32 v33, v36;
	v30 =	vld.idx.msk [tilespmem:v30+s23+$0x0], $0xffff  }
0x2ff: {  	v34 =	vor.u32 v7, v34;
	v32 =	vor.u32 v7, v32;
	v33 =	vor.u32 v7, v33  }
0x300: {  	v20 =	vmul.f32 $1.821428530e+02, v20;
	v25 =	vcvt.s32.f32 v25;
	v35 =	vadd.s32 v35, v37  }
0x301: {  	v19 =	vcvt.s32.f32 v19;
	v18 =	vmul.f32 v18, v23;
	v16 =	vadd.f32 v16, v31  }
0x302: {  	v17 =	vsub.f32 v17, v24;
	v20 =	vmax.f32 v20, $0.0e+00;
	v23 =	vsub.f32 v27, v25  }
0x303: {  	v14 =	vsub.f32 v14, v19;
	v20 =	vmin.f32 v20, $2.550000000e+02;
	v19 =	vsub.f32 v29, v26;
	[tilespmem:s29+$0x60] =	vst v16  }
0x304: {  	v18 =	vadd.f32 v18, v22;
	v27 =	vtrunc.f32 v20;
	v25 =	vsub.f32 v30, v28;
	v16 =	vld.idx.msk [tilespmem:v32+s23+$0x0], $0xffff  }
0x305: {  	v21 =	vsub.f32 v21, v13;
	v27 =	vcvt.f32.s32 v27;
	v19 =	vmul.f32 v14, v19;
	v22 =	vld.idx.msk [tilespmem:v33+s23+$0x0], $0xffff  }
0x306: {  	v17 =	vmul.f32 v15, v17;
	v29 =	vmov s1;
	v14 =	vmul.f32 v14, v25;
	v30 =	vld.idx.msk [tilespmem:v34+s23+$0x0], $0xffff;
	[tilespmem:s30+$0x60] =	vst v18  }
0x307: {  	v15 =	vmul.f32 v15, v21;
	vm0 =	vlt.s32 v27, $0xFE;
	v19 =	vadd.f32 v19, v26;
	v18 =	vld.idx.msk [tilespmem:v35+s23+$0x0], $0xffff  }
0x308: {  	v17 =	vadd.f32 v17, v24;
	v21 =	vnsel vm0, $0xFE, v27;
	v14 =	vadd.f32 v14, v28;
	v25 =	vld [tilespmem:s31+$0xFFFFFFF0];
	s31 =	smov.u32 s0;
	s0 =	smov.u32 s11  }
0x309: {  	v24 =	vadd.s32 $0x1, v21;
	v26 =	vadd.s32 $0x101, v21;
	[tilespmem:s3+$0x30] =	vst v19;
	v19 =	vshll.u32 v21, $0x3  }
0x30a: {  	v27 =	vshll.u32 v26, $0x3;
	[tilespmem:s10+$0x30] =	vst v14;
	v14 =	vand.u32 $0xFFFFFC00, v19;
	v19 =	vshll.u32 v24, $0x3  }
0x30b: {  	v27 =	vand.u32 $0xFFFFFC00, v27;
	v28 =	vld [tilespmem:s11+$0x40];
	v31 =	vadd.s32 v4, v14;
	v19 =	vand.u32 $0xFFFFFC00, v19;
	[tilespmem:s28+$0x70] =	vst v17;
	s28 =	smov.u32 s29;
	s29 =	smov.u32 s4;
	s4 =	smov.u32 s12  }
0x30c: {  	v16 =	vsub.f32 v16, v30;
	v17 =	vadd.s32 v4, v19;
	v19 =	vadd.s32 v4, v27  }
0x30d: {  	v26 =	vand.u32 $0x7F, v26;
	v24 =	vand.u32 $0x7F, v24;
	v22 =	vsub.f32 v22, v18  }
0x30e: {  	v27 =	vand.u32 $0x7F, v21;
	v16 =	vmul.f32 v23, v16;
	v17 =	vor.u32 v24, v17  }
0x30f: {  	v19 =	vor.u32 v26, v19;
	v22 =	vmul.f32 v23, v22;
	v23 =	vor.u32 v27, v31  }
0x310: {  	v26 =	vor.u32 v27, v5;
	v16 =	vadd.f32 v16, v30;
	v24 =	vmul.f32 $1.821428530e+02, v28  }
0x311: {  	v19 =	vor.u32 v3, v19;
	v18 =	vadd.f32 v22, v18;
	v22 =	vor.u32 v3, v17  }
0x312: {  	v23 =	vor.u32 v3, v23;
	[tilespmem:s4+$0x20] =	vst v16;
	v16 =	vmax.f32 v24, $0.0e+00;
	v24 =	vadd.s32 v14, v26  }
0x313: {  	v14 =	vcvt.s32.f32 v21;
	[tilespmem:s5+$0x20] =	vst v18;
	v27 =	vmin.f32 v16, $2.550000000e+02;
	v16 =	vmul.f32 $1.821428530e+02, v25  }
0x314: {  	v13 =	vadd.f32 v15, v13;
	v17 =	vshrl.u32 v29, $0x3;
	v18 =	vld [tilespmem:s11+$0xFFFFFFB0];
	v21 =	vtrunc.f32 v27  }
0x315: {  	v20 =	vsub.f32 v20, v14;
	v21 =	vcvt.f32.s32 v21;
	v14 =	vmax.f32 v16, $0.0e+00  }
0x316: {  	v17 =	vmul.u32 $0x1400, v17;
	v16 =	vshll.u32 v29, $0x7;
	v22 =	vld.idx.msk [tilespmem:v22+s23+$0x0], $0xffff;
	v15 =	vmin.f32 v14, $2.550000000e+02;
	[tilespmem:s26+$0x70] =	vst v13;
	s26 =	smov.u32 s30;
	s30 =	smov.u32 s7;
	s7 =	smov.u32 s5  }
0x317: {  	v13 =	vand.u32 $0x300, v16;
	vm0 =	vlt.s32 v21, $0xFE;
	v16 =	vld.idx.msk [tilespmem:v19+s23+$0x0], $0xffff;
	v14 =	vtrunc.f32 v15  }
0x318: {  	v19 =	vor.u32 v13, v17;
	v21 =	vnsel vm0, $0xFE, v21;
	v23 =	vld.idx.msk [tilespmem:v23+s23+$0x0], $0xffff;
	v26 =	vcvt.f32.s32 v14  }
0x319: {  	v14 =	vadd.s32 $0x800, v19;
	v18 =	vmul.f32 $1.821428530e+02, v18;
	v19 =	vand.u32 $0x7F, v21;
	v24 =	vld.idx.msk [tilespmem:v24+s23+$0x0], $0xffff  }
0x31a: {  	v25 =	vshll.u32 v21, $0x3;
	v28 =	vadd.s32 $0x1, v21;
	v29 =	vadd.s32 $0x101, v21  }
0x31b: {  	v30 =	vand.u32 $0x7F, v28;
	v31 =	vor.u32 v19, v12;
	v32 =	vand.u32 $0x7F, v29  }
0x31c: {  	v25 =	vand.u32 $0xFFFFFC00, v25;
	v28 =	vshll.u32 v28, $0x3;
	v29 =	vshll.u32 v29, $0x3  }
0x31d: {  	v33 =	vadd.s32 v11, v25;
	v28 =	vand.u32 $0xFFFFFC00, v28;
	v31 =	vadd.s32 v25, v31  }
0x31e: {  	v19 =	vor.u32 v19, v33;
	v25 =	vadd.s32 v11, v28;
	v28 =	vand.u32 $0xFFFFFC00, v29  }
0x31f: {  	v19 =	vor.u32 v10, v19;
	v25 =	vor.u32 v30, v25;
	v28 =	vadd.s32 v11, v28  }
0x320: {  	v18 =	vmax.f32 v18, $0.0e+00;
	v29 =	vor.u32 v10, v25;
	v28 =	vor.u32 v32, v28  }
0x321: {  	v25 =	vmin.f32 v18, $2.550000000e+02;
	v18 =	vsub.f32 v22, v23;
	v28 =	vor.u32 v10, v28  }
0x322: {  	vm0 =	vlt.s32 v26, $0xFE;
	v30 =	vsub.f32 v16, v24;
	v22 =	vtrunc.f32 v25  }
0x323: {  	v16 =	vnsel vm0, $0xFE, v26;
	v32 =	vcvt.f32.s32 v22;
	v33 =	vmul.f32 v20, v18;
	v31 =	vld.idx.msk [tilespmem:v31+s23+$0x0], $0xffff  }
0x324: {  	v20 =	vmul.f32 v20, v30;
	v22 =	vadd.s32 $0x1, v16;
	v18 =	vadd.s32 $0x101, v16;
	v19 =	vld.idx.msk [tilespmem:v19+s23+$0x0], $0xffff  }
0x325: {  	vm0 =	vlt.s32 v32, $0xFE;
	v30 =	vadd.f32 v33, v23;
	v23 =	vshll.u32 v22, $0x3;
	v29 =	vld.idx.msk [tilespmem:v29+s23+$0x0], $0xffff  }
0x326: {  	v20 =	vadd.f32 v20, v24;
	v24 =	vshll.u32 v18, $0x3;
	v26 =	vnsel vm0, $0xFE, v32;
	v28 =	vld.idx.msk [tilespmem:v28+s23+$0x0], $0xffff  }
0x327: {  	v32 =	vshll.u32 v26, $0x3;
	v33 =	vadd.s32 $0x1, v26;
	v34 =	vadd.s32 $0x101, v26;
	[tilespmem:s29+$0x50] =	vst v30  }
0x328: {  	s11 =	sadd.s32 $0x100, s11;
	v37 =	vand.u32 $0xFFFFFC00, v32;
	v32 =	vshll.u32 v34, $0x3;
	v30 =	vshll.u32 v33, $0x3;
	[tilespmem:s30+$0x50] =	vst v20  }
0x329: {  	v21 =	vcvt.s32.f32 v21;
	v32 =	vand.u32 $0xFFFFFC00, v32;
	v30 =	vand.u32 $0xFFFFFC00, v30;
	v20 =	vld [tilespmem:s11+$0x0]  }
0x32a: {  	v36 =	vadd.s32 v8, v37;
	v32 =	vadd.s32 v8, v32;
	v30 =	vadd.s32 v8, v30;
	v35 =	vld [tilespmem:s11+$0xFFFFFF80]  }
0x32b: {  	v21 =	vsub.f32 v27, v21;
	v33 =	vand.u32 $0x7F, v33;
	v29 =	vsub.f32 v29, v19;
	v27 =	vld [tilespmem:s31+$0xFFFFFFE0]  }
0x32c: {  	v38 =	vand.u32 $0x7F, v26;
	v34 =	vand.u32 $0x7F, v34;
	v28 =	vsub.f32 v28, v31  }
0x32d: {  	v32 =	vor.u32 v34, v32;
	v30 =	vor.u32 v33, v30;
	v29 =	vmul.f32 v21, v29  }
0x32e: {  	v33 =	vor.u32 v38, v36;
	v21 =	vmul.f32 v21, v28;
	v20 =	vmul.f32 $1.821428530e+02, v20  }
0x32f: {  	v34 =	vor.u32 v38, v9;
	v19 =	vadd.f32 v29, v19;
	v28 =	vmul.f32 $1.821428530e+02, v35  }
0x330: {  	s5 =	sadd.s32 $0x1, s1;
	v29 =	vor.u32 v7, v30;
	v21 =	vadd.f32 v21, v31;
	v20 =	vmax.f32 v20, $0.0e+00  }
0x331: {  	v31 =	vmov s5;
	v28 =	vmax.f32 v28, $0.0e+00;
	v45 =	vmin.f32 v20, $2.550000000e+02;
	[tilespmem:s3+$0x40] =	vst v19  }
0x332: {  	v20 =	vshrl.u32 v31, $0x3;
	v30 =	vmin.f32 v28, $2.550000000e+02;
	v19 =	vtrunc.f32 v45;
	[tilespmem:s10+$0x40] =	vst v21  }
0x333: {  	v20 =	vmul.u32 $0x1400, v20;
	v21 =	vcvt.f32.s32 v19;
	v19 =	vshll.u32 v31, $0x7;
	v28 =	vld [tilespmem:s0+$0x50]  }
0x334: {  	v32 =	vor.u32 v7, v32;
	v31 =	vtrunc.f32 v30;
	v19 =	vand.u32 $0x380, v19  }
0x335: {  	v31 =	vcvt.f32.s32 v31;
	vm0 =	vlt.s32 v21, $0xFE;
	v35 =	vor.u32 v19, v20;
	v29 =	vld.idx.msk [tilespmem:v29+s23+$0x0], $0xffff  }
0x336: {  	v33 =	vor.u32 v7, v33;
	v38 =	vnsel vm0, $0xFE, v21;
	v21 =	vadd.s32 $0x800, v35  }
0x337: {  	v35 =	vand.u32 $0x7F, v38;
	v36 =	vshll.u32 v38, $0x3;
	v39 =	vadd.s32 $0x1, v38  }
0x338: {  	v41 =	vadd.s32 $0x101, v38;
	v40 =	vor.u32 v35, v21;
	v28 =	vmul.f32 $1.821428530e+02, v28  }
0x339: {  	v36 =	vand.u32 $0xFFFFFC00, v36;
	v42 =	vand.u32 $0x7F, v39;
	v43 =	vand.u32 $0x7F, v41;
	v32 =	vld.idx.msk [tilespmem:v32+s23+$0x0], $0xffff  }
0x33a: {  	v39 =	vshll.u32 v39, $0x3;
	v41 =	vshll.u32 v41, $0x3;
	v44 =	vmax.f32 v28, $0.0e+00  }
0x33b: {  	v46 =	vadd.s32 v20, v36;
	v40 =	vadd.s32 v36, v40;
	v28 =	vld.idx.msk [tilespmem:v33+s23+$0x0], $0xffff;
	v33 =	vmin.f32 v44, $2.550000000e+02  }
0x33c: {  	v36 =	vand.u32 $0xFFFFFC00, v39;
	v39 =	vand.u32 $0xFFFFFC00, v41;
	v41 =	vtrunc.f32 v33  }
0x33d: {  	v35 =	vor.u32 v35, v46;
	v36 =	vadd.s32 v20, v36;
	v41 =	vcvt.f32.s32 v41  }
0x33e: {  	v44 =	vor.u32 v19, v35;
	v35 =	vor.u32 v42, v36;
	v36 =	vadd.s32 v20, v39  }
0x33f: {  	v39 =	vor.u32 v19, v35;
	v35 =	vor.u32 v43, v36;
	vm0 =	vlt.s32 v41, $0xFE  }
0x340: {  	vm1 =	vlt.s32 v31, $0xFE;
	v42 =	vor.u32 v19, v35;
	v35 =	vnsel vm0, $0xFE, v41  }
0x341: {  	v36 =	vnsel vm1, $0xFE, v31;
	v31 =	vadd.s32 v37, v34;
	v34 =	vand.u32 $0x7F, v35  }
0x342: {  	v37 =	vshll.u32 v35, $0x3;
	v43 =	vadd.s32 $0x1, v35;
	v46 =	vadd.s32 $0x101, v35;
	v40 =	vld.idx.msk [tilespmem:v40+s23+$0x0], $0xffff  }
0x343: {  	v47 =	vor.u32 v34, v12;
	v48 =	vand.u32 $0x7F, v46;
	v41 =	vld.idx.msk [tilespmem:v44+s23+$0x0], $0xffff;
	v44 =	vand.u32 $0x7F, v43  }
0x344: {  	v37 =	vand.u32 $0xFFFFFC00, v37;
	v49 =	vld.idx.msk [tilespmem:v39+s23+$0x0], $0xffff;
	v39 =	vshll.u32 v43, $0x3;
	v43 =	vshll.u32 v46, $0x3  }
0x345: {  	v51 =	vadd.s32 v37, v47;
	v50 =	vld.idx.msk [tilespmem:v42+s23+$0x0], $0xffff;
	v42 =	vadd.s32 v11, v37;
	v39 =	vand.u32 $0xFFFFFC00, v39  }
0x346: {  	v31 =	vld.idx.msk [tilespmem:v31+s23+$0x0], $0xffff;
	v34 =	vor.u32 v34, v42;
	v39 =	vadd.s32 v11, v39;
	v42 =	vand.u32 $0xFFFFFC00, v43  }
.Ltmp0:
0x347: {  	v37 =	vor.u32 v10, v34;
	v34 =	vor.u32 v44, v39;
	v39 =	vadd.s32 v11, v42;
	(pc) =	sbr.rel @p1 .LBB2_3-.Ltmp0, $4  }
0x348: {  	v46 =	vcvt.s32.f32 v38;
	v38 =	vor.u32 v10, v34;
	v34 =	vor.u32 v48, v39  }
0x349: {  	v43 =	vadd.s32 $0x101, v36;
	v42 =	vadd.s32 $0x1, v36;
	v39 =	vor.u32 v10, v34  }
0x34a: {  	s5 =	sshrl.u32 s1, $0x3;
	v46 =	vsub.f32 v45, v46;
	v44 =	vshll.u32 v42, $0x3;
	v48 =	vsub.f32 v49, v41  }
0x34b: {  	s1 =	sadd.s32 $0x2, s1;
	s5 =	smul.u32 $0x3000, s5;
	v45 =	vshll.u32 v36, $0x3;
	v47 =	vshll.u32 v43, $0x3;
	v49 =	vsub.f32 v50, v40;
	v34 =	vld.idx.msk [tilespmem:v51+s23+$0x0], $0xffff  }
0x34c: {  	v48 =	vmul.f32 v46, v48  }
0x34d: {  	s12 =	sadd.s32 $0x100, s2;
	s1 =	sshra.s32 s5, $0x2;
	v54 =	vmul.f32 v46, v49  }
0x34e: {  	s2 =	sand.u32 $0x380, s12;
	s5 =	sadd.s32 s1, s24;
	v41 =	vadd.f32 v48, v41  }
0x34f: {  	s6 =	sadd.s32 $0x400, s5;
	s1 =	sadd.s32 s2, s5;
	v40 =	vadd.f32 v54, v40  }
0x350: {  	[tilespmem:s1+$0x0] =	vst v41;
	s2 =	sadd.s32 s2, s6  }
0x351: {  	[tilespmem:s2+$0x0] =	vst v40  }
0x352: {  	v40 =	vld [tilespmem:s11+$0x10];
	_ =	sdelay $0x4  }
0x353: {  	v40 =	vmul.f32 $1.821428530e+02, v40  }
0x354: {  	v55 =	vand.u32 $0xFFFFFC00, v44;
	v56 =	vand.u32 $0xFFFFFC00, v47  }
0x355: {  	v45 =	vand.u32 $0xFFFFFC00, v45;
	v42 =	vand.u32 $0x7F, v42;
	v40 =	vmax.f32 v40, $0.0e+00  }
0x356: {  	v43 =	vand.u32 $0x7F, v43;
	v59 =	vand.u32 $0x7F, v36;
	v40 =	vmin.f32 v40, $2.550000000e+02  }
0x357: {  	v57 =	vadd.s32 v17, v45;
	v44 =	vadd.s32 v17, v56;
	v58 =	vtrunc.f32 v40  }
0x358: {  	v62 =	vor.u32 v59, v14;
	v60 =	vor.u32 v43, v44;
	v47 =	vcvt.f32.s32 v58  }
0x359: {  	v61 =	vor.u32 v59, v57;
	v44 =	vadd.s32 v45, v62;
	v41 =	vadd.s32 v17, v55  }
0x35a: {  	v43 =	vor.u32 v13, v61;
	v41 =	vor.u32 v42, v41;
	vm0 =	vlt.s32 v47, $0xFE  }
0x35b: {  	v41 =	vor.u32 v13, v41;
	v46 =	vnsel vm0, $0xFE, v47  }
0x35c: {  	v42 =	vor.u32 v13, v60;
	v63 =	vand.u32 $0x7F, v46  }
0x35d: {  	v47 =	vshll.u32 v46, $0x3;
	v56 =	vadd.s32 $0x1, v46;
	v50 =	vadd.s32 $0x101, v46  }
0x35e: {  	v44 =	vld.idx.msk [tilespmem:v44+s23+$0x0], $0xffff;
	v57 =	vor.u32 v63, v21;
	v51 =	vand.u32 $0x7F, v56;
	v47 =	vand.u32 $0xFFFFFC00, v47  }
0x35f: {  	v43 =	vld.idx.msk [tilespmem:v43+s23+$0x0], $0xffff;
	v52 =	vand.u32 $0x7F, v50;
	v48 =	vshll.u32 v56, $0x3;
	v50 =	vshll.u32 v50, $0x3  }
0x360: {  	v41 =	vld.idx.msk [tilespmem:v41+s23+$0x0], $0xffff;
	v49 =	vadd.s32 v47, v57;
	v47 =	vadd.s32 v20, v47;
	v48 =	vand.u32 $0xFFFFFC00, v48  }
0x361: {  	v42 =	vld.idx.msk [tilespmem:v42+s23+$0x0], $0xffff;
	v59 =	vand.u32 $0xFFFFFC00, v50;
	v45 =	vor.u32 v63, v47;
	v58 =	vadd.s32 v20, v48  }
0x362: {  	v48 =	vadd.s32 v20, v59;
	v45 =	vor.u32 v19, v45;
	v47 =	vor.u32 v51, v58  }
0x363: {  	v60 =	vcvt.s32.f32 v36;
	v48 =	vor.u32 v52, v48;
	v47 =	vor.u32 v19, v47  }
0x364: {  	v48 =	vor.u32 v19, v48  }
0x365: {  	v30 =	vsub.f32 v30, v60;
	v61 =	vsub.f32 v41, v43  }
0x366: {  	v42 =	vsub.f32 v42, v44;
	v62 =	vld.idx.msk [tilespmem:v49+s23+$0x0], $0xffff  }
0x367: {  	v36 =	vmul.f32 v30, v61;
	v45 =	vld.idx.msk [tilespmem:v45+s23+$0x0], $0xffff  }
0x368: {  	s9 =	sadd.s32 $0xFFFFFF80, s12;
	v30 =	vmul.f32 v30, v42;
	v47 =	vld.idx.msk [tilespmem:v47+s23+$0x0], $0xffff  }
0x369: {  	s9 =	sand.u32 $0x300, s9;
	v36 =	vadd.f32 v36, v43;
	v63 =	vld.idx.msk [tilespmem:v48+s23+$0x0], $0xffff  }
0x36a: {  	s5 =	sadd.s32 s9, s5;
	v30 =	vadd.f32 v30, v44  }
0x36b: {  	s22 =	sadd.s32 s9, s6;
	[tilespmem:s5+$0x0] =	vst v36;
	v48 =	vcvt.s32.f32 v46  }
0x36c: {  	[tilespmem:s22+$0x0] =	vst v30  }
0x36d: {  	v51 =	vld [tilespmem:s11+$0xFFFFFF90];
	v49 =	vsub.f32 v40, v48;
	v50 =	vsub.f32 v47, v45  }
0x36e: {  	v42 =	vsub.f32 v63, v62  }
0x36f: {  	v37 =	vld.idx.msk [tilespmem:v37+s23+$0x0], $0xffff;
	v36 =	vmul.f32 v49, v50  }
0x370: {  	v38 =	vld.idx.msk [tilespmem:v38+s23+$0x0], $0xffff;
	v30 =	vmul.f32 v49, v42  }
0x371: {  	v39 =	vld.idx.msk [tilespmem:v39+s23+$0x0], $0xffff;
	v36 =	vadd.f32 v36, v45  }
0x372: {  	v40 =	vmul.f32 $1.821428530e+02, v51;
	v30 =	vadd.f32 v30, v62  }
0x373: {  	v35 =	vcvt.s32.f32 v35;
	[tilespmem:s1+$0x10] =	vst v36  }
0x374: {  	v52 =	vmax.f32 v40, $0.0e+00;
	[tilespmem:s2+$0x10] =	vst v30  }
0x375: {  	v33 =	vsub.f32 v33, v35;
	v30 =	vmin.f32 v52, $2.550000000e+02;
	v36 =	vld [tilespmem:s11+$0x20]  }
0x376: {  	v53 =	vsub.f32 v38, v37;
	v54 =	vsub.f32 v39, v34;
	v55 =	vtrunc.f32 v30  }
0x377: {  	v39 =	vcvt.f32.s32 v55  }
0x378: {  	v35 =	vmul.f32 v33, v53;
	v33 =	vmul.f32 v33, v54  }
0x379: {  	vm8 =	vlt.s32 v39, $0xFE  }
0x37a: {  	v33 =	vadd.f32 v33, v34;
	v34 =	vnsel vm8, $0xFE, v39;
	v36 =	vmul.f32 $1.821428530e+02, v36  }
0x37b: {  	v35 =	vadd.f32 v35, v37;
	v56 =	vshll.u32 v34, $0x3;
	v57 =	vadd.s32 $0x1, v34  }
0x37c: {  	v39 =	vadd.s32 $0x101, v34;
	v37 =	vand.u32 $0xFFFFFC00, v56;
	v36 =	vmax.f32 v36, $0.0e+00  }
0x37d: {  	v58 =	vshll.u32 v57, $0x3;
	v59 =	vshll.u32 v39, $0x3;
	v36 =	vmin.f32 v36, $2.550000000e+02  }
0x37e: {  	v38 =	vand.u32 $0x7F, v57;
	v39 =	vand.u32 $0x7F, v39;
	v60 =	vtrunc.f32 v36  }
0x37f: {  	v40 =	vand.u32 $0xFFFFFC00, v58;
	v41 =	vand.u32 $0xFFFFFC00, v59;
	v42 =	vcvt.f32.s32 v60  }
0x380: {  	v43 =	vadd.s32 v17, v37;
	v40 =	vadd.s32 v17, v40;
	v41 =	vadd.s32 v17, v41  }
0x381: {  	v38 =	vor.u32 v38, v40;
	v39 =	vor.u32 v39, v41;
	vm9 =	vlt.s32 v42, $0xFE  }
0x382: {  	v38 =	vor.u32 v13, v38;
	v39 =	vor.u32 v13, v39;
	v40 =	vnsel vm9, $0xFE, v42  }
0x383: {  	v61 =	vand.u32 $0x7F, v40;
	v42 =	vshll.u32 v40, $0x3;
	v62 =	vadd.s32 $0x1, v40  }
0x384: {  	v63 =	vadd.s32 $0x101, v40;
	v52 =	vor.u32 v61, v21;
	v53 =	vand.u32 $0x7F, v62  }
0x385: {  	v54 =	vand.u32 $0x7F, v63;
	v42 =	vand.u32 $0xFFFFFC00, v42;
	v44 =	vshll.u32 v62, $0x3  }
0x386: {  	v45 =	vshll.u32 v63, $0x3;
	v63 =	vand.u32 $0x7F, v34;
	v55 =	vadd.s32 v20, v42  }
0x387: {  	[tilespmem:s3+$0x50] =	vst v35;
	v44 =	vand.u32 $0xFFFFFC00, v44;
	v42 =	vadd.s32 v42, v52;
	v43 =	vor.u32 v63, v43  }
0x388: {  	[tilespmem:s10+$0x50] =	vst v33;
	v58 =	vand.u32 $0xFFFFFC00, v45;
	v45 =	vor.u32 v63, v14;
	v43 =	vor.u32 v13, v43  }
0x389: {  	v62 =	vld [tilespmem:s0+$0x60];
	v56 =	vor.u32 v61, v55;
	v57 =	vadd.s32 v20, v44;
	v37 =	vadd.s32 v37, v45  }
0x38a: {  	v38 =	vld.idx.msk [tilespmem:v38+s23+$0x0], $0xffff;
	v61 =	vadd.s32 v20, v58;
	v59 =	vor.u32 v19, v56;
	v60 =	vor.u32 v53, v57  }
0x38b: {  	v39 =	vld.idx.msk [tilespmem:v39+s23+$0x0], $0xffff;
	v41 =	vor.u32 v54, v61;
	v35 =	vor.u32 v19, v60  }
0x38c: {  	v41 =	vor.u32 v19, v41;
	v42 =	vld.idx.msk [tilespmem:v42+s23+$0x0], $0xffff  }
0x38d: {  	v43 =	vld.idx.msk [tilespmem:v43+s23+$0x0], $0xffff  }
0x38e: {  	v37 =	vld.idx.msk [tilespmem:v37+s23+$0x0], $0xffff  }
0x38f: {  	v33 =	vld.idx.msk [tilespmem:v59+s23+$0x0], $0xffff  }
0x390: {  	v26 =	vcvt.s32.f32 v26;
	v35 =	vld.idx.msk [tilespmem:v35+s23+$0x0], $0xffff  }
0x391: {  	v29 =	vsub.f32 v29, v28;
	v50 =	vcvt.s32.f32 v34;
	v41 =	vld.idx.msk [tilespmem:v41+s23+$0x0], $0xffff  }
0x392: {  	v32 =	vsub.f32 v32, v31;
	v25 =	vsub.f32 v25, v26;
	v40 =	vcvt.s32.f32 v40  }
0x393: {  	v49 =	vmul.f32 $1.821428530e+02, v27;
	v27 =	vsub.f32 v30, v50;
	v38 =	vsub.f32 v38, v43  }
0x394: {  	v51 =	vsub.f32 v36, v40;
	v56 =	vsub.f32 v39, v37  }
0x395: {  	v53 =	vmul.f32 $1.821428530e+02, v62;
	v35 =	vsub.f32 v35, v33;
	v57 =	vmul.f32 v27, v38  }
0x396: {  	v52 =	vmul.f32 v25, v29;
	v54 =	vsub.f32 v41, v42;
	v27 =	vmul.f32 v27, v56  }
0x397: {  	v29 =	vmax.f32 v53, $0.0e+00;
	v55 =	vmul.f32 v51, v35;
	v60 =	vadd.f32 v57, v43  }
0x398: {  	v29 =	vmin.f32 v29, $2.550000000e+02;
	v34 =	vmul.f32 v51, v54;
	v27 =	vadd.f32 v27, v37  }
0x399: {  	v25 =	vmul.f32 v25, v32;
	v59 =	vtrunc.f32 v29;
	v30 =	vadd.f32 v55, v33;
	[tilespmem:s5+$0x10] =	vst v60  }
0x39a: {  	v26 =	vmax.f32 v49, $0.0e+00;
	v58 =	vadd.f32 v34, v42;
	v33 =	vcvt.f32.s32 v59;
	[tilespmem:s22+$0x10] =	vst v27  }
0x39b: {  	v44 =	vand.u32 $0xFFFFFC00, v23;
	v61 =	vshll.u32 v16, $0x3;
	v63 =	vadd.f32 v25, v31;
	[tilespmem:s1+$0x20] =	vst v30  }
0x39c: {  	v25 =	vmin.f32 v26, $2.550000000e+02;
	v23 =	vand.u32 $0xFFFFFC00, v61;
	vm10 =	vlt.s32 v33, $0xFE;
	v46 =	vld [tilespmem:s11+$0xFFFFFFA0];
	[tilespmem:s2+$0x20] =	vst v58  }
0x39d: {  	v62 =	vadd.f32 v52, v28;
	v27 =	vand.u32 $0xFFFFFC00, v24;
	v33 =	vnsel vm10, $0xFE, v33;
	v43 =	vld [tilespmem:s11+$0x30]  }
0x39e: {  	v24 =	vadd.s32 v6, v44;
	v47 =	vand.u32 $0x7F, v33;
	v49 =	vadd.s32 $0x1, v33  }
0x39f: {  	v48 =	vshll.u32 v33, $0x3;
	v50 =	vadd.s32 $0x101, v33;
	v51 =	vand.u32 $0x7F, v49  }
0x3a0: {  	v52 =	vor.u32 v47, v12;
	v53 =	vand.u32 $0x7F, v50;
	v32 =	vand.u32 $0xFFFFFC00, v48  }
0x3a1: {  	v36 =	vshll.u32 v49, $0x3;
	v37 =	vshll.u32 v50, $0x3;
	v35 =	vmul.f32 $1.821428530e+02, v46  }
0x3a2: {  	v54 =	vadd.s32 v11, v32;
	v36 =	vand.u32 $0xFFFFFC00, v36;
	v26 =	vmul.f32 $1.821428530e+02, v43  }
0x3a3: {  	v32 =	vadd.s32 v32, v52;
	v37 =	vand.u32 $0xFFFFFC00, v37;
	v35 =	vmax.f32 v35, $0.0e+00  }
0x3a4: {  	v30 =	vor.u32 v47, v54;
	v35 =	vmin.f32 v35, $2.550000000e+02;
	v26 =	vmax.f32 v26, $0.0e+00  }
0x3a5: {  	v36 =	vadd.s32 v11, v36;
	v56 =	vtrunc.f32 v35;
	v26 =	vmin.f32 v26, $2.550000000e+02  }
0x3a6: {  	v37 =	vadd.s32 v11, v37;
	v41 =	vcvt.f32.s32 v56;
	v55 =	vtrunc.f32 v26  }
0x3a7: {  	v30 =	vor.u32 v10, v30;
	v36 =	vor.u32 v51, v36;
	v39 =	vcvt.f32.s32 v55  }
0x3a8: {  	v37 =	vor.u32 v53, v37;
	v36 =	vor.u32 v10, v36;
	vm12 =	vlt.s32 v41, $0xFE  }
0x3a9: {  	v37 =	vor.u32 v10, v37;
	v41 =	vnsel vm12, $0xFE, v41;
	vm11 =	vlt.s32 v39, $0xFE  }
0x3aa: {  	v53 =	vadd.s32 $0x1, v41;
	v56 =	vadd.s32 $0x101, v41;
	v38 =	vnsel vm11, $0xFE, v39  }
0x3ab: {  	v55 =	vshll.u32 v53, $0x3;
	v40 =	vand.u32 $0x7F, v53;
	v39 =	vand.u32 $0x7F, v38  }
0x3ac: {  	v57 =	vshll.u32 v38, $0x3;
	v58 =	vadd.s32 $0x1, v38;
	v59 =	vadd.s32 $0x101, v38  }
0x3ad: {  	[tilespmem:s4+$0x30] =	vst v62;
	v44 =	vand.u32 $0xFFFFFC00, v55;
	v60 =	vand.u32 $0x7F, v58;
	v61 =	vor.u32 v39, v21  }
0x3ae: {  	[tilespmem:s7+$0x30] =	vst v63;
	v62 =	vand.u32 $0x7F, v59;
	v63 =	vand.u32 $0xFFFFFC00, v57;
	v48 =	vshll.u32 v58, $0x3  }
0x3af: {  	v49 =	vshll.u32 v59, $0x3;
	v57 =	vshll.u32 v41, $0x3;
	v58 =	vshll.u32 v56, $0x3  }
0x3b0: {  	v44 =	vadd.s32 v17, v44;
	v51 =	vadd.s32 v20, v63;
	v42 =	vand.u32 $0xFFFFFC00, v48  }
0x3b1: {  	v31 =	vadd.s32 v63, v61;
	v43 =	vand.u32 $0xFFFFFC00, v49;
	v46 =	vand.u32 $0xFFFFFC00, v57  }
0x3b2: {  	v50 =	vld [tilespmem:s0+$0xFFFFFFC0];
	v47 =	vand.u32 $0xFFFFFC00, v58;
	v39 =	vor.u32 v39, v51;
	v42 =	vadd.s32 v20, v42  }
0x3b3: {  	v32 =	vld.idx.msk [tilespmem:v32+s23+$0x0], $0xffff;
	v52 =	vadd.s32 v20, v43;
	v39 =	vor.u32 v19, v39;
	v28 =	vor.u32 v60, v42  }
0x3b4: {  	v36 =	vld.idx.msk [tilespmem:v36+s23+$0x0], $0xffff;
	v40 =	vor.u32 v40, v44;
	v42 =	vor.u32 v62, v52;
	v28 =	vor.u32 v19, v28  }
0x3b5: {  	v37 =	vld.idx.msk [tilespmem:v37+s23+$0x0], $0xffff;
	v61 =	vand.u32 $0x7F, v41;
	v59 =	vadd.s32 v17, v46;
	v42 =	vor.u32 v19, v42  }
0x3b6: {  	v63 =	vld.idx.msk [tilespmem:v30+s23+$0x0], $0xffff;
	v47 =	vadd.s32 v17, v47;
	v40 =	vor.u32 v13, v40;
	v49 =	vor.u32 v61, v14  }
0x3b7: {  	v60 =	vand.u32 $0x7F, v56;
	v62 =	vor.u32 v61, v59;
	v46 =	vadd.s32 v46, v49;
	v31 =	vld.idx.msk [tilespmem:v31+s23+$0x0], $0xffff  }
0x3b8: {  	v54 =	vmul.f32 $1.821428530e+02, v50;
	v44 =	vor.u32 v60, v47;
	v50 =	vor.u32 v13, v62;
	v39 =	vld.idx.msk [tilespmem:v39+s23+$0x0], $0xffff  }
0x3b9: {  	v44 =	vor.u32 v13, v44;
	v28 =	vld.idx.msk [tilespmem:v28+s23+$0x0], $0xffff  }
0x3ba: {  	v45 =	vtrunc.f32 v25;
	v42 =	vld.idx.msk [tilespmem:v42+s23+$0x0], $0xffff  }
0x3bb: {  	v34 =	vcvt.f32.s32 v45;
	v33 =	vcvt.s32.f32 v33;
	v40 =	vld.idx.msk [tilespmem:v40+s23+$0x0], $0xffff  }
0x3bc: {  	v38 =	vcvt.s32.f32 v38;
	v43 =	vmax.f32 v54, $0.0e+00;
	v54 =	vld.idx.msk [tilespmem:v46+s23+$0x0], $0xffff  }
0x3bd: {  	vm13 =	vlt.s32 v34, $0xFE;
	v29 =	vsub.f32 v29, v33;
	v37 =	vsub.f32 v37, v32;
	v53 =	vld.idx.msk [tilespmem:v50+s23+$0x0], $0xffff  }
0x3be: {  	v51 =	vsub.f32 v26, v38;
	v26 =	vadd.s32 v6, v23;
	v44 =	vld.idx.msk [tilespmem:v44+s23+$0x0], $0xffff;
	v28 =	vsub.f32 v28, v39  }
0x3bf: {  	v6 =	vadd.s32 v6, v27;
	v56 =	vcvt.s32.f32 v41;
	v42 =	vsub.f32 v42, v31  }
0x3c0: {  	v27 =	vnsel vm13, $0xFE, v34;
	v38 =	vmin.f32 v43, $2.550000000e+02;
	v28 =	vmul.f32 v51, v28  }
0x3c1: {  	v34 =	vsub.f32 v35, v56;
	v36 =	vsub.f32 v36, v63;
	v42 =	vmul.f32 v51, v42  }
0x3c2: {  	v43 =	vtrunc.f32 v38;
	v60 =	vsub.f32 v40, v53;
	v28 =	vadd.f32 v28, v39  }
0x3c3: {  	v52 =	vcvt.f32.s32 v43;
	v62 =	vsub.f32 v44, v54;
	v55 =	vadd.f32 v42, v31  }
0x3c4: {  	v36 =	vmul.f32 v29, v36;
	v29 =	vmul.f32 v29, v37;
	[tilespmem:s1+$0x30] =	vst v28  }
0x3c5: {  	vm14 =	vlt.s32 v52, $0xFE;
	v35 =	vmul.f32 v34, v60;
	v34 =	vmul.f32 v34, v62;
	[tilespmem:s2+$0x30] =	vst v55  }
0x3c6: {  	v36 =	vadd.f32 v36, v63;
	v29 =	vadd.f32 v29, v32;
	v28 =	vnsel vm14, $0xFE, v52;
	v58 =	vld [tilespmem:s11+$0x40]  }
0x3c7: {  	v35 =	vadd.f32 v35, v53;
	v33 =	vadd.f32 v34, v54;
	v59 =	vadd.s32 $0x101, v28  }
0x3c8: {  	v63 =	vshll.u32 v28, $0x3;
	v54 =	vand.u32 $0x7F, v28;
	v48 =	vshll.u32 v59, $0x3  }
0x3c9: {  	[tilespmem:s5+$0x20] =	vst v35;
	v32 =	vand.u32 $0xFFFFFC00, v63;
	v55 =	vand.u32 $0x7F, v59;
	v49 =	vand.u32 $0xFFFFFC00, v48  }
0x3ca: {  	[tilespmem:s22+$0x20] =	vst v33;
	v39 =	vor.u32 v54, v9;
	v51 =	vadd.s32 v8, v32;
	v50 =	vadd.s32 v8, v49  }
0x3cb: {  	v56 =	vld [tilespmem:s11+$0xFFFFFFB0];
	v32 =	vadd.s32 v32, v39;
	v34 =	vor.u32 v55, v50;
	v37 =	vmul.f32 $1.821428530e+02, v58  }
0x3cc: {  	v57 =	vadd.s32 $0x1, v28;
	v34 =	vor.u32 v7, v34  }
0x3cd: {  	[tilespmem:s3+$0x60] =	vst v36;
	v61 =	vshll.u32 v57, $0x3;
	v52 =	vmax.f32 v37, $0.0e+00  }
0x3ce: {  	[tilespmem:s10+$0x60] =	vst v29;
	v40 =	vand.u32 $0xFFFFFC00, v61;
	v33 =	vmin.f32 v52, $2.550000000e+02  }
0x3cf: {  	v53 =	vand.u32 $0x7F, v57;
	v63 =	vld [tilespmem:s0+$0x70];
	v40 =	vadd.s32 v8, v40;
	v57 =	vtrunc.f32 v33  }
0x3d0: {  	v42 =	vor.u32 v54, v51;
	v60 =	vmul.f32 $1.821428530e+02, v56;
	v32 =	vld.idx.msk [tilespmem:v32+s23+$0x0], $0xffff;
	v58 =	vcvt.f32.s32 v57  }
0x3d1: {  	v28 =	vcvt.s32.f32 v28;
	v59 =	vor.u32 v7, v42;
	v37 =	vor.u32 v53, v40;
	v34 =	vld.idx.msk [tilespmem:v34+s23+$0x0], $0xffff  }
0x3d2: {  	v29 =	vmax.f32 v60, $0.0e+00;
	v37 =	vor.u32 v7, v37;
	vm15 =	vlt.s32 v58, $0xFE  }
0x3d3: {  	v28 =	vsub.f32 v38, v28;
	v44 =	vmin.f32 v29, $2.550000000e+02;
	v35 =	vnsel vm15, $0xFE, v58  }
0x3d4: {  	v39 =	vmul.f32 $1.821428530e+02, v63;
	v55 =	vtrunc.f32 v44;
	v61 =	vand.u32 $0x7F, v35  }
0x3d5: {  	v62 =	vadd.s32 $0x1, v35;
	v48 =	vshll.u32 v35, $0x3;
	v49 =	vadd.s32 $0x101, v35  }
0x3d6: {  	v41 =	vld.idx.msk [tilespmem:v59+s23+$0x0], $0xffff;
	v34 =	vsub.f32 v34, v32;
	v35 =	vcvt.s32.f32 v35;
	v50 =	vand.u32 $0x7F, v62  }
0x3d7: {  	v37 =	vld.idx.msk [tilespmem:v37+s23+$0x0], $0xffff;
	v51 =	vor.u32 v61, v21;
	v52 =	vand.u32 $0x7F, v49;
	v40 =	vand.u32 $0xFFFFFC00, v48  }
0x3d8: {  	v38 =	vshll.u32 v62, $0x3;
	v42 =	vshll.u32 v49, $0x3;
	v53 =	vadd.s32 v20, v40  }
0x3d9: {  	v38 =	vand.u32 $0xFFFFFC00, v38;
	v40 =	vadd.s32 v40, v51;
	v54 =	vand.u32 $0xFFFFFC00, v42  }
0x3da: {  	v42 =	vcvt.f32.s32 v55;
	v33 =	vsub.f32 v33, v35;
	v36 =	vor.u32 v61, v53  }
0x3db: {  	v38 =	vadd.s32 v20, v38;
	v29 =	vadd.s32 v20, v54;
	v36 =	vor.u32 v19, v36  }
0x3dc: {  	v38 =	vor.u32 v50, v38;
	v37 =	vsub.f32 v37, v41;
	vm4 =	vlt.s32 v42, $0xFE  }
0x3dd: {  	v29 =	vor.u32 v52, v29;
	v38 =	vor.u32 v19, v38;
	v42 =	vnsel vm4, $0xFE, v42  }
0x3de: {  	v29 =	vor.u32 v19, v29;
	v37 =	vmul.f32 v28, v37;
	v56 =	vshll.u32 v42, $0x3  }
0x3df: {  	v57 =	vadd.s32 $0x1, v42;
	v58 =	vadd.s32 $0x101, v42;
	v62 =	vand.u32 $0x7F, v42  }
0x3e0: {  	v28 =	vmul.f32 v28, v34;
	v43 =	vand.u32 $0xFFFFFC00, v56;
	v59 =	vshll.u32 v57, $0x3  }
0x3e1: {  	v60 =	vshll.u32 v58, $0x3;
	v45 =	vand.u32 $0x7F, v57;
	v46 =	vand.u32 $0x7F, v58  }
0x3e2: {  	v47 =	vand.u32 $0xFFFFFC00, v59;
	v48 =	vand.u32 $0xFFFFFC00, v60;
	v61 =	vadd.s32 v17, v43  }
0x3e3: {  	v40 =	vld.idx.msk [tilespmem:v40+s23+$0x0], $0xffff;
	v37 =	vadd.f32 v37, v41;
	v47 =	vadd.s32 v17, v47;
	v63 =	vor.u32 v62, v61  }
0x3e4: {  	v36 =	vld.idx.msk [tilespmem:v36+s23+$0x0], $0xffff;
	v48 =	vadd.s32 v17, v48;
	v45 =	vor.u32 v45, v47;
	v35 =	vor.u32 v13, v63  }
0x3e5: {  	v28 =	vadd.f32 v28, v32;
	v38 =	vld.idx.msk [tilespmem:v38+s23+$0x0], $0xffff;
	v46 =	vor.u32 v46, v48;
	v45 =	vor.u32 v13, v45  }
0x3e6: {  	v22 =	vand.u32 $0x7F, v22;
	v29 =	vld.idx.msk [tilespmem:v29+s23+$0x0], $0xffff;
	v47 =	vor.u32 v62, v14;
	[tilespmem:s4+$0x40] =	vst v37;
	v46 =	vor.u32 v13, v46  }
0x3e7: {  	v30 =	vadd.s32 $0x1, v27;
	v31 =	vadd.s32 $0x101, v27;
	v43 =	vadd.s32 v43, v47;
	[tilespmem:s7+$0x40] =	vst v28  }
0x3e8: {  	v49 =	vmax.f32 v39, $0.0e+00;
	v55 =	vshll.u32 v27, $0x3;
	v52 =	vshll.u32 v30, $0x3;
	v61 =	vld [tilespmem:s0+$0xFFFFFFD0]  }
0x3e9: {  	v30 =	vand.u32 $0x7F, v30;
	v34 =	vand.u32 $0xFFFFFC00, v52;
	v58 =	vshll.u32 v31, $0x3;
	v57 =	vld.idx.msk [tilespmem:v35+s23+$0x0], $0xffff  }
0x3ea: {  	v31 =	vand.u32 $0x7F, v31;
	v60 =	vadd.s32 v4, v34;
	v38 =	vsub.f32 v38, v36;
	v51 =	vld.idx.msk [tilespmem:v45+s23+$0x0], $0xffff  }
0x3eb: {  	v32 =	vand.u32 $0xFFFFFC00, v58;
	v30 =	vor.u32 v30, v60;
	v48 =	vsub.f32 v29, v40;
	v54 =	vld.idx.msk [tilespmem:v46+s23+$0x0], $0xffff  }
0x3ec: {  	v62 =	vadd.s32 v4, v32;
	v30 =	vor.u32 v3, v30;
	v59 =	vld.idx.msk [tilespmem:v43+s23+$0x0], $0xffff;
	v38 =	vmul.f32 v33, v38  }
0x3ed: {  	v31 =	vor.u32 v31, v62;
	v29 =	vmin.f32 v49, $2.550000000e+02;
	v50 =	vmul.f32 v33, v48  }
0x3ee: {  	v53 =	vtrunc.f32 v29;
	v48 =	vcvt.s32.f32 v42;
	v36 =	vadd.f32 v38, v36  }
0x3ef: {  	v31 =	vor.u32 v3, v31;
	v39 =	vcvt.f32.s32 v53;
	v56 =	vadd.f32 v50, v40  }
0x3f0: {  	v52 =	vmul.f32 $1.821428530e+02, v61;
	v44 =	vsub.f32 v44, v48;
	[tilespmem:s1+$0x40] =	vst v36;
	v50 =	vsub.f32 v51, v57  }
0x3f1: {  	v38 =	vand.u32 $0xFFFFFC00, v55;
	vm5 =	vlt.s32 v39, $0xFE;
	v51 =	vsub.f32 v54, v59;
	[tilespmem:s2+$0x40] =	vst v56  }
0x3f2: {  	v55 =	vmax.f32 v52, $0.0e+00;
	v32 =	vnsel vm5, $0xFE, v39;
	v63 =	vld [tilespmem:s11+$0x50];
	v53 =	vmul.f32 v44, v50  }
0x3f3: {  	v49 =	vadd.s32 v4, v38;
	v34 =	vadd.s32 $0x101, v32;
	v44 =	vmul.f32 v44, v51  }
0x3f4: {  	v28 =	vand.u32 $0x7F, v32;
	v35 =	vshll.u32 v32, $0x3;
	v56 =	vadd.f32 v53, v57  }
0x3f5: {  	v54 =	vand.u32 $0x7F, v27;
	v46 =	vshll.u32 v34, $0x3;
	v36 =	vadd.f32 v44, v59  }
0x3f6: {  	v33 =	vor.u32 v28, v12;
	v12 =	vmin.f32 v55, $2.550000000e+02;
	v60 =	vor.u32 v54, v49;
	[tilespmem:s5+$0x30] =	vst v56  }
0x3f7: {  	v62 =	vor.u32 v54, v5;
	v34 =	vand.u32 $0x7F, v34;
	v39 =	vmul.f32 $1.821428530e+02, v63;
	[tilespmem:s22+$0x30] =	vst v36  }
0x3f8: {  	v35 =	vand.u32 $0xFFFFFC00, v35;
	v38 =	vadd.s32 v38, v62;
	v57 =	vtrunc.f32 v12;
	v61 =	vld [tilespmem:s11+$0xFFFFFFC0]  }
0x3f9: {  	v46 =	vand.u32 $0xFFFFFC00, v46;
	v58 =	vcvt.f32.s32 v57;
	v39 =	vmax.f32 v39, $0.0e+00  }
0x3fa: {  	v33 =	vadd.s32 v35, v33;
	v46 =	vadd.s32 v11, v46;
	v39 =	vmin.f32 v39, $2.550000000e+02  }
0x3fb: {  	v34 =	vor.u32 v34, v46;
	vm6 =	vlt.s32 v58, $0xFE;
	v59 =	vtrunc.f32 v39  }
0x3fc: {  	v34 =	vor.u32 v10, v34;
	v37 =	vnsel vm6, $0xFE, v58;
	v40 =	vcvt.f32.s32 v59  }
0x3fd: {  	v36 =	vor.u32 v3, v60;
	v42 =	vshll.u32 v37, $0x3;
	v41 =	vmul.f32 $1.821428530e+02, v61  }
0x3fe: {  	v43 =	vadd.s32 $0x1, v37;
	v44 =	vadd.s32 $0x101, v37;
	vm7 =	vlt.s32 v40, $0xFE  }
0x3ff: {  	v42 =	vand.u32 $0xFFFFFC00, v42;
	v40 =	vnsel vm7, $0xFE, v40;
	v41 =	vmax.f32 v41, $0.0e+00  }
0x400: {  	v63 =	vand.u32 $0x7F, v40;
	v56 =	vshll.u32 v40, $0x3;
	v57 =	vadd.s32 $0x1, v40  }
0x401: {  	v58 =	vadd.s32 $0x101, v40;
	v41 =	vmin.f32 v41, $2.550000000e+02;
	v40 =	vcvt.s32.f32 v40  }
0x402: {  	v59 =	vand.u32 $0x7F, v57;
	v60 =	vor.u32 v63, v21;
	v61 =	vand.u32 $0x7F, v58  }
0x403: {  	v47 =	vand.u32 $0xFFFFFC00, v56;
	v48 =	vshll.u32 v57, $0x3;
	v49 =	vshll.u32 v58, $0x3  }
0x404: {  	v54 =	vtrunc.f32 v41;
	v53 =	vadd.s32 v20, v47;
	v48 =	vand.u32 $0xFFFFFC00, v48  }
0x405: {  	v47 =	vadd.s32 v47, v60;
	v62 =	vcvt.f32.s32 v54;
	v49 =	vand.u32 $0xFFFFFC00, v49  }
0x406: {  	v45 =	vor.u32 v63, v53;
	v48 =	vadd.s32 v20, v48;
	v49 =	vadd.s32 v20, v49  }
0x407: {  	v45 =	vor.u32 v19, v45;
	v48 =	vor.u32 v59, v48;
	vm8 =	vlt.s32 v62, $0xFE  }
0x408: {  	v49 =	vor.u32 v61, v49;
	v48 =	vor.u32 v19, v48;
	v50 =	vnsel vm8, $0xFE, v62  }
0x409: {  	v49 =	vor.u32 v19, v49;
	v51 =	vadd.s32 $0x1, v50;
	v63 =	vadd.s32 $0x101, v50  }
0x40a: {  	v60 =	vshll.u32 v50, $0x3;
	v61 =	vand.u32 $0x7F, v50;
	v59 =	vshll.u32 v51, $0x3  }
0x40b: {  	v55 =	vshll.u32 v63, $0x3;
	v47 =	vld.idx.msk [tilespmem:v47+s23+$0x0], $0xffff;
	v54 =	vand.u32 $0xFFFFFC00, v60;
	v53 =	vand.u32 $0xFFFFFC00, v59  }
0x40c: {  	v51 =	vand.u32 $0x7F, v51;
	v55 =	vand.u32 $0xFFFFFC00, v55;
	v45 =	vld.idx.msk [tilespmem:v45+s23+$0x0], $0xffff;
	v53 =	vadd.s32 v17, v53  }
0x40d: {  	v52 =	vand.u32 $0x7F, v63;
	v55 =	vadd.s32 v17, v55;
	v48 =	vld.idx.msk [tilespmem:v48+s23+$0x0], $0xffff;
	v51 =	vor.u32 v51, v53  }
0x40e: {  	v56 =	vadd.s32 v17, v54;
	v49 =	vld.idx.msk [tilespmem:v49+s23+$0x0], $0xffff;
	v52 =	vor.u32 v52, v55;
	v51 =	vor.u32 v13, v51  }
0x40f: {  	v57 =	vshll.u32 v44, $0x3;
	v62 =	vor.u32 v61, v56;
	v52 =	vor.u32 v13, v52  }
0x410: {  	v30 =	vld.idx.msk [tilespmem:v30+s23+$0x0], $0xffff;
	v44 =	vand.u32 $0x7F, v44;
	v53 =	vor.u32 v61, v14;
	v55 =	vor.u32 v13, v62  }
0x411: {  	v31 =	vld.idx.msk [tilespmem:v31+s23+$0x0], $0xffff;
	v39 =	vsub.f32 v39, v40;
	v63 =	vshll.u32 v43, $0x3;
	v53 =	vadd.s32 v54, v53  }
0x412: {  	v38 =	vld.idx.msk [tilespmem:v38+s23+$0x0], $0xffff;
	v43 =	vand.u32 $0x7F, v43;
	v61 =	vand.u32 $0xFFFFFC00, v63;
	v60 =	vsub.f32 v48, v45  }
0x413: {  	v62 =	vand.u32 $0xFFFFFC00, v57;
	v63 =	vand.u32 $0x7F, v37;
	v49 =	vsub.f32 v49, v47;
	v51 =	vld.idx.msk [tilespmem:v51+s23+$0x0], $0xffff  }
0x414: {  	v54 =	vadd.s32 v8, v42;
	v56 =	vadd.s32 v8, v62;
	v52 =	vld.idx.msk [tilespmem:v52+s23+$0x0], $0xffff;
	v40 =	vmul.f32 v39, v60  }
0x415: {  	v44 =	vor.u32 v44, v56;
	v48 =	vadd.s32 v8, v61;
	v39 =	vmul.f32 v39, v49;
	v49 =	vld.idx.msk [tilespmem:v55+s23+$0x0], $0xffff  }
0x416: {  	v44 =	vor.u32 v7, v44;
	v43 =	vor.u32 v43, v48;
	v53 =	vld.idx.msk [tilespmem:v53+s23+$0x0], $0xffff;
	v40 =	vadd.f32 v40, v45  }
0x417: {  	v33 =	vld.idx.msk [tilespmem:v33+s23+$0x0], $0xffff;
	v59 =	vor.u32 v63, v9;
	v43 =	vor.u32 v7, v43;
	v39 =	vadd.f32 v39, v47  }
0x418: {  	v34 =	vld.idx.msk [tilespmem:v34+s23+$0x0], $0xffff;
	v58 =	vcvt.s32.f32 v50;
	v57 =	vor.u32 v63, v54;
	v60 =	vadd.s32 v42, v59;
	[tilespmem:s1+$0x50] =	vst v40  }
0x419: {  	v22 =	vor.u32 v22, v24;
	v36 =	vld.idx.msk [tilespmem:v36+s23+$0x0], $0xffff;
	v47 =	vor.u32 v7, v57;
	[tilespmem:s2+$0x50] =	vst v39  }
0x41a: {  	v27 =	vcvt.s32.f32 v27;
	v40 =	vsub.f32 v41, v58;
	v62 =	vsub.f32 v51, v49;
	v61 =	vld [tilespmem:s11+$0x60]  }
0x41b: {  	v18 =	vand.u32 $0x7F, v18;
	v22 =	vor.u32 v1, v22;
	v44 =	vld.idx.msk [tilespmem:v44+s23+$0x0], $0xffff;
	v63 =	vsub.f32 v52, v53  }
0x41c: {  	v25 =	vsub.f32 v25, v27;
	v46 =	vadd.s32 $0x1, v32;
	v43 =	vld.idx.msk [tilespmem:v43+s23+$0x0], $0xffff;
	v41 =	vmul.f32 v40, v62  }
0x41d: {  	v32 =	vcvt.s32.f32 v32;
	v31 =	vsub.f32 v31, v38;
	v39 =	vld.idx.msk [tilespmem:v60+s23+$0x0], $0xffff;
	v40 =	vmul.f32 v40, v63  }
0x41e: {  	v34 =	vsub.f32 v34, v33;
	v45 =	vshll.u32 v46, $0x3;
	v47 =	vld.idx.msk [tilespmem:v47+s23+$0x0], $0xffff;
	v41 =	vadd.f32 v41, v49  }
0x41f: {  	v52 =	vcvt.s32.f32 v37;
	v40 =	vadd.f32 v40, v53;
	v42 =	vmul.f32 $1.821428530e+02, v61  }
0x420: {  	v46 =	vand.u32 $0x7F, v46;
	v51 =	vsub.f32 v30, v36;
	v30 =	vadd.s32 v11, v35;
	[tilespmem:s5+$0x40] =	vst v41  }
0x421: {  	v35 =	vsub.f32 v12, v52;
	v12 =	vsub.f32 v29, v32;
	[tilespmem:s22+$0x40] =	vst v40;
	v53 =	vmax.f32 v42, $0.0e+00  }
0x422: {  	v27 =	vmul.f32 v25, v51;
	v56 =	vsub.f32 v44, v39;
	v40 =	vld [tilespmem:s11+$0xFFFFFFD0];
	v37 =	vmin.f32 v53, $2.550000000e+02  }
0x423: {  	v25 =	vmul.f32 v25, v31;
	v54 =	vsub.f32 v43, v47;
	v55 =	vtrunc.f32 v37  }
0x424: {  	v28 =	vor.u32 v28, v30;
	v31 =	vmul.f32 v35, v56;
	v57 =	vcvt.f32.s32 v55  }
0x425: {  	v28 =	vor.u32 v10, v28;
	v27 =	vadd.f32 v27, v36;
	v58 =	vmul.f32 v35, v54  }
0x426: {  	v25 =	vadd.f32 v25, v38;
	v31 =	vadd.f32 v31, v39;
	vm9 =	vlt.s32 v57, $0xFE  }
0x427: {  	v29 =	vadd.f32 v58, v47;
	v59 =	vmul.f32 $1.821428530e+02, v40;
	v32 =	vnsel vm9, $0xFE, v57  }
0x428: {  	v60 =	vand.u32 $0x7F, v32;
	v61 =	vshll.u32 v32, $0x3;
	v62 =	vadd.s32 $0x1, v32  }
0x429: {  	v63 =	vadd.s32 $0x101, v32;
	v35 =	vmax.f32 v59, $0.0e+00;
	v48 =	vand.u32 $0x7F, v62  }
0x42a: {  	v49 =	vor.u32 v60, v21;
	v35 =	vmin.f32 v35, $2.550000000e+02;
	v43 =	vand.u32 $0x7F, v63  }
0x42b: {  	v38 =	vand.u32 $0xFFFFFC00, v61;
	v39 =	vshll.u32 v62, $0x3;
	v40 =	vshll.u32 v63, $0x3  }
0x42c: {  	v50 =	vtrunc.f32 v35;
	v51 =	vadd.s32 v20, v38;
	v39 =	vand.u32 $0xFFFFFC00, v39  }
0x42d: {  	v38 =	vadd.s32 v38, v49;
	v40 =	vand.u32 $0xFFFFFC00, v40;
	v44 =	vcvt.f32.s32 v50  }
0x42e: {  	v36 =	vor.u32 v60, v51;
	v39 =	vadd.s32 v20, v39;
	v40 =	vadd.s32 v20, v40  }
0x42f: {  	[tilespmem:s29+$0x60] =	vst v27;
	v50 =	vmul.f32 v12, v34;
	v51 =	vand.u32 $0x7F, v16;
	v36 =	vor.u32 v19, v36  }
0x430: {  	[tilespmem:s4+$0x50] =	vst v29;
	v39 =	vor.u32 v48, v39;
	v40 =	vor.u32 v43, v40;
	vm10 =	vlt.s32 v44, $0xFE  }
0x431: {  	[tilespmem:s7+$0x50] =	vst v31;
	v30 =	vor.u32 v51, v2;
	v39 =	vor.u32 v19, v39;
	v41 =	vnsel vm10, $0xFE, v44  }
0x432: {  	[tilespmem:s30+$0x60] =	vst v25;
	v62 =	vld [tilespmem:s0+$0xFFFFFFE0];
	v2 =	vcvt.s32.f32 v32;
	v40 =	vor.u32 v19, v40;
	v52 =	vshll.u32 v41, $0x3  }
0x433: {  	v60 =	vld [tilespmem:s31+$0xFFFFFFF0];
	v44 =	vadd.s32 $0x1, v41;
	v53 =	vadd.s32 $0x101, v41;
	v61 =	vand.u32 $0x7F, v41  }
0x434: {  	v38 =	vld.idx.msk [tilespmem:v38+s23+$0x0], $0xffff;
	v42 =	vand.u32 $0xFFFFFC00, v52;
	v54 =	vshll.u32 v44, $0x3;
	v55 =	vshll.u32 v53, $0x3  }
0x435: {  	v44 =	vand.u32 $0x7F, v44;
	v59 =	vand.u32 $0x7F, v53;
	v31 =	vor.u32 v61, v14;
	v36 =	vld.idx.msk [tilespmem:v36+s23+$0x0], $0xffff  }
0x436: {  	v56 =	vadd.s32 v17, v42;
	v48 =	vand.u32 $0xFFFFFC00, v54;
	v57 =	vand.u32 $0xFFFFFC00, v55;
	v39 =	vld.idx.msk [tilespmem:v39+s23+$0x0], $0xffff  }
0x437: {  	v31 =	vadd.s32 v42, v31;
	v58 =	vadd.s32 v17, v48;
	v63 =	vor.u32 v61, v56;
	v56 =	vld.idx.msk [tilespmem:v40+s23+$0x0], $0xffff  }
0x438: {  	v25 =	vadd.s32 v17, v57;
	v27 =	vor.u32 v44, v58;
	v47 =	vor.u32 v13, v63  }
0x439: {  	v29 =	vmul.f32 $1.821428530e+02, v62;
	v25 =	vor.u32 v59, v25;
	v27 =	vor.u32 v13, v27  }
0x43a: {  	v23 =	vadd.s32 v23, v30;
	v32 =	vsub.f32 v37, v2;
	v25 =	vor.u32 v13, v25  }
0x43b: {  	v29 =	vmax.f32 v29, $0.0e+00;
	v55 =	vor.u32 v18, v6;
	v6 =	vld.idx.msk [tilespmem:v28+s23+$0x0], $0xffff;
	v2 =	vsub.f32 v39, v36  }
0x43c: {  	v57 =	vmul.f32 $1.821428530e+02, v60;
	v63 =	vmin.f32 v29, $2.550000000e+02;
	v54 =	vld.idx.msk [tilespmem:v31+s23+$0x0], $0xffff;
	v61 =	vsub.f32 v56, v38  }
0x43d: {  	v48 =	vand.u32 $0xFFFFFC00, v45;
	v39 =	vtrunc.f32 v63;
	v52 =	vld.idx.msk [tilespmem:v47+s23+$0x0], $0xffff;
	v60 =	vmul.f32 v32, v2  }
0x43e: {  	v49 =	vadd.s32 v11, v48;
	v27 =	vld.idx.msk [tilespmem:v27+s23+$0x0], $0xffff;
	v28 =	vmul.f32 v32, v61;
	v32 =	vcvt.f32.s32 v39  }
0x43f: {  	v53 =	vor.u32 v51, v26;
	v58 =	vcvt.s32.f32 v41;
	v11 =	vor.u32 v46, v49;
	v25 =	vld.idx.msk [tilespmem:v25+s23+$0x0], $0xffff  }
0x440: {  	v18 =	vor.u32 v1, v53;
	v11 =	vor.u32 v10, v11;
	vm1 =	vlt.s32 v32, $0xFE  }
0x441: {  	v10 =	vadd.f32 v50, v33;
	v24 =	vsub.f32 v35, v58;
	v40 =	vnsel vm1, $0xFE, v32  }
0x442: {  	v62 =	vadd.f32 v60, v36;
	v42 =	vadd.s32 $0x1, v40;
	v43 =	vadd.s32 $0x101, v40  }
0x443: {  	v45 =	vshll.u32 v40, $0x3;
	v48 =	vand.u32 $0x7F, v40;
	v27 =	vsub.f32 v27, v52  }
0x444: {  	v25 =	vsub.f32 v25, v54;
	v44 =	vshll.u32 v42, $0x3;
	v46 =	vshll.u32 v43, $0x3  }
0x445: {  	v33 =	vand.u32 $0xFFFFFC00, v45;
	v30 =	vand.u32 $0x7F, v42;
	v31 =	vand.u32 $0x7F, v43  }
0x446: {  	v36 =	vor.u32 v48, v9;
	v32 =	vand.u32 $0xFFFFFC00, v44;
	v27 =	vmul.f32 v24, v27  }
0x447: {  	v34 =	vand.u32 $0xFFFFFC00, v46;
	v47 =	vadd.s32 v8, v33;
	v24 =	vmul.f32 v24, v25  }
0x448: {  	v33 =	vadd.s32 v33, v36;
	v32 =	vadd.s32 v8, v32;
	v27 =	vadd.f32 v27, v52  }
0x449: {  	v34 =	vadd.s32 v8, v34;
	v50 =	vor.u32 v48, v47;
	v26 =	vadd.f32 v24, v54  }
0x44a: {  	v30 =	vor.u32 v30, v32;
	v31 =	vor.u32 v31, v34;
	v34 =	vor.u32 v7, v50;
	[tilespmem:s5+$0x50] =	vst v27  }
0x44b: {  	v22 =	vld.idx.msk [tilespmem:v22+s23+$0x0], $0xffff;
	v30 =	vor.u32 v7, v30;
	[tilespmem:s22+$0x50] =	vst v26  }
0x44c: {  	v31 =	vor.u32 v7, v31;
	v26 =	vld [tilespmem:s11+$0xFFFFFFE0]  }
0x44d: {  	v18 =	vld.idx.msk [tilespmem:v18+s23+$0x0], $0xffff  }
0x44e: {  	v33 =	vld.idx.msk [tilespmem:v33+s23+$0x0], $0xffff  }
0x44f: {  	v34 =	vld.idx.msk [tilespmem:v34+s23+$0x0], $0xffff  }
0x450: {  	v59 =	vmax.f32 v57, $0.0e+00;
	v30 =	vld.idx.msk [tilespmem:v30+s23+$0x0], $0xffff  }
0x451: {  	v2 =	vmin.f32 v59, $2.550000000e+02;
	v28 =	vadd.f32 v28, v38;
	v31 =	vld.idx.msk [tilespmem:v31+s23+$0x0], $0xffff;
	v26 =	vmul.f32 $1.821428530e+02, v26  }
0x452: {  	v11 =	vld.idx.msk [tilespmem:v11+s23+$0x0], $0xffff;
	v37 =	vtrunc.f32 v2;
	[tilespmem:s1+$0x60] =	vst v62  }
0x453: {  	v29 =	vcvt.f32.s32 v37;
	[tilespmem:s2+$0x60] =	vst v28;
	v27 =	vcvt.s32.f32 v40;
	v26 =	vmax.f32 v26, $0.0e+00  }
0x454: {  	v22 =	vsub.f32 v22, v18;
	v41 =	vld [tilespmem:s11+$0x70];
	v24 =	vor.u32 v1, v55;
	v26 =	vmin.f32 v26, $2.550000000e+02  }
0x455: {  	v25 =	vsub.f32 v63, v27;
	v30 =	vsub.f32 v30, v34;
	v49 =	vtrunc.f32 v26  }
0x456: {  	v1 =	vcvt.s32.f32 v16;
	v31 =	vsub.f32 v31, v33;
	v32 =	vcvt.f32.s32 v49  }
0x457: {  	vm11 =	vlt.s32 v29, $0xFE;
	v16 =	vsub.f32 v11, v6;
	v30 =	vmul.f32 v25, v30  }
0x458: {  	v1 =	vsub.f32 v15, v1;
	v25 =	vmul.f32 v25, v31;
	vm12 =	vlt.s32 v32, $0xFE  }
0x459: {  	v15 =	vmul.f32 $1.821428530e+02, v41;
	v30 =	vadd.f32 v30, v34;
	v32 =	vnsel vm12, $0xFE, v32  }
0x45a: {  	v25 =	vadd.f32 v25, v33;
	v53 =	vadd.s32 $0x1, v32;
	v54 =	vadd.s32 $0x101, v32  }
0x45b: {  	v57 =	vshll.u32 v32, $0x3;
	v59 =	vand.u32 $0x7F, v32;
	v55 =	vshll.u32 v53, $0x3  }
0x45c: {  	v56 =	vshll.u32 v54, $0x3;
	v41 =	vand.u32 $0xFFFFFC00, v57;
	v37 =	vand.u32 $0x7F, v53  }
0x45d: {  	v38 =	vand.u32 $0x7F, v54;
	v39 =	vand.u32 $0xFFFFFC00, v55;
	v58 =	vadd.s32 v17, v41  }
0x45e: {  	v40 =	vand.u32 $0xFFFFFC00, v56;
	v39 =	vadd.s32 v17, v39;
	v60 =	vor.u32 v59, v58  }
0x45f: {  	v40 =	vadd.s32 v17, v40;
	v37 =	vor.u32 v37, v39;
	v27 =	vor.u32 v13, v60  }
0x460: {  	v11 =	vnsel vm11, $0xFE, v29;
	[tilespmem:s4+$0x60] =	vst v30;
	v38 =	vor.u32 v38, v40;
	v37 =	vor.u32 v13, v37  }
0x461: {  	v28 =	vadd.s32 $0x1, v11;
	[tilespmem:s7+$0x60] =	vst v25;
	v39 =	vor.u32 v59, v14;
	v38 =	vor.u32 v13, v38  }
0x462: {  	v29 =	vadd.s32 $0x101, v11;
	v62 =	vshll.u32 v11, $0x3;
	v54 =	vld [tilespmem:s0+$0xFFFFFFF0];
	v39 =	vadd.s32 v41, v39  }
0x463: {  	v51 =	vshll.u32 v28, $0x3;
	v52 =	vshll.u32 v29, $0x3;
	v44 =	vand.u32 $0xFFFFFC00, v62  }
0x464: {  	v28 =	vand.u32 $0x7F, v28;
	v29 =	vand.u32 $0x7F, v29;
	v12 =	vmul.f32 v12, v16;
	v27 =	vld.idx.msk [tilespmem:v27+s23+$0x0], $0xffff  }
0x465: {  	v35 =	vand.u32 $0xFFFFFC00, v51;
	v36 =	vand.u32 $0xFFFFFC00, v52;
	v15 =	vmax.f32 v15, $0.0e+00;
	v63 =	vld.idx.msk [tilespmem:v37+s23+$0x0], $0xffff  }
0x466: {  	v46 =	vadd.s32 v4, v44;
	v35 =	vadd.s32 v4, v35;
	v15 =	vmin.f32 v15, $2.550000000e+02;
	v45 =	vld.idx.msk [tilespmem:v38+s23+$0x0], $0xffff  }
0x467: {  	v47 =	vadd.s32 v4, v36;
	v61 =	vtrunc.f32 v15;
	v41 =	vmul.f32 $1.821428530e+02, v54;
	v49 =	vld.idx.msk [tilespmem:v39+s23+$0x0], $0xffff  }
0x468: {  	v28 =	vor.u32 v28, v35;
	v32 =	vcvt.s32.f32 v32;
	v40 =	vcvt.f32.s32 v61  }
0x469: {  	v4 =	vor.u32 v29, v47;
	v28 =	vor.u32 v3, v28;
	v60 =	vmax.f32 v41, $0.0e+00  }
0x46a: {  	v26 =	vsub.f32 v26, v32;
	vm13 =	vlt.s32 v40, $0xFE;
	v30 =	vmin.f32 v60, $2.550000000e+02  }
0x46b: {  	v38 =	vnsel vm13, $0xFE, v40;
	v62 =	vtrunc.f32 v30;
	v31 =	vsub.f32 v63, v27  }
0x46c: {  	v48 =	vadd.s32 $0x101, v38;
	v50 =	vand.u32 $0x7F, v38;
	v34 =	vsub.f32 v45, v49  }
0x46d: {  	v52 =	vshll.u32 v38, $0x3;
	v56 =	vadd.s32 $0x1, v38;
	v31 =	vmul.f32 v26, v31  }
0x46e: {  	v39 =	vcvt.f32.s32 v62;
	v51 =	vshll.u32 v48, $0x3;
	v26 =	vmul.f32 v26, v34  }
0x46f: {  	v53 =	vor.u32 v50, v21;
	v25 =	vand.u32 $0xFFFFFC00, v52;
	v27 =	vadd.f32 v31, v27  }
0x470: {  	v36 =	vand.u32 $0x7F, v48;
	v57 =	vshll.u32 v56, $0x3;
	v26 =	vadd.f32 v26, v49  }
0x471: {  	v58 =	vand.u32 $0x7F, v56;
	v40 =	vand.u32 $0xFFFFFC00, v51;
	v21 =	vadd.s32 v25, v53;
	[tilespmem:s5+$0x60] =	vst v27  }
0x472: {  	v25 =	vadd.s32 v20, v25;
	v59 =	vand.u32 $0xFFFFFC00, v57;
	v40 =	vadd.s32 v20, v40;
	[tilespmem:s22+$0x60] =	vst v26  }
0x473: {  	vm14 =	vlt.s32 v39, $0xFE;
	v25 =	vor.u32 v50, v25;
	v55 =	vor.u32 v36, v40;
	v40 =	vld [tilespmem:s11+$0xFFFFFFF0]  }
0x474: {  	v61 =	vadd.s32 v20, v59;
	v25 =	vor.u32 v19, v25;
	v36 =	vand.u32 $0x7F, v11  }
0x475: {  	v20 =	vor.u32 v58, v61;
	v32 =	vor.u32 v19, v55;
	v41 =	vor.u32 v36, v46  }
0x476: {  	v63 =	vor.u32 v19, v20;
	v42 =	vor.u32 v36, v5;
	v43 =	vor.u32 v3, v41  }
0x477: {  	v3 =	vor.u32 v3, v4;
	v44 =	vadd.s32 v44, v42;
	v26 =	vnsel vm14, $0xFE, v39  }
0x478: {  	v45 =	vadd.s32 $0x1, v26;
	v46 =	vadd.s32 $0x101, v26;
	v27 =	vmul.f32 $1.821428530e+02, v40  }
0x479: {  	v49 =	vshll.u32 v26, $0x3;
	v53 =	vand.u32 $0x7F, v26;
	v47 =	vshll.u32 v45, $0x3  }
0x47a: {  	v48 =	vshll.u32 v46, $0x3;
	v34 =	vand.u32 $0xFFFFFC00, v49;
	v27 =	vmax.f32 v27, $0.0e+00  }
0x47b: {  	v5 =	vand.u32 $0x7F, v45;
	v29 =	vand.u32 $0x7F, v46;
	v27 =	vmin.f32 v27, $2.550000000e+02  }
0x47c: {  	v55 =	vor.u32 v53, v9;
	v33 =	vand.u32 $0xFFFFFC00, v48;
	v52 =	vtrunc.f32 v27  }
0x47d: {  	v23 =	vld.idx.msk [tilespmem:v23+s23+$0x0], $0xffff;
	v31 =	vand.u32 $0xFFFFFC00, v47;
	v51 =	vadd.s32 v8, v33;
	v33 =	vcvt.f32.s32 v52  }
0x47e: {  	v24 =	vld.idx.msk [tilespmem:v24+s23+$0x0], $0xffff;
	v50 =	vadd.s32 v8, v34;
	v9 =	vadd.s32 v34, v55;
	v31 =	vadd.s32 v8, v31  }
0x47f: {  	v28 =	vld.idx.msk [tilespmem:v28+s23+$0x0], $0xffff;
	v54 =	vor.u32 v53, v50;
	v8 =	vor.u32 v29, v51;
	vm15 =	vlt.s32 v33, $0xFE  }
0x480: {  	v21 =	vld.idx.msk [tilespmem:v21+s23+$0x0], $0xffff;
	v5 =	vor.u32 v5, v31;
	v58 =	vor.u32 v7, v8;
	v8 =	vnsel vm15, $0xFE, v33  }
0x481: {  	v25 =	vld.idx.msk [tilespmem:v25+s23+$0x0], $0xffff;
	v56 =	vor.u32 v7, v54;
	v5 =	vor.u32 v7, v5;
	v59 =	vadd.s32 $0x1, v8  }
0x482: {  	v57 =	vld.idx.msk [tilespmem:v32+s23+$0x0], $0xffff;
	v33 =	vadd.s32 $0x101, v8;
	v62 =	vshll.u32 v8, $0x3;
	v41 =	vand.u32 $0x7F, v8  }
0x483: {  	v19 =	vld.idx.msk [tilespmem:v63+s23+$0x0], $0xffff;
	v60 =	vshll.u32 v59, $0x3;
	v61 =	vshll.u32 v33, $0x3;
	v36 =	vand.u32 $0xFFFFFC00, v62  }
0x484: {  	v4 =	vld.idx.msk [tilespmem:v44+s23+$0x0], $0xffff;
	v32 =	vand.u32 $0x7F, v59;
	v33 =	vand.u32 $0x7F, v33;
	v44 =	vor.u32 v41, v14  }
0x485: {  	v3 =	vld.idx.msk [tilespmem:v3+s23+$0x0], $0xffff;
	v34 =	vand.u32 $0xFFFFFC00, v60;
	v35 =	vand.u32 $0xFFFFFC00, v61;
	v63 =	vadd.s32 v17, v36  }
0x486: {  	v20 =	vld.idx.msk [tilespmem:v43+s23+$0x0], $0xffff;
	v14 =	vadd.s32 v36, v44;
	v34 =	vadd.s32 v17, v34;
	v42 =	vor.u32 v41, v63  }
0x487: {  	v9 =	vld.idx.msk [tilespmem:v9+s23+$0x0], $0xffff;
	v40 =	vadd.s32 v17, v35;
	v32 =	vor.u32 v32, v34;
	v45 =	vor.u32 v13, v42  }
0x488: {  	v43 =	vcvt.s32.f32 v38;
	v47 =	vld.idx.msk [tilespmem:v56+s23+$0x0], $0xffff;
	v17 =	vor.u32 v33, v40;
	v32 =	vor.u32 v13, v32  }
0x489: {  	v22 =	vmul.f32 v1, v22;
	v6 =	vadd.f32 v12, v6;
	v5 =	vld.idx.msk [tilespmem:v5+s23+$0x0], $0xffff;
	v17 =	vor.u32 v13, v17  }
0x48a: {  	v11 =	vcvt.s32.f32 v11;
	v46 =	vsub.f32 v24, v23;
	v15 =	vsub.f32 v15, v43;
	v7 =	vld.idx.msk [tilespmem:v58+s23+$0x0], $0xffff  }
0x48b: {  	v48 =	vsub.f32 v57, v21;
	v49 =	vsub.f32 v19, v25;
	v14 =	vld.idx.msk [tilespmem:v14+s23+$0x0], $0xffff  }
0x48c: {  	v2 =	vsub.f32 v2, v11;
	v1 =	vmul.f32 v1, v46;
	v51 =	vadd.f32 v22, v18;
	v13 =	vld.idx.msk [tilespmem:v45+s23+$0x0], $0xffff  }
0x48d: {  	v54 =	vsub.f32 v28, v20;
	v53 =	vmul.f32 v15, v49;
	v52 =	vmul.f32 v15, v48;
	v50 =	vld.idx.msk [tilespmem:v32+s23+$0x0], $0xffff  }
0x48e: {  	[tilespmem:s10+$0x70] =	vst v10;
	v3 =	vsub.f32 v3, v4;
	v1 =	vadd.f32 v1, v23;
	v56 =	vcvt.s32.f32 v26;
	v17 =	vld.idx.msk [tilespmem:v17+s23+$0x0], $0xffff  }
0x48f: {  	[tilespmem:s3+$0x70] =	vst v6;
	v57 =	vadd.f32 v53, v25;
	v58 =	vmul.f32 v2, v54;
	v55 =	vadd.f32 v52, v21  }
0x490: {  	[tilespmem:s28+$0x70] =	vst v51;
	v8 =	vcvt.s32.f32 v8;
	v59 =	vsub.f32 v30, v56;
	v5 =	vsub.f32 v5, v47  }
0x491: {  	[tilespmem:s26+$0x70] =	vst v1;
	v1 =	vmul.f32 v2, v3;
	v2 =	vadd.f32 v58, v20;
	v3 =	vsub.f32 v7, v9  }
0x492: {  	[tilespmem:s2+$0x70] =	vst v55;
	v60 =	vsub.f32 v27, v8;
	v5 =	vmul.f32 v59, v5;
	v61 =	vsub.f32 v50, v13  }
0x493: {  	v1 =	vadd.f32 v1, v4;
	[tilespmem:s29+$0x70] =	vst v2;
	v3 =	vmul.f32 v59, v3;
	v62 =	vsub.f32 v17, v14  }
0x494: {  	[tilespmem:s1+$0x70] =	vst v57;
	v2 =	vadd.f32 v5, v47;
	v63 =	vmul.f32 v60, v61  }
0x495: {  	[tilespmem:s30+$0x70] =	vst v1;
	v1 =	vadd.f32 v3, v9;
	v3 =	vmul.f32 v60, v62  }
0x496: {  	[tilespmem:s4+$0x70] =	vst v2;
	v2 =	vadd.f32 v63, v13  }
0x497: {  	[tilespmem:s7+$0x70] =	vst v1;
	v1 =	vadd.f32 v3, v14  }
0x498: {  	[tilespmem:s5+$0x70] =	vst v2  }
0x499: {  	p1 =	por $0x1, $0x1;
	[tilespmem:s22+$0x70] =	vst v1  }
.LBB2_5:
0x49a: {  	v1 =	vor.u32 s25, v0;
	v2 =	vand.u32 $0x7, v0  }
0x49b: {  	v1 =	vshrl.u32 v1, $0x3;
	v2 =	vmul.u32 $0x80, v2  }
0x49c: {  	v3 =	vmul.u32 $0x1400, v1  }
0x49d: {  	v4 =	vor.u32 $0x1000, v2  }
0x49e: {  	v4 =	vadd.s32 v4, v3;
	_ =	sdelay $0x2  }
0x49f: {  	v1 =	vmul.u32 $0xC00, v1  }
0x4a0: {  	v5 =	vor.u32 $0x800, v2  }
0x4a1: {  	v6 =	vor.u32 $0x1001, v2;
	v5 =	vadd.s32 v5, v1;
	v4 =	vld.idx.msk [tilespmem:v4+s23+$0x0], $0xffff  }
0x4a2: {  	v6 =	vadd.s32 v6, v3;
	_ =	sdelay $0x3  }
0x4a3: {  	v60 =	vor.u32 $0x801, v2;
	[tilespmem:v5+s24+$0x0] =	vst.idx.msk $0xffff, v4  }
0x4a4: {  	v61 =	vor.u32 $0x1002, v2;
	v4 =	vadd.s32 v60, v1;
	v5 =	vld.idx.msk [tilespmem:v6+s23+$0x0], $0xffff  }
0x4a5: {  	v6 =	vadd.s32 v61, v3;
	_ =	sdelay $0x3  }
0x4a6: {  	v62 =	vor.u32 $0x802, v2;
	[tilespmem:v4+s24+$0x0] =	vst.idx.msk $0xffff, v5  }
0x4a7: {  	v63 =	vor.u32 $0x1003, v2;
	v4 =	vadd.s32 v62, v1;
	v5 =	vld.idx.msk [tilespmem:v6+s23+$0x0], $0xffff  }
0x4a8: {  	v3 =	vadd.s32 v63, v3;
	_ =	sdelay $0x3  }
0x4a9: {  	v2 =	vor.u32 $0x803, v2;
	[tilespmem:v4+s24+$0x0] =	vst.idx.msk $0xffff, v5  }
0x4aa: {  	p2 =	por p1, p1;
	v1 =	vadd.s32 v2, v1;
	v3 =	vld.idx.msk [tilespmem:v3+s23+$0x0], $0xffff  }
.Ltmp1:
0x4ab: {  	_ = 	snop;
	(pc) =	sbr.rel @p2 .LBB2_5-.Ltmp1, $2  }
0x4ac: {  	_ =	sdelay $0x2  }
0x4ad: {  	s25 =	simm.s32 $0x10;
	p1 =	por $0x0, $0x0;
	[tilespmem:v1+s24+$0x0] =	vst.idx.msk $0xffff, v3  }
0x4ae: {  	p1 =	sne.s32 s21, s20  }
0x4af: {  	_ =	strace $0x9000004D;
	p0 =	por p0, p1  }
0x4b0: {  	s0 =	rddreg [dreg:$0xc];
	_ =	strace @p0 $0x8000004E  }
0x4b1: {  	s0 =	smul.u32 @p0 $0x600, s0;
	s1 =	rddreg [dreg:$0xb]  }
0x4b2: {  	p1 =	seq.s32 s19, $0x0;
	s2 =	rddreg [dreg:$0x2]  }
0x4b3: {  	s1 =	sadd.s32 @p0 $0x5, s1;
	s0 =	sadd.s32 @p0 s2, s0;
	s2 =	simm.s32 @p0 $0x0  }
0x4b4: {  	[hbm4b:s0+s2] =	stream.linear.scatter @p0 [tilespmem:s24], [sflag:s1], $0x3000, $0x200038;
	[tilespmem:$0x12000] =	vst v63  }
0x4b5: {  	s0 =	sand.u32 @!p1 $0x1, s13;
	_ =	strace @p0 $0x9000004E  }
0x4b6: {  	s0 =	sadd.s32 @!p1 $0x5, s0;
	_ =	strace @!p1 $0x8000004F  }
0x4b7: {  	s1 =	simm.s32 $0x1;
	_ =	swait.ge @!p1 [sflag:s0], $0x3000  }
0x4b8: {  	s1 =	simm.s32 @!p0 $0x0;
	p0 =	sne.s32 s19, $0x0;
	[sflag:s0] =	ssyncset.done @!p1 $0x0  }
0x4b9: {  	s19 =	sadd.s32 $0x1, s19;
	[sflag:s0] =	ssyncadd.s32 @!p1 $0xFFFFD000;
	s0 =	simm.s32 $0x1  }
0x4ba: {  	s0 =	simm.s32 @!p0 $0x0;
	p0 =	sne.s32 s19, $0x8  }
.Ltmp2:
0x4bb: {  	_ = 	snop;
	(pc) =	sbr.rel @p0 .LBB2_2-.Ltmp2, $4  }
0x4bc: {  	_ = 	snop  }
0x4bd: {  	s16 =	sadd.s32 s16, s8;
	s21 =	smov.u32 s20  }
0x4be: {  	s14 =	sadd.s32 s1, s14;
	s17 =	sadd.s32 s1, s17;
	_ =	strace @!p1 $0x9000004F  }
0x4bf: {  	s15 =	sadd.s32 s1, s15;
	s13 =	sadd.s32 s0, s13;
	s22 =	rddreg [dreg:$0xa]  }
0x4c0: {  	_ =	strace $0x80000050;
	s0 =	simm.s32 $0x6  }
0x4c1: {  	_ =	swait.ge [sflag:s0], $0x3000  }
0x4c2: {  	s1 =	rddreg [dreg:$0x9]  }
0x4c3: {  	s31 =	rddreg [dreg:$0x8];
	s1 =	sadd.s32 $0x1, s1  }
0x4c4: {  	p0 =	sne.s32 s1, s31  }
.Ltmp3:
0x4c5: {  	_ = 	snop;
	(pc) =	sbr.rel @p0 .LBB2_1-.Ltmp3, $4  }
0x4c6: {  	_ = 	snop  }
0x4c7: {  	[sflag:s0] =	ssyncset.done $0x0  }
0x4c8: {  	[sflag:s0] =	ssyncadd.s32 $0xFFFFD000  }
0x4c9: {  	_ =	strace $0x90000050  }
0x4ca: {  	_ =	sfence.sel $0x180000  }
0x4cb: {  	[bflag:$0x0] =	sbarrier.arrive $0xFFFF  }
0x4cc: {  	_ =	strace $0x90000047  }
0x4cd: {  	s0 =	stileid.u32;
	[bflag:$0x2] =	sbarrier.arrive $0xFFFF  }
0x4ce: {  	p0 =	sne.s32 s0, $0x0;
	s0 =	rddreg [dreg:$0x3]  }
0x4cf: {  	s0 =	sadd.s32 @!p0 $0x100000, s0  }
0x4d0: {  	[sflag:s0] =	ssyncadd.tile.s32 @!p0 $0x1;
	_ =	shalt  }
.Lfunc_end2:
_tile_overlayer_lowered:
.L_overlay_start_2:
0x4d1: {  	(tag) =	ssettag $0x2  }
0x4d2: {  	s0 =	rddreg [dreg:$0x0];
	s2 =	stileid.u32  }
0x4d3: {  	s1 =	rddreg [dreg:$0x1];
	p0 =	sne.s32 s2, $0x0  }
0x4d4: {  	s3 =	rddreg [dreg:$0x2];
	[bflag:$0x3] =	sbarrier.arrive $0xFFFF;
	s2 =	simm.s32 @!p0 $0x1C01  }
0x4d5: {  	[timem:s3], [sflag:s2] =	dma.local @!p0 [hbm:s0], s1  }
0x4d6: {  	s0 =	simm.s32 @!p0 $0x1  }
0x4d7: {  	_ =	swait.ge @!p0 [sflag:s0], s1  }
0x4d8: {  	s1 =	ssub.s32 @!p0 $0x0, s1;
	[sflag:s0] =	ssyncset.done @!p0 $0x0  }
0x4d9: {  	[sflag:s0] =	ssyncadd.s32 @!p0 s1  }
0x4da: {  	[bflag:$0x3] =	sbarrier.arrive $0xFFFF  }
0x4db: {  	_ =	shalt  }

</sc_bundles>
